<compile_context>
chip_gen: v7x
topology: tpu7x:2x2x1
jax: 0.10.2.dev20260603
libtpu: 0.0.44.dev20260713+nightly
codegen_flags: <defaults>
</compile_context>

<pallas_src>
import functools

import jax
import jax.numpy as jnp
from jax import lax
from jax.experimental import pallas as pl
from jax.experimental.pallas import tpu as pltpu
from jax.experimental.pallas import tpu_sc as plsc

V = 1000
D = 1000
DP = 1024
NW = 32
CH = 32
RB = 1600
T_LEN = 50


def _lse_body(tab_ref, out_ref):
    x = tab_ref[...]
    m = jnp.max(x, axis=1, keepdims=True)
    s = jnp.sum(jnp.exp(x - m), axis=1, keepdims=True)
    out_ref[...] = m + jnp.log(s)


def _sc_body(table_p, lse_p, fidx, ftgt, out, partial,
             idx_v, tgt_v, lse_v, rows0_v, rows1_v, acc_v,
             gs0, gs1, ws0, ws1):
    wid = lax.axis_index("s") * 2 + lax.axis_index("c")
    nrows = out.shape[0] // NW
    nch = nrows // CH
    base = wid * nrows
    iota = lax.iota(jnp.int32, 16)
    pltpu.sync_copy(lse_p, lse_v)
    pltpu.sync_copy(fidx.at[pl.ds(base, nrows)], idx_v)
    pltpu.sync_copy(ftgt.at[pl.ds(base, nrows)], tgt_v)

    bufs = (rows0_v, rows1_v)
    gsems = (gs0, gs1)
    wsems = (ws0, ws1)

    def start_gather(c, b):
        isl = idx_v.at[pl.ds(pl.multiple_of(c * CH, 8), CH)]
        pltpu.async_copy(table_p.at[isl], bufs[b], gsems[b])

    def start_write(c, b):
        pltpu.async_copy(bufs[b], out.at[pl.ds(base + c * CH, CH)],
                         wsems[b])

    def wait_write(c, b):
        pltpu.make_async_copy(bufs[b], out.at[pl.ds(base, CH)],
                              wsems[b]).wait()

    def wait_gather(b):
        pltpu.make_async_copy(table_p.at[pl.ds(0, CH)], bufs[b],
                              gsems[b]).wait()

    def loss_math(c, b, acc):
        zero = jnp.zeros((16,), jnp.float32)
        regs = []
        for j in range(CH // 16):
            o = pl.multiple_of(c * CH + 16 * j, 16)
            regs.append((idx_v[pl.ds(o, 16)], tgt_v[pl.ds(o, 16)]))
        for r in range(CH):
            j, k = divmod(r, 16)
            ii = regs[j][0][k]
            tg = regs[j][1][k]
            lvec = lse_v[pl.ds(pl.multiple_of((ii >> 4) << 4, 16), 16)]
            tvec = bufs[b][r, pl.ds(pl.multiple_of((tg >> 4) << 4, 16), 16)]
            acc = (acc
                   + jnp.where(iota == (ii & 15), lvec, zero)
                   - jnp.where(iota == (tg & 15), tvec, zero))
        return acc

    start_gather(0, 0)

    def pair(m, acc):
        c0 = 2 * m
        c1 = c0 + 1
        @pl.when(m > 0)
        def _():
            wait_write(c0 - 1, 1)
        start_gather(c1, 1)
        wait_gather(0)
        start_write(c0, 0)
        acc = loss_math(c0, 0, acc)
        wait_write(c0, 0)

        @pl.when(c1 + 1 < nch)
        def _():
            start_gather(c1 + 1, 0)
        wait_gather(1)
        start_write(c1, 1)
        return loss_math(c1, 1, acc)

    acc = lax.fori_loop(0, nch // 2, pair, jnp.zeros((16,), jnp.float32))
    wait_write(nch - 1, 1)
    acc_v[...] = acc
    pltpu.sync_copy(acc_v, partial.at[wid])


def _finish_body(in_ref, out_ref):
    out_ref[...] = in_ref[:, pl.ds(0, D)].reshape(RB // T_LEN, T_LEN, D)


def kernel(input_idx, target, embedding_table):
    B, T = input_idx.shape
    N = B * T
    fidx = input_idx.reshape(N)
    ftgt = target.reshape(N)
    table_p = jnp.pad(embedding_table, ((0, 0), (0, DP - D)))
    lse = pl.pallas_call(
        _lse_body,
        out_shape=jax.ShapeDtypeStruct((V, 1), jnp.float32),
    )(embedding_table).reshape(V)
    lse_p = jnp.pad(lse, (0, DP - V))

    mesh = plsc.VectorSubcoreMesh(core_axis_name="c", subcore_axis_name="s")
    sc = pl.kernel(
        _sc_body,
        out_type=[jax.ShapeDtypeStruct((N, DP), jnp.float32),
                  jax.ShapeDtypeStruct((NW, 16), jnp.float32)],
        mesh=mesh,
        scratch_types=[
            pltpu.VMEM((N // NW,), jnp.int32),
            pltpu.VMEM((N // NW,), jnp.int32),
            pltpu.VMEM((DP,), jnp.float32),
            pltpu.VMEM((CH, DP), jnp.float32),
            pltpu.VMEM((CH, DP), jnp.float32),
            pltpu.VMEM((16,), jnp.float32),
            pltpu.SemaphoreType.DMA,
            pltpu.SemaphoreType.DMA,
            pltpu.SemaphoreType.DMA,
            pltpu.SemaphoreType.DMA,
        ],
    )
    padded, partial = sc(table_p, lse_p, fidx, ftgt)

    nb = N // RB
    logits = pl.pallas_call(
        _finish_body,
        grid=(nb,),
        in_specs=[pl.BlockSpec((RB, DP), lambda i: (i, 0))],
        out_specs=pl.BlockSpec((RB // T_LEN, T_LEN, D), lambda i: (i, 0, 0)),
        out_shape=jax.ShapeDtypeStruct((B, T, D), jnp.float32),
    )(padded)
    loss = jnp.sum(partial) / jnp.float32(N)
    return logits, loss

# --- scband reference (transcript-rebuilt; emitter-appended) ---
"""Pipeline reference for scband-bigram-model-33938831573272 (READ-ONLY COPY).

The authoritative reference and input builder live on the scoring server;
editing this copy changes nothing except your own understanding.
"""

import jax, jax.numpy as jnp
import numpy as np


def setup_inputs(seed: int = 0) -> dict:
    key = jax.random.key(seed)
    k1, k2, k3 = jax.random.split(key, 3)
    input_idx = jax.random.randint(k1, (1024, 50), 0, 1000).astype(jnp.int32)
    target = jax.random.randint(k2, (1024, 50), 0, 1000).astype(jnp.int32)
    # nn.Embedding(vocab_size, vocab_size) weight, N(0,1) init like torch default
    embedding_table = jax.random.normal(k3, (1000, 1000), dtype=jnp.float32)
    return {"input_idx": input_idx, "target": target, "embedding_table": embedding_table}


def reference(input_idx, target, embedding_table):
    # logits = self.embedding_table(input_idx)
    logits = jnp.take(embedding_table, input_idx, axis=0)  # [B, T, C]
    B, T, C = logits.shape
    logits_flat = logits.reshape(B * T, C)
    target_flat = target.reshape(B * T)
    # nn.functional.cross_entropy(logits_flat, target_flat), mean reduction
    logp = jax.nn.log_softmax(logits_flat, axis=-1)
    nll = -jnp.take_along_axis(logp, target_flat[:, None], axis=1)[:, 0]
    loss = jnp.mean(nll)
    return (logits, loss)

if __name__ == "__main__":
    import jax
    _d = setup_inputs()
    print(jax.jit(kernel)(*tuple(_d.values())))

</pallas_src>

<mosaic_0001>
#map = affine_map<(d0, d1) -> (0, 0)>
#map1 = affine_map<(d0, d1) -> (0)>
module attributes {stable_mosaic.version = 14 : i64} {
  func.func @_sc_body(%arg0: i32, %arg1: i32, %arg2: memref<1000x1024xf32, #tpu.memory_space<hbm>>, %arg3: memref<1024xf32, #tpu.memory_space<hbm>>, %arg4: memref<51200xi32, #tpu.memory_space<hbm>>, %arg5: memref<51200xi32, #tpu.memory_space<hbm>>, %arg6: memref<51200x1024xf32, #tpu.memory_space<hbm>>, %arg7: memref<32x16xf32, #tpu.memory_space<hbm>>, %arg8: memref<1600xi32, #tpu.memory_space<vmem>>, %arg9: memref<1600xi32, #tpu.memory_space<vmem>>, %arg10: memref<1024xf32, #tpu.memory_space<vmem>>, %arg11: memref<32x1024xf32, #tpu.memory_space<vmem>>, %arg12: memref<32x1024xf32, #tpu.memory_space<vmem>>, %arg13: memref<16xf32, #tpu.memory_space<vmem>>, %arg14: memref<!tpu.dma_semaphore, #tpu.memory_space<semaphore_mem>>, %arg15: memref<!tpu.dma_semaphore, #tpu.memory_space<semaphore_mem>>, %arg16: memref<!tpu.dma_semaphore, #tpu.memory_space<semaphore_mem>>, %arg17: memref<!tpu.dma_semaphore, #tpu.memory_space<semaphore_mem>>) attributes {dimension_semantics = [#tpu.dimension_semantics<core_parallel>, #tpu.dimension_semantics<subcore_parallel>], iteration_bounds = array<i64: 2, 16>, scalar_prefetch = 0 : i64, scratch_operands = 10 : i64, tpu.core_type = #tpu.core_type<sc_vector_subcore>, window_params = [{transform_indices = #map}, {transform_indices = #map1}, {transform_indices = #map1}, {transform_indices = #map1}, {transform_indices = #map}, {transform_indices = #map}]} {
    %mul3A = arith.constant 2 : i32
    %mul3A_0 = arith.muli %arg1, %mul3A : i32
    %add3A = arith.addi %mul3A_0, %arg0 : i32
    %mul3A_1 = arith.constant 1600 : i32
    %mul3A_2 = arith.muli %add3A, %mul3A_1 : i32
    %iota3A = tpu.iota {dimensions = array<i32: 0>} : vector<16xi32>
    "tpu.region"() ({
      %run_scoped3A = tpu.sem_alloc : memref<!tpu.dma_semaphore, #tpu.memory_space<semaphore_mem>>
      tpu.enqueue_dma source(%arg3 : memref<1024xf32, #tpu.memory_space<hbm>>) target(%arg10 : memref<1024xf32, #tpu.memory_space<vmem>>) target_semaphore(%run_scoped3A : memref<!tpu.dma_semaphore, #tpu.memory_space<semaphore_mem>>)
      tpu.wait_dma2 semaphore(%run_scoped3A : memref<!tpu.dma_semaphore, #tpu.memory_space<semaphore_mem>>) src(%arg3 : memref<1024xf32, #tpu.memory_space<hbm>>) dst(%arg10 : memref<1024xf32, #tpu.memory_space<vmem>>)
      tpu.yield
    }) : () -> ()
    "tpu.region"() ({
      %run_scoped3A = tpu.sem_alloc : memref<!tpu.dma_semaphore, #tpu.memory_space<semaphore_mem>>
      %dma_start3A_19 = tpu.memref_slice %arg4[%mul3A_2] : memref<51200xi32, #tpu.memory_space<hbm>> -> memref<1600xi32, #tpu.memory_space<hbm>>
      %dma_start3A_20 = tpu.memref_slice %arg4[%mul3A_2] : memref<51200xi32, #tpu.memory_space<hbm>> -> memref<1600xi32, #tpu.memory_space<hbm>>
      tpu.enqueue_dma source(%dma_start3A_20 : memref<1600xi32, #tpu.memory_space<hbm>>) target(%arg8 : memref<1600xi32, #tpu.memory_space<vmem>>) target_semaphore(%run_scoped3A : memref<!tpu.dma_semaphore, #tpu.memory_space<semaphore_mem>>)
      %dma_wait3A_21 = tpu.memref_slice %arg4[%mul3A_2] : memref<51200xi32, #tpu.memory_space<hbm>> -> memref<1600xi32, #tpu.memory_space<hbm>>
      %dma_wait3A_22 = tpu.memref_slice %arg4[%mul3A_2] : memref<51200xi32, #tpu.memory_space<hbm>> -> memref<1600xi32, #tpu.memory_space<hbm>>
      tpu.wait_dma2 semaphore(%run_scoped3A : memref<!tpu.dma_semaphore, #tpu.memory_space<semaphore_mem>>) src(%dma_wait3A_22 : memref<1600xi32, #tpu.memory_space<hbm>>) dst(%arg8 : memref<1600xi32, #tpu.memory_space<vmem>>)
      tpu.yield
    }) : () -> ()
    "tpu.region"() ({
      %run_scoped3A = tpu.sem_alloc : memref<!tpu.dma_semaphore, #tpu.memory_space<semaphore_mem>>
      %dma_start3A_19 = tpu.memref_slice %arg5[%mul3A_2] : memref<51200xi32, #tpu.memory_space<hbm>> -> memref<1600xi32, #tpu.memory_space<hbm>>
      %dma_start3A_20 = tpu.memref_slice %arg5[%mul3A_2] : memref<51200xi32, #tpu.memory_space<hbm>> -> memref<1600xi32, #tpu.memory_space<hbm>>
      tpu.enqueue_dma source(%dma_start3A_20 : memref<1600xi32, #tpu.memory_space<hbm>>) target(%arg9 : memref<1600xi32, #tpu.memory_space<vmem>>) target_semaphore(%run_scoped3A : memref<!tpu.dma_semaphore, #tpu.memory_space<semaphore_mem>>)
      %dma_wait3A_21 = tpu.memref_slice %arg5[%mul3A_2] : memref<51200xi32, #tpu.memory_space<hbm>> -> memref<1600xi32, #tpu.memory_space<hbm>>
      %dma_wait3A_22 = tpu.memref_slice %arg5[%mul3A_2] : memref<51200xi32, #tpu.memory_space<hbm>> -> memref<1600xi32, #tpu.memory_space<hbm>>
      tpu.wait_dma2 semaphore(%run_scoped3A : memref<!tpu.dma_semaphore, #tpu.memory_space<semaphore_mem>>) src(%dma_wait3A_22 : memref<1600xi32, #tpu.memory_space<hbm>>) dst(%arg9 : memref<1600xi32, #tpu.memory_space<vmem>>)
      tpu.yield
    }) : () -> ()
    %multiple_of3A = arith.constant 0 : i32
    %multiple_of3A_3 = tpu.assume_multiple %multiple_of3A, 8 : i32
    %dma_start3A = tpu.memref_slice %arg8[%multiple_of3A_3] : memref<1600xi32, #tpu.memory_space<vmem>> -> memref<32xi32, #tpu.memory_space<vmem>>
    %dma_start3A_4 = arith.constant 0 : i32
    %dma_start3A_5 = arith.constant 0 : i32
    %dma_start3A_6 = tpu.memref_slice %arg2[%dma_start3A_4, %dma_start3A_5] : memref<1000x1024xf32, #tpu.memory_space<hbm>> -> memref<1000x1024xf32, #tpu.memory_space<hbm>>
    tpu.enqueue_indirect_dma source(%dma_start3A_6 : memref<1000x1024xf32, #tpu.memory_space<hbm>>) target(%arg11 : memref<32x1024xf32, #tpu.memory_space<vmem>>) offsets(%dma_start3A : memref<32xi32, #tpu.memory_space<vmem>>) semaphore(%arg14 : memref<!tpu.dma_semaphore, #tpu.memory_space<semaphore_mem>>)
    %broadcast_in_dim3A = arith.constant 0.000000e+00 : f32
    %broadcast_in_dim3A_7 = vector.broadcast %broadcast_in_dim3A : f32 to vector<16xf32>
    %scan3A = arith.constant 0 : i32
    %scan3A_8 = arith.constant 25 : i32
    %scan3A_9 = arith.addi %scan3A, %scan3A_8 : i32
    %scan3A_10 = arith.constant 1 : i32
    %scan3A_11 = scf.for %scan3A_19 = %scan3A to %scan3A_9 step %scan3A_10 iter_args(%scan3A_20 = %broadcast_in_dim3A_7) -> (vector<16xf32>)  : i32 {
      %mul3A_21 = arith.constant 2 : i32
      %mul3A_22 = arith.muli %mul3A_21, %scan3A_19 : i32
      %add3A_23 = arith.constant 1 : i32
      %add3A_24 = arith.addi %mul3A_22, %add3A_23 : i32
      %gt3A = arith.constant 0 : i32
      %gt3A_25 = arith.cmpi sgt, %scan3A_19, %gt3A : i32
      %convert_element_type3A = arith.extui %gt3A_25 : i1 to i32
      %cond3A = arith.constant 0 : i32
      %cond3A_26 = arith.cmpi ne, %convert_element_type3A, %cond3A : i32
      scf.if %cond3A_26 {
        %sub3A_2285 = arith.constant 1 : i32
        %sub3A_2286 = arith.subi %mul3A_22, %sub3A_2285 : i32
        %dma_wait3A_2287 = arith.constant 0 : i32
        %dma_wait3A_2288 = tpu.memref_slice %arg6[%mul3A_2, %dma_wait3A_2287] : memref<51200x1024xf32, #tpu.memory_space<hbm>> -> memref<32x1024xf32, #tpu.memory_space<hbm>>
        %dma_wait3A_2289 = arith.constant 0 : i32
        %dma_wait3A_2290 = tpu.memref_slice %arg6[%mul3A_2, %dma_wait3A_2289] : memref<51200x1024xf32, #tpu.memory_space<hbm>> -> memref<32x1024xf32, #tpu.memory_space<hbm>>
        tpu.wait_dma2 semaphore(%arg17 : memref<!tpu.dma_semaphore, #tpu.memory_space<semaphore_mem>>) src(%arg12 : memref<32x1024xf32, #tpu.memory_space<vmem>>) dst(%dma_wait3A_2290 : memref<32x1024xf32, #tpu.memory_space<hbm>>)
      } else {
      }
      %mul3A_27 = arith.constant 32 : i32
      %mul3A_28 = arith.muli %add3A_24, %mul3A_27 : i32
      %multiple_of3A_29 = tpu.assume_multiple %mul3A_28, 8 : i32
      %dma_start3A_30 = tpu.memref_slice %arg8[%multiple_of3A_29] : memref<1600xi32, #tpu.memory_space<vmem>> -> memref<32xi32, #tpu.memory_space<vmem>>
      %dma_start3A_31 = arith.constant 0 : i32
      %dma_start3A_32 = arith.constant 0 : i32
      %dma_start3A_33 = tpu.memref_slice %arg2[%dma_start3A_31, %dma_start3A_32] : memref<1000x1024xf32, #tpu.memory_space<hbm>> -> memref<1000x1024xf32, #tpu.memory_space<hbm>>
      tpu.enqueue_indirect_dma source(%dma_start3A_33 : memref<1000x1024xf32, #tpu.memory_space<hbm>>) target(%arg12 : memref<32x1024xf32, #tpu.memory_space<vmem>>) offsets(%dma_start3A_30 : memref<32xi32, #tpu.memory_space<vmem>>) semaphore(%arg15 : memref<!tpu.dma_semaphore, #tpu.memory_space<semaphore_mem>>)
      %dma_wait3A_34 = arith.constant 0 : i32
      %dma_wait3A_35 = arith.constant 0 : i32
      %dma_wait3A_36 = tpu.memref_slice %arg2[%dma_wait3A_34, %dma_wait3A_35] : memref<1000x1024xf32, #tpu.memory_space<hbm>> -> memref<32x1024xf32, #tpu.memory_space<hbm>>
      %dma_wait3A_37 = arith.constant 0 : i32
      %dma_wait3A_38 = arith.constant 0 : i32
      %dma_wait3A_39 = tpu.memref_slice %arg2[%dma_wait3A_37, %dma_wait3A_38] : memref<1000x1024xf32, #tpu.memory_space<hbm>> -> memref<32x1024xf32, #tpu.memory_space<hbm>>
      tpu.wait_dma2 semaphore(%arg14 : memref<!tpu.dma_semaphore, #tpu.memory_space<semaphore_mem>>) src(%dma_wait3A_39 : memref<32x1024xf32, #tpu.memory_space<hbm>>) dst(%arg11 : memref<32x1024xf32, #tpu.memory_space<vmem>>)
      %mul3A_40 = arith.constant 32 : i32
      %mul3A_41 = arith.muli %mul3A_22, %mul3A_40 : i32
      %add3A_42 = arith.addi %mul3A_2, %mul3A_41 : i32
      %dma_start3A_43 = arith.constant 0 : i32
      %dma_start3A_44 = tpu.memref_slice %arg6[%add3A_42, %dma_start3A_43] : memref<51200x1024xf32, #tpu.memory_space<hbm>> -> memref<32x1024xf32, #tpu.memory_space<hbm>>
      %dma_start3A_45 = arith.constant 0 : i32
      %dma_start3A_46 = tpu.memref_slice %arg6[%add3A_42, %dma_start3A_45] : memref<51200x1024xf32, #tpu.memory_space<hbm>> -> memref<32x1024xf32, #tpu.memory_space<hbm>>
      tpu.enqueue_dma source(%arg11 : memref<32x1024xf32, #tpu.memory_space<vmem>>) target(%dma_start3A_46 : memref<32x1024xf32, #tpu.memory_space<hbm>>) target_semaphore(%arg16 : memref<!tpu.dma_semaphore, #tpu.memory_space<semaphore_mem>>)
      %broadcast_in_dim3A_47 = arith.constant 0.000000e+00 : f32
      %broadcast_in_dim3A_48 = vector.broadcast %broadcast_in_dim3A_47 : f32 to vector<16xf32>
      %mul3A_49 = arith.constant 32 : i32
      %mul3A_50 = arith.muli %mul3A_22, %mul3A_49 : i32
      %add3A_51 = arith.constant 0 : i32
      %add3A_52 = arith.addi %mul3A_50, %add3A_51 : i32
      %multiple_of3A_53 = tpu.assume_multiple %add3A_52, 16 : i32
      %get3A = arith.index_cast %multiple_of3A_53 : i32 to index
      %get3A_54 = tpu.vector_load %arg8[%get3A] {strides = array<i32>} : memref<1600xi32, #tpu.memory_space<vmem>>, vector<16xi32>,
      %get3A_55 = vector.shape_cast %get3A_54 : vector<16xi32> to vector<16xi32>
      %get3A_56 = arith.index_cast %multiple_of3A_53 : i32 to index
      %get3A_57 = tpu.vector_load %arg9[%get3A_56] {strides = array<i32>} : memref<1600xi32, #tpu.memory_space<vmem>>, vector<16xi32>,
      %get3A_58 = vector.shape_cast %get3A_57 : vector<16xi32> to vector<16xi32>
      %mul3A_59 = arith.constant 32 : i32
      %mul3A_60 = arith.muli %mul3A_22, %mul3A_59 : i32
      %add3A_61 = arith.constant 16 : i32
      %add3A_62 = arith.addi %mul3A_60, %add3A_61 : i32
      %multiple_of3A_63 = tpu.assume_multiple %add3A_62, 16 : i32
      %get3A_64 = arith.index_cast %multiple_of3A_63 : i32 to index
      %get3A_65 = tpu.vector_load %arg8[%get3A_64] {strides = array<i32>} : memref<1600xi32, #tpu.memory_space<vmem>>, vector<16xi32>,
      %get3A_66 = vector.shape_cast %get3A_65 : vector<16xi32> to vector<16xi32>
      %get3A_67 = arith.index_cast %multiple_of3A_63 : i32 to index
      %get3A_68 = tpu.vector_load %arg9[%get3A_67] {strides = array<i32>} : memref<1600xi32, #tpu.memory_space<vmem>>, vector<16xi32>,
      %get3A_69 = vector.shape_cast %get3A_68 : vector<16xi32> to vector<16xi32>
      %slice3A = vector.extract_strided_slice %get3A_55 {offsets = [0], sizes = [1], strides = [1]} : vector<16xi32> to vector<1xi32>
      %squeeze3A = vector.extract %slice3A[0] : i32 from vector<1xi32>
      %slice3A_70 = vector.extract_strided_slice %get3A_58 {offsets = [0], sizes = [1], strides = [1]} : vector<16xi32> to vector<1xi32>
      %squeeze3A_71 = vector.extract %slice3A_70[0] : i32 from vector<1xi32>
      %shift_right_arithmetic3A = arith.constant 4 : i32
      %shift_right_arithmetic3A_72 = arith.shrsi %squeeze3A, %shift_right_arithmetic3A : i32
      %shift_left3A = arith.constant 4 : i32
      %shift_left3A_73 = arith.shli %shift_right_arithmetic3A_72, %shift_left3A : i32
      %multiple_of3A_74 = tpu.assume_multiple %shift_left3A_73, 16 : i32
      %get3A_75 = arith.index_cast %multiple_of3A_74 : i32 to index
      %get3A_76 = tpu.vector_load %arg10[%get3A_75] {strides = array<i32>} : memref<1024xf32, #tpu.memory_space<vmem>>, vector<16xf32>,
      %get3A_77 = vector.shape_cast %get3A_76 : vector<16xf32> to vector<16xf32>
      %shift_right_arithmetic3A_78 = arith.constant 4 : i32
      %shift_right_arithmetic3A_79 = arith.shrsi %squeeze3A_71, %shift_right_arithmetic3A_78 : i32
      %shift_left3A_80 = arith.constant 4 : i32
      %shift_left3A_81 = arith.shli %shift_right_arithmetic3A_79, %shift_left3A_80 : i32
      %multiple_of3A_82 = tpu.assume_multiple %shift_left3A_81, 16 : i32
      %get3A_83 = arith.constant 0 : i32
      %get3A_84 = arith.index_cast %get3A_83 : i32 to index
      %get3A_85 = arith.index_cast %multiple_of3A_82 : i32 to index
      %get3A_86 = tpu.vector_load %arg11[%get3A_84, %get3A_85] {strides = array<i32>} : memref<32x1024xf32, #tpu.memory_space<vmem>>, vector<1x16xf32>,
      %get3A_87 = vector.shape_cast %get3A_86 : vector<1x16xf32> to vector<16xf32>
      %and3A = arith.constant 15 : i32
      %and3A_88 = arith.andi %squeeze3A, %and3A : i32
      %eq3A = vector.broadcast %and3A_88 : i32 to vector<16xi32>
      %eq3A_89 = arith.cmpi eq, %iota3A, %eq3A : vector<16xi32>
      %select_n3A = arith.select %eq3A_89, %get3A_77, %broadcast_in_dim3A_48 : vector<16xi1>, vector<16xf32>
      %add3A_90 = arith.addf %scan3A_20, %select_n3A : vector<16xf32>
      %and3A_91 = arith.constant 15 : i32
      %and3A_92 = arith.andi %squeeze3A_71, %and3A_91 : i32
      %eq3A_93 = vector.broadcast %and3A_92 : i32 to vector<16xi32>
      %eq3A_94 = arith.cmpi eq, %iota3A, %eq3A_93 : vector<16xi32>
      %select_n3A_95 = arith.select %eq3A_94, %get3A_87, %broadcast_in_dim3A_48 : vector<16xi1>, vector<16xf32>
      %sub3A = arith.subf %add3A_90, %select_n3A_95 : vector<16xf32>
      %slice3A_96 = vector.extract_strided_slice %get3A_55 {offsets = [1], sizes = [1], strides = [1]} : vector<16xi32> to vector<1xi32>
      %squeeze3A_97 = vector.extract %slice3A_96[0] : i32 from vector<1xi32>
      %slice3A_98 = vector.extract_strided_slice %get3A_58 {offsets = [1], sizes = [1], strides = [1]} : vector<16xi32> to vector<1xi32>
      %squeeze3A_99 = vector.extract %slice3A_98[0] : i32 from vector<1xi32>
      %shift_right_arithmetic3A_100 = arith.constant 4 : i32
      %shift_right_arithmetic3A_101 = arith.shrsi %squeeze3A_97, %shift_right_arithmetic3A_100 : i32
      %shift_left3A_102 = arith.constant 4 : i32
      %shift_left3A_103 = arith.shli %shift_right_arithmetic3A_101, %shift_left3A_102 : i32
      %multiple_of3A_104 = tpu.assume_multiple %shift_left3A_103, 16 : i32
      %get3A_105 = arith.index_cast %multiple_of3A_104 : i32 to index
      %get3A_106 = tpu.vector_load %arg10[%get3A_105] {strides = array<i32>} : memref<1024xf32, #tpu.memory_space<vmem>>, vector<16xf32>,
      %get3A_107 = vector.shape_cast %get3A_106 : vector<16xf32> to vector<16xf32>
      %shift_right_arithmetic3A_108 = arith.constant 4 : i32
      %shift_right_arithmetic3A_109 = arith.shrsi %squeeze3A_99, %shift_right_arithmetic3A_108 : i32
      %shift_left3A_110 = arith.constant 4 : i32
      %shift_left3A_111 = arith.shli %shift_right_arithmetic3A_109, %shift_left3A_110 : i32
      %multiple_of3A_112 = tpu.assume_multiple %shift_left3A_111, 16 : i32
      %get3A_113 = arith.constant 1 : i32
      %get3A_114 = arith.index_cast %get3A_113 : i32 to index
      %get3A_115 = arith.index_cast %multiple_of3A_112 : i32 to index
      %get3A_116 = tpu.vector_load %arg11[%get3A_114, %get3A_115] {strides = array<i32>} : memref<32x1024xf32, #tpu.memory_space<vmem>>, vector<1x16xf32>,
      %get3A_117 = vector.shape_cast %get3A_116 : vector<1x16xf32> to vector<16xf32>
      %and3A_118 = arith.constant 15 : i32
      %and3A_119 = arith.andi %squeeze3A_97, %and3A_118 : i32
      %eq3A_120 = vector.broadcast %and3A_119 : i32 to vector<16xi32>
      %eq3A_121 = arith.cmpi eq, %iota3A, %eq3A_120 : vector<16xi32>
      %select_n3A_122 = arith.select %eq3A_121, %get3A_107, %broadcast_in_dim3A_48 : vector<16xi1>, vector<16xf32>
      %add3A_123 = arith.addf %sub3A, %select_n3A_122 : vector<16xf32>
      %and3A_124 = arith.constant 15 : i32
      %and3A_125 = arith.andi %squeeze3A_99, %and3A_124 : i32
      %eq3A_126 = vector.broadcast %and3A_125 : i32 to vector<16xi32>
      %eq3A_127 = arith.cmpi eq, %iota3A, %eq3A_126 : vector<16xi32>
      %select_n3A_128 = arith.select %eq3A_127, %get3A_117, %broadcast_in_dim3A_48 : vector<16xi1>, vector<16xf32>
      %sub3A_129 = arith.subf %add3A_123, %select_n3A_128 : vector<16xf32>
      %slice3A_130 = vector.extract_strided_slice %get3A_55 {offsets = [2], sizes = [1], strides = [1]} : vector<16xi32> to vector<1xi32>
      %squeeze3A_131 = vector.extract %slice3A_130[0] : i32 from vector<1xi32>
      %slice3A_132 = vector.extract_strided_slice %get3A_58 {offsets = [2], sizes = [1], strides = [1]} : vector<16xi32> to vector<1xi32>
      %squeeze3A_133 = vector.extract %slice3A_132[0] : i32 from vector<1xi32>
      %shift_right_arithmetic3A_134 = arith.constant 4 : i32
      %shift_right_arithmetic3A_135 = arith.shrsi %squeeze3A_131, %shift_right_arithmetic3A_134 : i32
      %shift_left3A_136 = arith.constant 4 : i32
      %shift_left3A_137 = arith.shli %shift_right_arithmetic3A_135, %shift_left3A_136 : i32
      %multiple_of3A_138 = tpu.assume_multiple %shift_left3A_137, 16 : i32
      %get3A_139 = arith.index_cast %multiple_of3A_138 : i32 to index
      %get3A_140 = tpu.vector_load %arg10[%get3A_139] {strides = array<i32>} : memref<1024xf32, #tpu.memory_space<vmem>>, vector<16xf32>,
      %get3A_141 = vector.shape_cast %get3A_140 : vector<16xf32> to vector<16xf32>
      %shift_right_arithmetic3A_142 = arith.constant 4 : i32
      %shift_right_arithmetic3A_143 = arith.shrsi %squeeze3A_133, %shift_right_arithmetic3A_142 : i32
      %shift_left3A_144 = arith.constant 4 : i32
      %shift_left3A_145 = arith.shli %shift_right_arithmetic3A_143, %shift_left3A_144 : i32
      %multiple_of3A_146 = tpu.assume_multiple %shift_left3A_145, 16 : i32
      %get3A_147 = arith.constant 2 : i32
      %get3A_148 = arith.index_cast %get3A_147 : i32 to index
      %get3A_149 = arith.index_cast %multiple_of3A_146 : i32 to index
      %get3A_150 = tpu.vector_load %arg11[%get3A_148, %get3A_149] {strides = array<i32>} : memref<32x1024xf32, #tpu.memory_space<vmem>>, vector<1x16xf32>,
      %get3A_151 = vector.shape_cast %get3A_150 : vector<1x16xf32> to vector<16xf32>
      %and3A_152 = arith.constant 15 : i32
      %and3A_153 = arith.andi %squeeze3A_131, %and3A_152 : i32
      %eq3A_154 = vector.broadcast %and3A_153 : i32 to vector<16xi32>
      %eq3A_155 = arith.cmpi eq, %iota3A, %eq3A_154 : vector<16xi32>
      %select_n3A_156 = arith.select %eq3A_155, %get3A_141, %broadcast_in_dim3A_48 : vector<16xi1>, vector<16xf32>
      %add3A_157 = arith.addf %sub3A_129, %select_n3A_156 : vector<16xf32>
      %and3A_158 = arith.constant 15 : i32
      %and3A_159 = arith.andi %squeeze3A_133, %and3A_158 : i32
      %eq3A_160 = vector.broadcast %and3A_159 : i32 to vector<16xi32>
      %eq3A_161 = arith.cmpi eq, %iota3A, %eq3A_160 : vector<16xi32>
      %select_n3A_162 = arith.select %eq3A_161, %get3A_151, %broadcast_in_dim3A_48 : vector<16xi1>, vector<16xf32>
      %sub3A_163 = arith.subf %add3A_157, %select_n3A_162 : vector<16xf32>
      %slice3A_164 = vector.extract_strided_slice %get3A_55 {offsets = [3], sizes = [1], strides = [1]} : vector<16xi32> to vector<1xi32>
      %squeeze3A_165 = vector.extract %slice3A_164[0] : i32 from vector<1xi32>
      %slice3A_166 = vector.extract_strided_slice %get3A_58 {offsets = [3], sizes = [1], strides = [1]} : vector<16xi32> to vector<1xi32>
      %squeeze3A_167 = vector.extract %slice3A_166[0] : i32 from vector<1xi32>
      %shift_right_arithmetic3A_168 = arith.constant 4 : i32
      %shift_right_arithmetic3A_169 = arith.shrsi %squeeze3A_165, %shift_right_arithmetic3A_168 : i32
      %shift_left3A_170 = arith.constant 4 : i32
      %shift_left3A_171 = arith.shli %shift_right_arithmetic3A_169, %shift_left3A_170 : i32
      %multiple_of3A_172 = tpu.assume_multiple %shift_left3A_171, 16 : i32
      %get3A_173 = arith.index_cast %multiple_of3A_172 : i32 to index
      %get3A_174 = tpu.vector_load %arg10[%get3A_173] {strides = array<i32>} : memref<1024xf32, #tpu.memory_space<vmem>>, vector<16xf32>,
      %get3A_175 = vector.shape_cast %get3A_174 : vector<16xf32> to vector<16xf32>
      %shift_right_arithmetic3A_176 = arith.constant 4 : i32
      %shift_right_arithmetic3A_177 = arith.shrsi %squeeze3A_167, %shift_right_arithmetic3A_176 : i32
      %shift_left3A_178 = arith.constant 4 : i32
      %shift_left3A_179 = arith.shli %shift_right_arithmetic3A_177, %shift_left3A_178 : i32
      %multiple_of3A_180 = tpu.assume_multiple %shift_left3A_179, 16 : i32
      %get3A_181 = arith.constant 3 : i32
      %get3A_182 = arith.index_cast %get3A_181 : i32 to index
      %get3A_183 = arith.index_cast %multiple_of3A_180 : i32 to index
      %get3A_184 = tpu.vector_load %arg11[%get3A_182, %get3A_183] {strides = array<i32>} : memref<32x1024xf32, #tpu.memory_space<vmem>>, vector<1x16xf32>,
      %get3A_185 = vector.shape_cast %get3A_184 : vector<1x16xf32> to vector<16xf32>
      %and3A_186 = arith.constant 15 : i32
      %and3A_187 = arith.andi %squeeze3A_165, %and3A_186 : i32
      %eq3A_188 = vector.broadcast %and3A_187 : i32 to vector<16xi32>
      %eq3A_189 = arith.cmpi eq, %iota3A, %eq3A_188 : vector<16xi32>
      %select_n3A_190 = arith.select %eq3A_189, %get3A_175, %broadcast_in_dim3A_48 : vector<16xi1>, vector<16xf32>
      %add3A_191 = arith.addf %sub3A_163, %select_n3A_190 : vector<16xf32>
      %and3A_192 = arith.constant 15 : i32
      %and3A_193 = arith.andi %squeeze3A_167, %and3A_192 : i32
      %eq3A_194 = vector.broadcast %and3A_193 : i32 to vector<16xi32>
      %eq3A_195 = arith.cmpi eq, %iota3A, %eq3A_194 : vector<16xi32>
      %select_n3A_196 = arith.select %eq3A_195, %get3A_185, %broadcast_in_dim3A_48 : vector<16xi1>, vector<16xf32>
      %sub3A_197 = arith.subf %add3A_191, %select_n3A_196 : vector<16xf32>
      %slice3A_198 = vector.extract_strided_slice %get3A_55 {offsets = [4], sizes = [1], strides = [1]} : vector<16xi32> to vector<1xi32>
      %squeeze3A_199 = vector.extract %slice3A_198[0] : i32 from vector<1xi32>
      %slice3A_200 = vector.extract_strided_slice %get3A_58 {offsets = [4], sizes = [1], strides = [1]} : vector<16xi32> to vector<1xi32>
      %squeeze3A_201 = vector.extract %slice3A_200[0] : i32 from vector<1xi32>
      %shift_right_arithmetic3A_202 = arith.constant 4 : i32
      %shift_right_arithmetic3A_203 = arith.shrsi %squeeze3A_199, %shift_right_arithmetic3A_202 : i32
      %shift_left3A_204 = arith.constant 4 : i32
      %shift_left3A_205 = arith.shli %shift_right_arithmetic3A_203, %shift_left3A_204 : i32
      %multiple_of3A_206 = tpu.assume_multiple %shift_left3A_205, 16 : i32
      %get3A_207 = arith.index_cast %multiple_of3A_206 : i32 to index
      %get3A_208 = tpu.vector_load %arg10[%get3A_207] {strides = array<i32>} : memref<1024xf32, #tpu.memory_space<vmem>>, vector<16xf32>,
      %get3A_209 = vector.shape_cast %get3A_208 : vector<16xf32> to vector<16xf32>
      %shift_right_arithmetic3A_210 = arith.constant 4 : i32
      %shift_right_arithmetic3A_211 = arith.shrsi %squeeze3A_201, %shift_right_arithmetic3A_210 : i32
      %shift_left3A_212 = arith.constant 4 : i32
      %shift_left3A_213 = arith.shli %shift_right_arithmetic3A_211, %shift_left3A_212 : i32
      %multiple_of3A_214 = tpu.assume_multiple %shift_left3A_213, 16 : i32
      %get3A_215 = arith.constant 4 : i32
      %get3A_216 = arith.index_cast %get3A_215 : i32 to index
      %get3A_217 = arith.index_cast %multiple_of3A_214 : i32 to index
      %get3A_218 = tpu.vector_load %arg11[%get3A_216, %get3A_217] {strides = array<i32>} : memref<32x1024xf32, #tpu.memory_space<vmem>>, vector<1x16xf32>,
      %get3A_219 = vector.shape_cast %get3A_218 : vector<1x16xf32> to vector<16xf32>
      %and3A_220 = arith.constant 15 : i32
      %and3A_221 = arith.andi %squeeze3A_199, %and3A_220 : i32
      %eq3A_222 = vector.broadcast %and3A_221 : i32 to vector<16xi32>
      %eq3A_223 = arith.cmpi eq, %iota3A, %eq3A_222 : vector<16xi32>
      %select_n3A_224 = arith.select %eq3A_223, %get3A_209, %broadcast_in_dim3A_48 : vector<16xi1>, vector<16xf32>
      %add3A_225 = arith.addf %sub3A_197, %select_n3A_224 : vector<16xf32>
      %and3A_226 = arith.constant 15 : i32
      %and3A_227 = arith.andi %squeeze3A_201, %and3A_226 : i32
      %eq3A_228 = vector.broadcast %and3A_227 : i32 to vector<16xi32>
      %eq3A_229 = arith.cmpi eq, %iota3A, %eq3A_228 : vector<16xi32>
      %select_n3A_230 = arith.select %eq3A_229, %get3A_219, %broadcast_in_dim3A_48 : vector<16xi1>, vector<16xf32>
      %sub3A_231 = arith.subf %add3A_225, %select_n3A_230 : vector<16xf32>
      %slice3A_232 = vector.extract_strided_slice %get3A_55 {offsets = [5], sizes = [1], strides = [1]} : vector<16xi32> to vector<1xi32>
      %squeeze3A_233 = vector.extract %slice3A_232[0] : i32 from vector<1xi32>
      %slice3A_234 = vector.extract_strided_slice %get3A_58 {offsets = [5], sizes = [1], strides = [1]} : vector<16xi32> to vector<1xi32>
      %squeeze3A_235 = vector.extract %slice3A_234[0] : i32 from vector<1xi32>
      %shift_right_arithmetic3A_236 = arith.constant 4 : i32
      %shift_right_arithmetic3A_237 = arith.shrsi %squeeze3A_233, %shift_right_arithmetic3A_236 : i32
      %shift_left3A_238 = arith.constant 4 : i32
      %shift_left3A_239 = arith.shli %shift_right_arithmetic3A_237, %shift_left3A_238 : i32
      %multiple_of3A_240 = tpu.assume_multiple %shift_left3A_239, 16 : i32
      %get3A_241 = arith.index_cast %multiple_of3A_240 : i32 to index
      %get3A_242 = tpu.vector_load %arg10[%get3A_241] {strides = array<i32>} : memref<1024xf32, #tpu.memory_space<vmem>>, vector<16xf32>,
      %get3A_243 = vector.shape_cast %get3A_242 : vector<16xf32> to vector<16xf32>
      %shift_right_arithmetic3A_244 = arith.constant 4 : i32
      %shift_right_arithmetic3A_245 = arith.shrsi %squeeze3A_235, %shift_right_arithmetic3A_244 : i32
      %shift_left3A_246 = arith.constant 4 : i32
      %shift_left3A_247 = arith.shli %shift_right_arithmetic3A_245, %shift_left3A_246 : i32
      %multiple_of3A_248 = tpu.assume_multiple %shift_left3A_247, 16 : i32
      %get3A_249 = arith.constant 5 : i32
      %get3A_250 = arith.index_cast %get3A_249 : i32 to index
      %get3A_251 = arith.index_cast %multiple_of3A_248 : i32 to index
      %get3A_252 = tpu.vector_load %arg11[%get3A_250, %get3A_251] {strides = array<i32>} : memref<32x1024xf32, #tpu.memory_space<vmem>>, vector<1x16xf32>,
      %get3A_253 = vector.shape_cast %get3A_252 : vector<1x16xf32> to vector<16xf32>
      %and3A_254 = arith.constant 15 : i32
      %and3A_255 = arith.andi %squeeze3A_233, %and3A_254 : i32
      %eq3A_256 = vector.broadcast %and3A_255 : i32 to vector<16xi32>
      %eq3A_257 = arith.cmpi eq, %iota3A, %eq3A_256 : vector<16xi32>
      %select_n3A_258 = arith.select %eq3A_257, %get3A_243, %broadcast_in_dim3A_48 : vector<16xi1>, vector<16xf32>
      %add3A_259 = arith.addf %sub3A_231, %select_n3A_258 : vector<16xf32>
      %and3A_260 = arith.constant 15 : i32
      %and3A_261 = arith.andi %squeeze3A_235, %and3A_260 : i32
      %eq3A_262 = vector.broadcast %and3A_261 : i32 to vector<16xi32>
      %eq3A_263 = arith.cmpi eq, %iota3A, %eq3A_262 : vector<16xi32>
      %select_n3A_264 = arith.select %eq3A_263, %get3A_253, %broadcast_in_dim3A_48 : vector<16xi1>, vector<16xf32>
      %sub3A_265 = arith.subf %add3A_259, %select_n3A_264 : vector<16xf32>
      %slice3A_266 = vector.extract_strided_slice %get3A_55 {offsets = [6], sizes = [1], strides = [1]} : vector<16xi32> to vector<1xi32>
      %squeeze3A_267 = vector.extract %slice3A_266[0] : i32 from vector<1xi32>
      %slice3A_268 = vector.extract_strided_slice %get3A_58 {offsets = [6], sizes = [1], strides = [1]} : vector<16xi32> to vector<1xi32>
      %squeeze3A_269 = vector.extract %slice3A_268[0] : i32 from vector<1xi32>
      %shift_right_arithmetic3A_270 = arith.constant 4 : i32
      %shift_right_arithmetic3A_271 = arith.shrsi %squeeze3A_267, %shift_right_arithmetic3A_270 : i32
      %shift_left3A_272 = arith.constant 4 : i32
      %shift_left3A_273 = arith.shli %shift_right_arithmetic3A_271, %shift_left3A_272 : i32
      %multiple_of3A_274 = tpu.assume_multiple %shift_left3A_273, 16 : i32
      %get3A_275 = arith.index_cast %multiple_of3A_274 : i32 to index
      %get3A_276 = tpu.vector_load %arg10[%get3A_275] {strides = array<i32>} : memref<1024xf32, #tpu.memory_space<vmem>>, vector<16xf32>,
      %get3A_277 = vector.shape_cast %get3A_276 : vector<16xf32> to vector<16xf32>
      %shift_right_arithmetic3A_278 = arith.constant 4 : i32
      %shift_right_arithmetic3A_279 = arith.shrsi %squeeze3A_269, %shift_right_arithmetic3A_278 : i32
      %shift_left3A_280 = arith.constant 4 : i32
      %shift_left3A_281 = arith.shli %shift_right_arithmetic3A_279, %shift_left3A_280 : i32
      %multiple_of3A_282 = tpu.assume_multiple %shift_left3A_281, 16 : i32
      %get3A_283 = arith.constant 6 : i32
      %get3A_284 = arith.index_cast %get3A_283 : i32 to index
      %get3A_285 = arith.index_cast %multiple_of3A_282 : i32 to index
      %get3A_286 = tpu.vector_load %arg11[%get3A_284, %get3A_285] {strides = array<i32>} : memref<32x1024xf32, #tpu.memory_space<vmem>>, vector<1x16xf32>,
      %get3A_287 = vector.shape_cast %get3A_286 : vector<1x16xf32> to vector<16xf32>
      %and3A_288 = arith.constant 15 : i32
      %and3A_289 = arith.andi %squeeze3A_267, %and3A_288 : i32
      %eq3A_290 = vector.broadcast %and3A_289 : i32 to vector<16xi32>
      %eq3A_291 = arith.cmpi eq, %iota3A, %eq3A_290 : vector<16xi32>
      %select_n3A_292 = arith.select %eq3A_291, %get3A_277, %broadcast_in_dim3A_48 : vector<16xi1>, vector<16xf32>
      %add3A_293 = arith.addf %sub3A_265, %select_n3A_292 : vector<16xf32>
      %and3A_294 = arith.constant 15 : i32
      %and3A_295 = arith.andi %squeeze3A_269, %and3A_294 : i32
      %eq3A_296 = vector.broadcast %and3A_295 : i32 to vector<16xi32>
      %eq3A_297 = arith.cmpi eq, %iota3A, %eq3A_296 : vector<16xi32>
      %select_n3A_298 = arith.select %eq3A_297, %get3A_287, %broadcast_in_dim3A_48 : vector<16xi1>, vector<16xf32>
      %sub3A_299 = arith.subf %add3A_293, %select_n3A_298 : vector<16xf32>
      %slice3A_300 = vector.extract_strided_slice %get3A_55 {offsets = [7], sizes = [1], strides = [1]} : vector<16xi32> to vector<1xi32>
      %squeeze3A_301 = vector.extract %slice3A_300[0] : i32 from vector<1xi32>
      %slice3A_302 = vector.extract_strided_slice %get3A_58 {offsets = [7], sizes = [1], strides = [1]} : vector<16xi32> to vector<1xi32>
      %squeeze3A_303 = vector.extract %slice3A_302[0] : i32 from vector<1xi32>
      %shift_right_arithmetic3A_304 = arith.constant 4 : i32
      %shift_right_arithmetic3A_305 = arith.shrsi %squeeze3A_301, %shift_right_arithmetic3A_304 : i32
      %shift_left3A_306 = arith.constant 4 : i32
      %shift_left3A_307 = arith.shli %shift_right_arithmetic3A_305, %shift_left3A_306 : i32
      %multiple_of3A_308 = tpu.assume_multiple %shift_left3A_307, 16 : i32
      %get3A_309 = arith.index_cast %multiple_of3A_308 : i32 to index
      %get3A_310 = tpu.vector_load %arg10[%get3A_309] {strides = array<i32>} : memref<1024xf32, #tpu.memory_space<vmem>>, vector<16xf32>,
      %get3A_311 = vector.shape_cast %get3A_310 : vector<16xf32> to vector<16xf32>
      %shift_right_arithmetic3A_312 = arith.constant 4 : i32
      %shift_right_arithmetic3A_313 = arith.shrsi %squeeze3A_303, %shift_right_arithmetic3A_312 : i32
      %shift_left3A_314 = arith.constant 4 : i32
      %shift_left3A_315 = arith.shli %shift_right_arithmetic3A_313, %shift_left3A_314 : i32
      %multiple_of3A_316 = tpu.assume_multiple %shift_left3A_315, 16 : i32
      %get3A_317 = arith.constant 7 : i32
      %get3A_318 = arith.index_cast %get3A_317 : i32 to index
      %get3A_319 = arith.index_cast %multiple_of3A_316 : i32 to index
      %get3A_320 = tpu.vector_load %arg11[%get3A_318, %get3A_319] {strides = array<i32>} : memref<32x1024xf32, #tpu.memory_space<vmem>>, vector<1x16xf32>,
      %get3A_321 = vector.shape_cast %get3A_320 : vector<1x16xf32> to vector<16xf32>
      %and3A_322 = arith.constant 15 : i32
      %and3A_323 = arith.andi %squeeze3A_301, %and3A_322 : i32
      %eq3A_324 = vector.broadcast %and3A_323 : i32 to vector<16xi32>
      %eq3A_325 = arith.cmpi eq, %iota3A, %eq3A_324 : vector<16xi32>
      %select_n3A_326 = arith.select %eq3A_325, %get3A_311, %broadcast_in_dim3A_48 : vector<16xi1>, vector<16xf32>
      %add3A_327 = arith.addf %sub3A_299, %select_n3A_326 : vector<16xf32>
      %and3A_328 = arith.constant 15 : i32
      %and3A_329 = arith.andi %squeeze3A_303, %and3A_328 : i32
      %eq3A_330 = vector.broadcast %and3A_329 : i32 to vector<16xi32>
      %eq3A_331 = arith.cmpi eq, %iota3A, %eq3A_330 : vector<16xi32>
      %select_n3A_332 = arith.select %eq3A_331, %get3A_321, %broadcast_in_dim3A_48 : vector<16xi1>, vector<16xf32>
      %sub3A_333 = arith.subf %add3A_327, %select_n3A_332 : vector<16xf32>
      %slice3A_334 = vector.extract_strided_slice %get3A_55 {offsets = [8], sizes = [1], strides = [1]} : vector<16xi32> to vector<1xi32>
      %squeeze3A_335 = vector.extract %slice3A_334[0] : i32 from vector<1xi32>
      %slice3A_336 = vector.extract_strided_slice %get3A_58 {offsets = [8], sizes = [1], strides = [1]} : vector<16xi32> to vector<1xi32>
      %squeeze3A_337 = vector.extract %slice3A_336[0] : i32 from vector<1xi32>
      %shift_right_arithmetic3A_338 = arith.constant 4 : i32
      %shift_right_arithmetic3A_339 = arith.shrsi %squeeze3A_335, %shift_right_arithmetic3A_338 : i32
      %shift_left3A_340 = arith.constant 4 : i32
      %shift_left3A_341 = arith.shli %shift_right_arithmetic3A_339, %shift_left3A_340 : i32
      %multiple_of3A_342 = tpu.assume_multiple %shift_left3A_341, 16 : i32
      %get3A_343 = arith.index_cast %multiple_of3A_342 : i32 to index
      %get3A_344 = tpu.vector_load %arg10[%get3A_343] {strides = array<i32>} : memref<1024xf32, #tpu.memory_space<vmem>>, vector<16xf32>,
      %get3A_345 = vector.shape_cast %get3A_344 : vector<16xf32> to vector<16xf32>
      %shift_right_arithmetic3A_346 = arith.constant 4 : i32
      %shift_right_arithmetic3A_347 = arith.shrsi %squeeze3A_337, %shift_right_arithmetic3A_346 : i32
      %shift_left3A_348 = arith.constant 4 : i32
      %shift_left3A_349 = arith.shli %shift_right_arithmetic3A_347, %shift_left3A_348 : i32
      %multiple_of3A_350 = tpu.assume_multiple %shift_left3A_349, 16 : i32
      %get3A_351 = arith.constant 8 : i32
      %get3A_352 = arith.index_cast %get3A_351 : i32 to index
      %get3A_353 = arith.index_cast %multiple_of3A_350 : i32 to index
      %get3A_354 = tpu.vector_load %arg11[%get3A_352, %get3A_353] {strides = array<i32>} : memref<32x1024xf32, #tpu.memory_space<vmem>>, vector<1x16xf32>,
      %get3A_355 = vector.shape_cast %get3A_354 : vector<1x16xf32> to vector<16xf32>
      %and3A_356 = arith.constant 15 : i32
      %and3A_357 = arith.andi %squeeze3A_335, %and3A_356 : i32
      %eq3A_358 = vector.broadcast %and3A_357 : i32 to vector<16xi32>
      %eq3A_359 = arith.cmpi eq, %iota3A, %eq3A_358 : vector<16xi32>
      %select_n3A_360 = arith.select %eq3A_359, %get3A_345, %broadcast_in_dim3A_48 : vector<16xi1>, vector<16xf32>
      %add3A_361 = arith.addf %sub3A_333, %select_n3A_360 : vector<16xf32>
      %and3A_362 = arith.constant 15 : i32
      %and3A_363 = arith.andi %squeeze3A_337, %and3A_362 : i32
      %eq3A_364 = vector.broadcast %and3A_363 : i32 to vector<16xi32>
      %eq3A_365 = arith.cmpi eq, %iota3A, %eq3A_364 : vector<16xi32>
      %select_n3A_366 = arith.select %eq3A_365, %get3A_355, %broadcast_in_dim3A_48 : vector<16xi1>, vector<16xf32>
      %sub3A_367 = arith.subf %add3A_361, %select_n3A_366 : vector<16xf32>
      %slice3A_368 = vector.extract_strided_slice %get3A_55 {offsets = [9], sizes = [1], strides = [1]} : vector<16xi32> to vector<1xi32>
      %squeeze3A_369 = vector.extract %slice3A_368[0] : i32 from vector<1xi32>
      %slice3A_370 = vector.extract_strided_slice %get3A_58 {offsets = [9], sizes = [1], strides = [1]} : vector<16xi32> to vector<1xi32>
      %squeeze3A_371 = vector.extract %slice3A_370[0] : i32 from vector<1xi32>
      %shift_right_arithmetic3A_372 = arith.constant 4 : i32
      %shift_right_arithmetic3A_373 = arith.shrsi %squeeze3A_369, %shift_right_arithmetic3A_372 : i32
      %shift_left3A_374 = arith.constant 4 : i32
      %shift_left3A_375 = arith.shli %shift_right_arithmetic3A_373, %shift_left3A_374 : i32
      %multiple_of3A_376 = tpu.assume_multiple %shift_left3A_375, 16 : i32
      %get3A_377 = arith.index_cast %multiple_of3A_376 : i32 to index
      %get3A_378 = tpu.vector_load %arg10[%get3A_377] {strides = array<i32>} : memref<1024xf32, #tpu.memory_space<vmem>>, vector<16xf32>,
      %get3A_379 = vector.shape_cast %get3A_378 : vector<16xf32> to vector<16xf32>
      %shift_right_arithmetic3A_380 = arith.constant 4 : i32
      %shift_right_arithmetic3A_381 = arith.shrsi %squeeze3A_371, %shift_right_arithmetic3A_380 : i32
      %shift_left3A_382 = arith.constant 4 : i32
      %shift_left3A_383 = arith.shli %shift_right_arithmetic3A_381, %shift_left3A_382 : i32
      %multiple_of3A_384 = tpu.assume_multiple %shift_left3A_383, 16 : i32
      %get3A_385 = arith.constant 9 : i32
      %get3A_386 = arith.index_cast %get3A_385 : i32 to index
      %get3A_387 = arith.index_cast %multiple_of3A_384 : i32 to index
      %get3A_388 = tpu.vector_load %arg11[%get3A_386, %get3A_387] {strides = array<i32>} : memref<32x1024xf32, #tpu.memory_space<vmem>>, vector<1x16xf32>,
      %get3A_389 = vector.shape_cast %get3A_388 : vector<1x16xf32> to vector<16xf32>
      %and3A_390 = arith.constant 15 : i32
      %and3A_391 = arith.andi %squeeze3A_369, %and3A_390 : i32
      %eq3A_392 = vector.broadcast %and3A_391 : i32 to vector<16xi32>
      %eq3A_393 = arith.cmpi eq, %iota3A, %eq3A_392 : vector<16xi32>
      %select_n3A_394 = arith.select %eq3A_393, %get3A_379, %broadcast_in_dim3A_48 : vector<16xi1>, vector<16xf32>
      %add3A_395 = arith.addf %sub3A_367, %select_n3A_394 : vector<16xf32>
      %and3A_396 = arith.constant 15 : i32
      %and3A_397 = arith.andi %squeeze3A_371, %and3A_396 : i32
      %eq3A_398 = vector.broadcast %and3A_397 : i32 to vector<16xi32>
      %eq3A_399 = arith.cmpi eq, %iota3A, %eq3A_398 : vector<16xi32>
      %select_n3A_400 = arith.select %eq3A_399, %get3A_389, %broadcast_in_dim3A_48 : vector<16xi1>, vector<16xf32>
      %sub3A_401 = arith.subf %add3A_395, %select_n3A_400 : vector<16xf32>
      %slice3A_402 = vector.extract_strided_slice %get3A_55 {offsets = [10], sizes = [1], strides = [1]} : vector<16xi32> to vector<1xi32>
      %squeeze3A_403 = vector.extract %slice3A_402[0] : i32 from vector<1xi32>
      %slice3A_404 = vector.extract_strided_slice %get3A_58 {offsets = [10], sizes = [1], strides = [1]} : vector<16xi32> to vector<1xi32>
      %squeeze3A_405 = vector.extract %slice3A_404[0] : i32 from vector<1xi32>
      %shift_right_arithmetic3A_406 = arith.constant 4 : i32
      %shift_right_arithmetic3A_407 = arith.shrsi %squeeze3A_403, %shift_right_arithmetic3A_406 : i32
      %shift_left3A_408 = arith.constant 4 : i32
      %shift_left3A_409 = arith.shli %shift_right_arithmetic3A_407, %shift_left3A_408 : i32
      %multiple_of3A_410 = tpu.assume_multiple %shift_left3A_409, 16 : i32
      %get3A_411 = arith.index_cast %multiple_of3A_410 : i32 to index
      %get3A_412 = tpu.vector_load %arg10[%get3A_411] {strides = array<i32>} : memref<1024xf32, #tpu.memory_space<vmem>>, vector<16xf32>,
      %get3A_413 = vector.shape_cast %get3A_412 : vector<16xf32> to vector<16xf32>
      %shift_right_arithmetic3A_414 = arith.constant 4 : i32
      %shift_right_arithmetic3A_415 = arith.shrsi %squeeze3A_405, %shift_right_arithmetic3A_414 : i32
      %shift_left3A_416 = arith.constant 4 : i32
      %shift_left3A_417 = arith.shli %shift_right_arithmetic3A_415, %shift_left3A_416 : i32
      %multiple_of3A_418 = tpu.assume_multiple %shift_left3A_417, 16 : i32
      %get3A_419 = arith.constant 10 : i32
      %get3A_420 = arith.index_cast %get3A_419 : i32 to index
      %get3A_421 = arith.index_cast %multiple_of3A_418 : i32 to index
      %get3A_422 = tpu.vector_load %arg11[%get3A_420, %get3A_421] {strides = array<i32>} : memref<32x1024xf32, #tpu.memory_space<vmem>>, vector<1x16xf32>,
      %get3A_423 = vector.shape_cast %get3A_422 : vector<1x16xf32> to vector<16xf32>
      %and3A_424 = arith.constant 15 : i32
      %and3A_425 = arith.andi %squeeze3A_403, %and3A_424 : i32
      %eq3A_426 = vector.broadcast %and3A_425 : i32 to vector<16xi32>
      %eq3A_427 = arith.cmpi eq, %iota3A, %eq3A_426 : vector<16xi32>
      %select_n3A_428 = arith.select %eq3A_427, %get3A_413, %broadcast_in_dim3A_48 : vector<16xi1>, vector<16xf32>
      %add3A_429 = arith.addf %sub3A_401, %select_n3A_428 : vector<16xf32>
      %and3A_430 = arith.constant 15 : i32
      %and3A_431 = arith.andi %squeeze3A_405, %and3A_430 : i32
      %eq3A_432 = vector.broadcast %and3A_431 : i32 to vector<16xi32>
      %eq3A_433 = arith.cmpi eq, %iota3A, %eq3A_432 : vector<16xi32>
      %select_n3A_434 = arith.select %eq3A_433, %get3A_423, %broadcast_in_dim3A_48 : vector<16xi1>, vector<16xf32>
      %sub3A_435 = arith.subf %add3A_429, %select_n3A_434 : vector<16xf32>
      %slice3A_436 = vector.extract_strided_slice %get3A_55 {offsets = [11], sizes = [1], strides = [1]} : vector<16xi32> to vector<1xi32>
      %squeeze3A_437 = vector.extract %slice3A_436[0] : i32 from vector<1xi32>
      %slice3A_438 = vector.extract_strided_slice %get3A_58 {offsets = [11], sizes = [1], strides = [1]} : vector<16xi32> to vector<1xi32>
      %squeeze3A_439 = vector.extract %slice3A_438[0] : i32 from vector<1xi32>
      %shift_right_arithmetic3A_440 = arith.constant 4 : i32
      %shift_right_arithmetic3A_441 = arith.shrsi %squeeze3A_437, %shift_right_arithmetic3A_440 : i32
      %shift_left3A_442 = arith.constant 4 : i32
      %shift_left3A_443 = arith.shli %shift_right_arithmetic3A_441, %shift_left3A_442 : i32
      %multiple_of3A_444 = tpu.assume_multiple %shift_left3A_443, 16 : i32
      %get3A_445 = arith.index_cast %multiple_of3A_444 : i32 to index
      %get3A_446 = tpu.vector_load %arg10[%get3A_445] {strides = array<i32>} : memref<1024xf32, #tpu.memory_space<vmem>>, vector<16xf32>,
      %get3A_447 = vector.shape_cast %get3A_446 : vector<16xf32> to vector<16xf32>
      %shift_right_arithmetic3A_448 = arith.constant 4 : i32
      %shift_right_arithmetic3A_449 = arith.shrsi %squeeze3A_439, %shift_right_arithmetic3A_448 : i32
      %shift_left3A_450 = arith.constant 4 : i32
      %shift_left3A_451 = arith.shli %shift_right_arithmetic3A_449, %shift_left3A_450 : i32
      %multiple_of3A_452 = tpu.assume_multiple %shift_left3A_451, 16 : i32
      %get3A_453 = arith.constant 11 : i32
      %get3A_454 = arith.index_cast %get3A_453 : i32 to index
      %get3A_455 = arith.index_cast %multiple_of3A_452 : i32 to index
      %get3A_456 = tpu.vector_load %arg11[%get3A_454, %get3A_455] {strides = array<i32>} : memref<32x1024xf32, #tpu.memory_space<vmem>>, vector<1x16xf32>,
      %get3A_457 = vector.shape_cast %get3A_456 : vector<1x16xf32> to vector<16xf32>
      %and3A_458 = arith.constant 15 : i32
      %and3A_459 = arith.andi %squeeze3A_437, %and3A_458 : i32
      %eq3A_460 = vector.broadcast %and3A_459 : i32 to vector<16xi32>
      %eq3A_461 = arith.cmpi eq, %iota3A, %eq3A_460 : vector<16xi32>
      %select_n3A_462 = arith.select %eq3A_461, %get3A_447, %broadcast_in_dim3A_48 : vector<16xi1>, vector<16xf32>
      %add3A_463 = arith.addf %sub3A_435, %select_n3A_462 : vector<16xf32>
      %and3A_464 = arith.constant 15 : i32
      %and3A_465 = arith.andi %squeeze3A_439, %and3A_464 : i32
      %eq3A_466 = vector.broadcast %and3A_465 : i32 to vector<16xi32>
      %eq3A_467 = arith.cmpi eq, %iota3A, %eq3A_466 : vector<16xi32>
      %select_n3A_468 = arith.select %eq3A_467, %get3A_457, %broadcast_in_dim3A_48 : vector<16xi1>, vector<16xf32>
      %sub3A_469 = arith.subf %add3A_463, %select_n3A_468 : vector<16xf32>
      %slice3A_470 = vector.extract_strided_slice %get3A_55 {offsets = [12], sizes = [1], strides = [1]} : vector<16xi32> to vector<1xi32>
      %squeeze3A_471 = vector.extract %slice3A_470[0] : i32 from vector<1xi32>
      %slice3A_472 = vector.extract_strided_slice %get3A_58 {offsets = [12], sizes = [1], strides = [1]} : vector<16xi32> to vector<1xi32>
      %squeeze3A_473 = vector.extract %slice3A_472[0] : i32 from vector<1xi32>
      %shift_right_arithmetic3A_474 = arith.constant 4 : i32
      %shift_right_arithmetic3A_475 = arith.shrsi %squeeze3A_471, %shift_right_arithmetic3A_474 : i32
      %shift_left3A_476 = arith.constant 4 : i32
      %shift_left3A_477 = arith.shli %shift_right_arithmetic3A_475, %shift_left3A_476 : i32
      %multiple_of3A_478 = tpu.assume_multiple %shift_left3A_477, 16 : i32
      %get3A_479 = arith.index_cast %multiple_of3A_478 : i32 to index
      %get3A_480 = tpu.vector_load %arg10[%get3A_479] {strides = array<i32>} : memref<1024xf32, #tpu.memory_space<vmem>>, vector<16xf32>,
      %get3A_481 = vector.shape_cast %get3A_480 : vector<16xf32> to vector<16xf32>
      %shift_right_arithmetic3A_482 = arith.constant 4 : i32
      %shift_right_arithmetic3A_483 = arith.shrsi %squeeze3A_473, %shift_right_arithmetic3A_482 : i32
      %shift_left3A_484 = arith.constant 4 : i32
      %shift_left3A_485 = arith.shli %shift_right_arithmetic3A_483, %shift_left3A_484 : i32
      %multiple_of3A_486 = tpu.assume_multiple %shift_left3A_485, 16 : i32
      %get3A_487 = arith.constant 12 : i32
      %get3A_488 = arith.index_cast %get3A_487 : i32 to index
      %get3A_489 = arith.index_cast %multiple_of3A_486 : i32 to index
      %get3A_490 = tpu.vector_load %arg11[%get3A_488, %get3A_489] {strides = array<i32>} : memref<32x1024xf32, #tpu.memory_space<vmem>>, vector<1x16xf32>,
      %get3A_491 = vector.shape_cast %get3A_490 : vector<1x16xf32> to vector<16xf32>
      %and3A_492 = arith.constant 15 : i32
      %and3A_493 = arith.andi %squeeze3A_471, %and3A_492 : i32
      %eq3A_494 = vector.broadcast %and3A_493 : i32 to vector<16xi32>
      %eq3A_495 = arith.cmpi eq, %iota3A, %eq3A_494 : vector<16xi32>
      %select_n3A_496 = arith.select %eq3A_495, %get3A_481, %broadcast_in_dim3A_48 : vector<16xi1>, vector<16xf32>
      %add3A_497 = arith.addf %sub3A_469, %select_n3A_496 : vector<16xf32>
      %and3A_498 = arith.constant 15 : i32
      %and3A_499 = arith.andi %squeeze3A_473, %and3A_498 : i32
      %eq3A_500 = vector.broadcast %and3A_499 : i32 to vector<16xi32>
      %eq3A_501 = arith.cmpi eq, %iota3A, %eq3A_500 : vector<16xi32>
      %select_n3A_502 = arith.select %eq3A_501, %get3A_491, %broadcast_in_dim3A_48 : vector<16xi1>, vector<16xf32>
      %sub3A_503 = arith.subf %add3A_497, %select_n3A_502 : vector<16xf32>
      %slice3A_504 = vector.extract_strided_slice %get3A_55 {offsets = [13], sizes = [1], strides = [1]} : vector<16xi32> to vector<1xi32>
      %squeeze3A_505 = vector.extract %slice3A_504[0] : i32 from vector<1xi32>
      %slice3A_506 = vector.extract_strided_slice %get3A_58 {offsets = [13], sizes = [1], strides = [1]} : vector<16xi32> to vector<1xi32>
      %squeeze3A_507 = vector.extract %slice3A_506[0] : i32 from vector<1xi32>
      %shift_right_arithmetic3A_508 = arith.constant 4 : i32
      %shift_right_arithmetic3A_509 = arith.shrsi %squeeze3A_505, %shift_right_arithmetic3A_508 : i32
      %shift_left3A_510 = arith.constant 4 : i32
      %shift_left3A_511 = arith.shli %shift_right_arithmetic3A_509, %shift_left3A_510 : i32
      %multiple_of3A_512 = tpu.assume_multiple %shift_left3A_511, 16 : i32
      %get3A_513 = arith.index_cast %multiple_of3A_512 : i32 to index
      %get3A_514 = tpu.vector_load %arg10[%get3A_513] {strides = array<i32>} : memref<1024xf32, #tpu.memory_space<vmem>>, vector<16xf32>,
      %get3A_515 = vector.shape_cast %get3A_514 : vector<16xf32> to vector<16xf32>
      %shift_right_arithmetic3A_516 = arith.constant 4 : i32
      %shift_right_arithmetic3A_517 = arith.shrsi %squeeze3A_507, %shift_right_arithmetic3A_516 : i32
      %shift_left3A_518 = arith.constant 4 : i32
      %shift_left3A_519 = arith.shli %shift_right_arithmetic3A_517, %shift_left3A_518 : i32
      %multiple_of3A_520 = tpu.assume_multiple %shift_left3A_519, 16 : i32
      %get3A_521 = arith.constant 13 : i32
      %get3A_522 = arith.index_cast %get3A_521 : i32 to index
      %get3A_523 = arith.index_cast %multiple_of3A_520 : i32 to index
      %get3A_524 = tpu.vector_load %arg11[%get3A_522, %get3A_523] {strides = array<i32>} : memref<32x1024xf32, #tpu.memory_space<vmem>>, vector<1x16xf32>,
      %get3A_525 = vector.shape_cast %get3A_524 : vector<1x16xf32> to vector<16xf32>
      %and3A_526 = arith.constant 15 : i32
      %and3A_527 = arith.andi %squeeze3A_505, %and3A_526 : i32
      %eq3A_528 = vector.broadcast %and3A_527 : i32 to vector<16xi32>
      %eq3A_529 = arith.cmpi eq, %iota3A, %eq3A_528 : vector<16xi32>
      %select_n3A_530 = arith.select %eq3A_529, %get3A_515, %broadcast_in_dim3A_48 : vector<16xi1>, vector<16xf32>
      %add3A_531 = arith.addf %sub3A_503, %select_n3A_530 : vector<16xf32>
      %and3A_532 = arith.constant 15 : i32
      %and3A_533 = arith.andi %squeeze3A_507, %and3A_532 : i32
      %eq3A_534 = vector.broadcast %and3A_533 : i32 to vector<16xi32>
      %eq3A_535 = arith.cmpi eq, %iota3A, %eq3A_534 : vector<16xi32>
      %select_n3A_536 = arith.select %eq3A_535, %get3A_525, %broadcast_in_dim3A_48 : vector<16xi1>, vector<16xf32>
      %sub3A_537 = arith.subf %add3A_531, %select_n3A_536 : vector<16xf32>
      %slice3A_538 = vector.extract_strided_slice %get3A_55 {offsets = [14], sizes = [1], strides = [1]} : vector<16xi32> to vector<1xi32>
      %squeeze3A_539 = vector.extract %slice3A_538[0] : i32 from vector<1xi32>
      %slice3A_540 = vector.extract_strided_slice %get3A_58 {offsets = [14], sizes = [1], strides = [1]} : vector<16xi32> to vector<1xi32>
      %squeeze3A_541 = vector.extract %slice3A_540[0] : i32 from vector<1xi32>
      %shift_right_arithmetic3A_542 = arith.constant 4 : i32
      %shift_right_arithmetic3A_543 = arith.shrsi %squeeze3A_539, %shift_right_arithmetic3A_542 : i32
      %shift_left3A_544 = arith.constant 4 : i32
      %shift_left3A_545 = arith.shli %shift_right_arithmetic3A_543, %shift_left3A_544 : i32
      %multiple_of3A_546 = tpu.assume_multiple %shift_left3A_545, 16 : i32
      %get3A_547 = arith.index_cast %multiple_of3A_546 : i32 to index
      %get3A_548 = tpu.vector_load %arg10[%get3A_547] {strides = array<i32>} : memref<1024xf32, #tpu.memory_space<vmem>>, vector<16xf32>,
      %get3A_549 = vector.shape_cast %get3A_548 : vector<16xf32> to vector<16xf32>
      %shift_right_arithmetic3A_550 = arith.constant 4 : i32
      %shift_right_arithmetic3A_551 = arith.shrsi %squeeze3A_541, %shift_right_arithmetic3A_550 : i32
      %shift_left3A_552 = arith.constant 4 : i32
      %shift_left3A_553 = arith.shli %shift_right_arithmetic3A_551, %shift_left3A_552 : i32
      %multiple_of3A_554 = tpu.assume_multiple %shift_left3A_553, 16 : i32
      %get3A_555 = arith.constant 14 : i32
      %get3A_556 = arith.index_cast %get3A_555 : i32 to index
      %get3A_557 = arith.index_cast %multiple_of3A_554 : i32 to index
      %get3A_558 = tpu.vector_load %arg11[%get3A_556, %get3A_557] {strides = array<i32>} : memref<32x1024xf32, #tpu.memory_space<vmem>>, vector<1x16xf32>,
      %get3A_559 = vector.shape_cast %get3A_558 : vector<1x16xf32> to vector<16xf32>
      %and3A_560 = arith.constant 15 : i32
      %and3A_561 = arith.andi %squeeze3A_539, %and3A_560 : i32
      %eq3A_562 = vector.broadcast %and3A_561 : i32 to vector<16xi32>
      %eq3A_563 = arith.cmpi eq, %iota3A, %eq3A_562 : vector<16xi32>
      %select_n3A_564 = arith.select %eq3A_563, %get3A_549, %broadcast_in_dim3A_48 : vector<16xi1>, vector<16xf32>
      %add3A_565 = arith.addf %sub3A_537, %select_n3A_564 : vector<16xf32>
      %and3A_566 = arith.constant 15 : i32
      %and3A_567 = arith.andi %squeeze3A_541, %and3A_566 : i32
      %eq3A_568 = vector.broadcast %and3A_567 : i32 to vector<16xi32>
      %eq3A_569 = arith.cmpi eq, %iota3A, %eq3A_568 : vector<16xi32>
      %select_n3A_570 = arith.select %eq3A_569, %get3A_559, %broadcast_in_dim3A_48 : vector<16xi1>, vector<16xf32>
      %sub3A_571 = arith.subf %add3A_565, %select_n3A_570 : vector<16xf32>
      %slice3A_572 = vector.extract_strided_slice %get3A_55 {offsets = [15], sizes = [1], strides = [1]} : vector<16xi32> to vector<1xi32>
      %squeeze3A_573 = vector.extract %slice3A_572[0] : i32 from vector<1xi32>
      %slice3A_574 = vector.extract_strided_slice %get3A_58 {offsets = [15], sizes = [1], strides = [1]} : vector<16xi32> to vector<1xi32>
      %squeeze3A_575 = vector.extract %slice3A_574[0] : i32 from vector<1xi32>
      %shift_right_arithmetic3A_576 = arith.constant 4 : i32
      %shift_right_arithmetic3A_577 = arith.shrsi %squeeze3A_573, %shift_right_arithmetic3A_576 : i32
      %shift_left3A_578 = arith.constant 4 : i32
      %shift_left3A_579 = arith.shli %shift_right_arithmetic3A_577, %shift_left3A_578 : i32
      %multiple_of3A_580 = tpu.assume_multiple %shift_left3A_579, 16 : i32
      %get3A_581 = arith.index_cast %multiple_of3A_580 : i32 to index
      %get3A_582 = tpu.vector_load %arg10[%get3A_581] {strides = array<i32>} : memref<1024xf32, #tpu.memory_space<vmem>>, vector<16xf32>,
      %get3A_583 = vector.shape_cast %get3A_582 : vector<16xf32> to vector<16xf32>
      %shift_right_arithmetic3A_584 = arith.constant 4 : i32
      %shift_right_arithmetic3A_585 = arith.shrsi %squeeze3A_575, %shift_right_arithmetic3A_584 : i32
      %shift_left3A_586 = arith.constant 4 : i32
      %shift_left3A_587 = arith.shli %shift_right_arithmetic3A_585, %shift_left3A_586 : i32
      %multiple_of3A_588 = tpu.assume_multiple %shift_left3A_587, 16 : i32
      %get3A_589 = arith.constant 15 : i32
      %get3A_590 = arith.index_cast %get3A_589 : i32 to index
      %get3A_591 = arith.index_cast %multiple_of3A_588 : i32 to index
      %get3A_592 = tpu.vector_load %arg11[%get3A_590, %get3A_591] {strides = array<i32>} : memref<32x1024xf32, #tpu.memory_space<vmem>>, vector<1x16xf32>,
      %get3A_593 = vector.shape_cast %get3A_592 : vector<1x16xf32> to vector<16xf32>
      %and3A_594 = arith.constant 15 : i32
      %and3A_595 = arith.andi %squeeze3A_573, %and3A_594 : i32
      %eq3A_596 = vector.broadcast %and3A_595 : i32 to vector<16xi32>
      %eq3A_597 = arith.cmpi eq, %iota3A, %eq3A_596 : vector<16xi32>
      %select_n3A_598 = arith.select %eq3A_597, %get3A_583, %broadcast_in_dim3A_48 : vector<16xi1>, vector<16xf32>
      %add3A_599 = arith.addf %sub3A_571, %select_n3A_598 : vector<16xf32>
      %and3A_600 = arith.constant 15 : i32
      %and3A_601 = arith.andi %squeeze3A_575, %and3A_600 : i32
      %eq3A_602 = vector.broadcast %and3A_601 : i32 to vector<16xi32>
      %eq3A_603 = arith.cmpi eq, %iota3A, %eq3A_602 : vector<16xi32>
      %select_n3A_604 = arith.select %eq3A_603, %get3A_593, %broadcast_in_dim3A_48 : vector<16xi1>, vector<16xf32>
      %sub3A_605 = arith.subf %add3A_599, %select_n3A_604 : vector<16xf32>
      %slice3A_606 = vector.extract_strided_slice %get3A_66 {offsets = [0], sizes = [1], strides = [1]} : vector<16xi32> to vector<1xi32>
      %squeeze3A_607 = vector.extract %slice3A_606[0] : i32 from vector<1xi32>
      %slice3A_608 = vector.extract_strided_slice %get3A_69 {offsets = [0], sizes = [1], strides = [1]} : vector<16xi32> to vector<1xi32>
      %squeeze3A_609 = vector.extract %slice3A_608[0] : i32 from vector<1xi32>
      %shift_right_arithmetic3A_610 = arith.constant 4 : i32
      %shift_right_arithmetic3A_611 = arith.shrsi %squeeze3A_607, %shift_right_arithmetic3A_610 : i32
      %shift_left3A_612 = arith.constant 4 : i32
      %shift_left3A_613 = arith.shli %shift_right_arithmetic3A_611, %shift_left3A_612 : i32
      %multiple_of3A_614 = tpu.assume_multiple %shift_left3A_613, 16 : i32
      %get3A_615 = arith.index_cast %multiple_of3A_614 : i32 to index
      %get3A_616 = tpu.vector_load %arg10[%get3A_615] {strides = array<i32>} : memref<1024xf32, #tpu.memory_space<vmem>>, vector<16xf32>,
      %get3A_617 = vector.shape_cast %get3A_616 : vector<16xf32> to vector<16xf32>
      %shift_right_arithmetic3A_618 = arith.constant 4 : i32
      %shift_right_arithmetic3A_619 = arith.shrsi %squeeze3A_609, %shift_right_arithmetic3A_618 : i32
      %shift_left3A_620 = arith.constant 4 : i32
      %shift_left3A_621 = arith.shli %shift_right_arithmetic3A_619, %shift_left3A_620 : i32
      %multiple_of3A_622 = tpu.assume_multiple %shift_left3A_621, 16 : i32
      %get3A_623 = arith.constant 16 : i32
      %get3A_624 = arith.index_cast %get3A_623 : i32 to index
      %get3A_625 = arith.index_cast %multiple_of3A_622 : i32 to index
      %get3A_626 = tpu.vector_load %arg11[%get3A_624, %get3A_625] {strides = array<i32>} : memref<32x1024xf32, #tpu.memory_space<vmem>>, vector<1x16xf32>,
      %get3A_627 = vector.shape_cast %get3A_626 : vector<1x16xf32> to vector<16xf32>
      %and3A_628 = arith.constant 15 : i32
      %and3A_629 = arith.andi %squeeze3A_607, %and3A_628 : i32
      %eq3A_630 = vector.broadcast %and3A_629 : i32 to vector<16xi32>
      %eq3A_631 = arith.cmpi eq, %iota3A, %eq3A_630 : vector<16xi32>
      %select_n3A_632 = arith.select %eq3A_631, %get3A_617, %broadcast_in_dim3A_48 : vector<16xi1>, vector<16xf32>
      %add3A_633 = arith.addf %sub3A_605, %select_n3A_632 : vector<16xf32>
      %and3A_634 = arith.constant 15 : i32
      %and3A_635 = arith.andi %squeeze3A_609, %and3A_634 : i32
      %eq3A_636 = vector.broadcast %and3A_635 : i32 to vector<16xi32>
      %eq3A_637 = arith.cmpi eq, %iota3A, %eq3A_636 : vector<16xi32>
      %select_n3A_638 = arith.select %eq3A_637, %get3A_627, %broadcast_in_dim3A_48 : vector<16xi1>, vector<16xf32>
      %sub3A_639 = arith.subf %add3A_633, %select_n3A_638 : vector<16xf32>
      %slice3A_640 = vector.extract_strided_slice %get3A_66 {offsets = [1], sizes = [1], strides = [1]} : vector<16xi32> to vector<1xi32>
      %squeeze3A_641 = vector.extract %slice3A_640[0] : i32 from vector<1xi32>
      %slice3A_642 = vector.extract_strided_slice %get3A_69 {offsets = [1], sizes = [1], strides = [1]} : vector<16xi32> to vector<1xi32>
      %squeeze3A_643 = vector.extract %slice3A_642[0] : i32 from vector<1xi32>
      %shift_right_arithmetic3A_644 = arith.constant 4 : i32
      %shift_right_arithmetic3A_645 = arith.shrsi %squeeze3A_641, %shift_right_arithmetic3A_644 : i32
      %shift_left3A_646 = arith.constant 4 : i32
      %shift_left3A_647 = arith.shli %shift_right_arithmetic3A_645, %shift_left3A_646 : i32
      %multiple_of3A_648 = tpu.assume_multiple %shift_left3A_647, 16 : i32
      %get3A_649 = arith.index_cast %multiple_of3A_648 : i32 to index
      %get3A_650 = tpu.vector_load %arg10[%get3A_649] {strides = array<i32>} : memref<1024xf32, #tpu.memory_space<vmem>>, vector<16xf32>,
      %get3A_651 = vector.shape_cast %get3A_650 : vector<16xf32> to vector<16xf32>
      %shift_right_arithmetic3A_652 = arith.constant 4 : i32
      %shift_right_arithmetic3A_653 = arith.shrsi %squeeze3A_643, %shift_right_arithmetic3A_652 : i32
      %shift_left3A_654 = arith.constant 4 : i32
      %shift_left3A_655 = arith.shli %shift_right_arithmetic3A_653, %shift_left3A_654 : i32
      %multiple_of3A_656 = tpu.assume_multiple %shift_left3A_655, 16 : i32
      %get3A_657 = arith.constant 17 : i32
      %get3A_658 = arith.index_cast %get3A_657 : i32 to index
      %get3A_659 = arith.index_cast %multiple_of3A_656 : i32 to index
      %get3A_660 = tpu.vector_load %arg11[%get3A_658, %get3A_659] {strides = array<i32>} : memref<32x1024xf32, #tpu.memory_space<vmem>>, vector<1x16xf32>,
      %get3A_661 = vector.shape_cast %get3A_660 : vector<1x16xf32> to vector<16xf32>
      %and3A_662 = arith.constant 15 : i32
      %and3A_663 = arith.andi %squeeze3A_641, %and3A_662 : i32
      %eq3A_664 = vector.broadcast %and3A_663 : i32 to vector<16xi32>
      %eq3A_665 = arith.cmpi eq, %iota3A, %eq3A_664 : vector<16xi32>
      %select_n3A_666 = arith.select %eq3A_665, %get3A_651, %broadcast_in_dim3A_48 : vector<16xi1>, vector<16xf32>
      %add3A_667 = arith.addf %sub3A_639, %select_n3A_666 : vector<16xf32>
      %and3A_668 = arith.constant 15 : i32
      %and3A_669 = arith.andi %squeeze3A_643, %and3A_668 : i32
      %eq3A_670 = vector.broadcast %and3A_669 : i32 to vector<16xi32>
      %eq3A_671 = arith.cmpi eq, %iota3A, %eq3A_670 : vector<16xi32>
      %select_n3A_672 = arith.select %eq3A_671, %get3A_661, %broadcast_in_dim3A_48 : vector<16xi1>, vector<16xf32>
      %sub3A_673 = arith.subf %add3A_667, %select_n3A_672 : vector<16xf32>
      %slice3A_674 = vector.extract_strided_slice %get3A_66 {offsets = [2], sizes = [1], strides = [1]} : vector<16xi32> to vector<1xi32>
      %squeeze3A_675 = vector.extract %slice3A_674[0] : i32 from vector<1xi32>
      %slice3A_676 = vector.extract_strided_slice %get3A_69 {offsets = [2], sizes = [1], strides = [1]} : vector<16xi32> to vector<1xi32>
      %squeeze3A_677 = vector.extract %slice3A_676[0] : i32 from vector<1xi32>
      %shift_right_arithmetic3A_678 = arith.constant 4 : i32
      %shift_right_arithmetic3A_679 = arith.shrsi %squeeze3A_675, %shift_right_arithmetic3A_678 : i32
      %shift_left3A_680 = arith.constant 4 : i32
      %shift_left3A_681 = arith.shli %shift_right_arithmetic3A_679, %shift_left3A_680 : i32
      %multiple_of3A_682 = tpu.assume_multiple %shift_left3A_681, 16 : i32
      %get3A_683 = arith.index_cast %multiple_of3A_682 : i32 to index
      %get3A_684 = tpu.vector_load %arg10[%get3A_683] {strides = array<i32>} : memref<1024xf32, #tpu.memory_space<vmem>>, vector<16xf32>,
      %get3A_685 = vector.shape_cast %get3A_684 : vector<16xf32> to vector<16xf32>
      %shift_right_arithmetic3A_686 = arith.constant 4 : i32
      %shift_right_arithmetic3A_687 = arith.shrsi %squeeze3A_677, %shift_right_arithmetic3A_686 : i32
      %shift_left3A_688 = arith.constant 4 : i32
      %shift_left3A_689 = arith.shli %shift_right_arithmetic3A_687, %shift_left3A_688 : i32
      %multiple_of3A_690 = tpu.assume_multiple %shift_left3A_689, 16 : i32
      %get3A_691 = arith.constant 18 : i32
      %get3A_692 = arith.index_cast %get3A_691 : i32 to index
      %get3A_693 = arith.index_cast %multiple_of3A_690 : i32 to index
      %get3A_694 = tpu.vector_load %arg11[%get3A_692, %get3A_693] {strides = array<i32>} : memref<32x1024xf32, #tpu.memory_space<vmem>>, vector<1x16xf32>,
      %get3A_695 = vector.shape_cast %get3A_694 : vector<1x16xf32> to vector<16xf32>
      %and3A_696 = arith.constant 15 : i32
      %and3A_697 = arith.andi %squeeze3A_675, %and3A_696 : i32
      %eq3A_698 = vector.broadcast %and3A_697 : i32 to vector<16xi32>
      %eq3A_699 = arith.cmpi eq, %iota3A, %eq3A_698 : vector<16xi32>
      %select_n3A_700 = arith.select %eq3A_699, %get3A_685, %broadcast_in_dim3A_48 : vector<16xi1>, vector<16xf32>
      %add3A_701 = arith.addf %sub3A_673, %select_n3A_700 : vector<16xf32>
      %and3A_702 = arith.constant 15 : i32
      %and3A_703 = arith.andi %squeeze3A_677, %and3A_702 : i32
      %eq3A_704 = vector.broadcast %and3A_703 : i32 to vector<16xi32>
      %eq3A_705 = arith.cmpi eq, %iota3A, %eq3A_704 : vector<16xi32>
      %select_n3A_706 = arith.select %eq3A_705, %get3A_695, %broadcast_in_dim3A_48 : vector<16xi1>, vector<16xf32>
      %sub3A_707 = arith.subf %add3A_701, %select_n3A_706 : vector<16xf32>
      %slice3A_708 = vector.extract_strided_slice %get3A_66 {offsets = [3], sizes = [1], strides = [1]} : vector<16xi32> to vector<1xi32>
      %squeeze3A_709 = vector.extract %slice3A_708[0] : i32 from vector<1xi32>
      %slice3A_710 = vector.extract_strided_slice %get3A_69 {offsets = [3], sizes = [1], strides = [1]} : vector<16xi32> to vector<1xi32>
      %squeeze3A_711 = vector.extract %slice3A_710[0] : i32 from vector<1xi32>
      %shift_right_arithmetic3A_712 = arith.constant 4 : i32
      %shift_right_arithmetic3A_713 = arith.shrsi %squeeze3A_709, %shift_right_arithmetic3A_712 : i32
      %shift_left3A_714 = arith.constant 4 : i32
      %shift_left3A_715 = arith.shli %shift_right_arithmetic3A_713, %shift_left3A_714 : i32
      %multiple_of3A_716 = tpu.assume_multiple %shift_left3A_715, 16 : i32
      %get3A_717 = arith.index_cast %multiple_of3A_716 : i32 to index
      %get3A_718 = tpu.vector_load %arg10[%get3A_717] {strides = array<i32>} : memref<1024xf32, #tpu.memory_space<vmem>>, vector<16xf32>,
      %get3A_719 = vector.shape_cast %get3A_718 : vector<16xf32> to vector<16xf32>
      %shift_right_arithmetic3A_720 = arith.constant 4 : i32
      %shift_right_arithmetic3A_721 = arith.shrsi %squeeze3A_711, %shift_right_arithmetic3A_720 : i32
      %shift_left3A_722 = arith.constant 4 : i32
      %shift_left3A_723 = arith.shli %shift_right_arithmetic3A_721, %shift_left3A_722 : i32
      %multiple_of3A_724 = tpu.assume_multiple %shift_left3A_723, 16 : i32
      %get3A_725 = arith.constant 19 : i32
      %get3A_726 = arith.index_cast %get3A_725 : i32 to index
      %get3A_727 = arith.index_cast %multiple_of3A_724 : i32 to index
      %get3A_728 = tpu.vector_load %arg11[%get3A_726, %get3A_727] {strides = array<i32>} : memref<32x1024xf32, #tpu.memory_space<vmem>>, vector<1x16xf32>,
      %get3A_729 = vector.shape_cast %get3A_728 : vector<1x16xf32> to vector<16xf32>
      %and3A_730 = arith.constant 15 : i32
      %and3A_731 = arith.andi %squeeze3A_709, %and3A_730 : i32
      %eq3A_732 = vector.broadcast %and3A_731 : i32 to vector<16xi32>
      %eq3A_733 = arith.cmpi eq, %iota3A, %eq3A_732 : vector<16xi32>
      %select_n3A_734 = arith.select %eq3A_733, %get3A_719, %broadcast_in_dim3A_48 : vector<16xi1>, vector<16xf32>
      %add3A_735 = arith.addf %sub3A_707, %select_n3A_734 : vector<16xf32>
      %and3A_736 = arith.constant 15 : i32
      %and3A_737 = arith.andi %squeeze3A_711, %and3A_736 : i32
      %eq3A_738 = vector.broadcast %and3A_737 : i32 to vector<16xi32>
      %eq3A_739 = arith.cmpi eq, %iota3A, %eq3A_738 : vector<16xi32>
      %select_n3A_740 = arith.select %eq3A_739, %get3A_729, %broadcast_in_dim3A_48 : vector<16xi1>, vector<16xf32>
      %sub3A_741 = arith.subf %add3A_735, %select_n3A_740 : vector<16xf32>
      %slice3A_742 = vector.extract_strided_slice %get3A_66 {offsets = [4], sizes = [1], strides = [1]} : vector<16xi32> to vector<1xi32>
      %squeeze3A_743 = vector.extract %slice3A_742[0] : i32 from vector<1xi32>
      %slice3A_744 = vector.extract_strided_slice %get3A_69 {offsets = [4], sizes = [1], strides = [1]} : vector<16xi32> to vector<1xi32>
      %squeeze3A_745 = vector.extract %slice3A_744[0] : i32 from vector<1xi32>
      %shift_right_arithmetic3A_746 = arith.constant 4 : i32
      %shift_right_arithmetic3A_747 = arith.shrsi %squeeze3A_743, %shift_right_arithmetic3A_746 : i32
      %shift_left3A_748 = arith.constant 4 : i32
      %shift_left3A_749 = arith.shli %shift_right_arithmetic3A_747, %shift_left3A_748 : i32
      %multiple_of3A_750 = tpu.assume_multiple %shift_left3A_749, 16 : i32
      %get3A_751 = arith.index_cast %multiple_of3A_750 : i32 to index
      %get3A_752 = tpu.vector_load %arg10[%get3A_751] {strides = array<i32>} : memref<1024xf32, #tpu.memory_space<vmem>>, vector<16xf32>,
      %get3A_753 = vector.shape_cast %get3A_752 : vector<16xf32> to vector<16xf32>
      %shift_right_arithmetic3A_754 = arith.constant 4 : i32
      %shift_right_arithmetic3A_755 = arith.shrsi %squeeze3A_745, %shift_right_arithmetic3A_754 : i32
      %shift_left3A_756 = arith.constant 4 : i32
      %shift_left3A_757 = arith.shli %shift_right_arithmetic3A_755, %shift_left3A_756 : i32
      %multiple_of3A_758 = tpu.assume_multiple %shift_left3A_757, 16 : i32
      %get3A_759 = arith.constant 20 : i32
      %get3A_760 = arith.index_cast %get3A_759 : i32 to index
      %get3A_761 = arith.index_cast %multiple_of3A_758 : i32 to index
      %get3A_762 = tpu.vector_load %arg11[%get3A_760, %get3A_761] {strides = array<i32>} : memref<32x1024xf32, #tpu.memory_space<vmem>>, vector<1x16xf32>,
      %get3A_763 = vector.shape_cast %get3A_762 : vector<1x16xf32> to vector<16xf32>
      %and3A_764 = arith.constant 15 : i32
      %and3A_765 = arith.andi %squeeze3A_743, %and3A_764 : i32
      %eq3A_766 = vector.broadcast %and3A_765 : i32 to vector<16xi32>
      %eq3A_767 = arith.cmpi eq, %iota3A, %eq3A_766 : vector<16xi32>
      %select_n3A_768 = arith.select %eq3A_767, %get3A_753, %broadcast_in_dim3A_48 : vector<16xi1>, vector<16xf32>
      %add3A_769 = arith.addf %sub3A_741, %select_n3A_768 : vector<16xf32>
      %and3A_770 = arith.constant 15 : i32
      %and3A_771 = arith.andi %squeeze3A_745, %and3A_770 : i32
      %eq3A_772 = vector.broadcast %and3A_771 : i32 to vector<16xi32>
      %eq3A_773 = arith.cmpi eq, %iota3A, %eq3A_772 : vector<16xi32>
      %select_n3A_774 = arith.select %eq3A_773, %get3A_763, %broadcast_in_dim3A_48 : vector<16xi1>, vector<16xf32>
      %sub3A_775 = arith.subf %add3A_769, %select_n3A_774 : vector<16xf32>
      %slice3A_776 = vector.extract_strided_slice %get3A_66 {offsets = [5], sizes = [1], strides = [1]} : vector<16xi32> to vector<1xi32>
      %squeeze3A_777 = vector.extract %slice3A_776[0] : i32 from vector<1xi32>
      %slice3A_778 = vector.extract_strided_slice %get3A_69 {offsets = [5], sizes = [1], strides = [1]} : vector<16xi32> to vector<1xi32>
      %squeeze3A_779 = vector.extract %slice3A_778[0] : i32 from vector<1xi32>
      %shift_right_arithmetic3A_780 = arith.constant 4 : i32
      %shift_right_arithmetic3A_781 = arith.shrsi %squeeze3A_777, %shift_right_arithmetic3A_780 : i32
      %shift_left3A_782 = arith.constant 4 : i32
      %shift_left3A_783 = arith.shli %shift_right_arithmetic3A_781, %shift_left3A_782 : i32
      %multiple_of3A_784 = tpu.assume_multiple %shift_left3A_783, 16 : i32
      %get3A_785 = arith.index_cast %multiple_of3A_784 : i32 to index
      %get3A_786 = tpu.vector_load %arg10[%get3A_785] {strides = array<i32>} : memref<1024xf32, #tpu.memory_space<vmem>>, vector<16xf32>,
      %get3A_787 = vector.shape_cast %get3A_786 : vector<16xf32> to vector<16xf32>
      %shift_right_arithmetic3A_788 = arith.constant 4 : i32
      %shift_right_arithmetic3A_789 = arith.shrsi %squeeze3A_779, %shift_right_arithmetic3A_788 : i32
      %shift_left3A_790 = arith.constant 4 : i32
      %shift_left3A_791 = arith.shli %shift_right_arithmetic3A_789, %shift_left3A_790 : i32
      %multiple_of3A_792 = tpu.assume_multiple %shift_left3A_791, 16 : i32
      %get3A_793 = arith.constant 21 : i32
      %get3A_794 = arith.index_cast %get3A_793 : i32 to index
      %get3A_795 = arith.index_cast %multiple_of3A_792 : i32 to index
      %get3A_796 = tpu.vector_load %arg11[%get3A_794, %get3A_795] {strides = array<i32>} : memref<32x1024xf32, #tpu.memory_space<vmem>>, vector<1x16xf32>,
      %get3A_797 = vector.shape_cast %get3A_796 : vector<1x16xf32> to vector<16xf32>
      %and3A_798 = arith.constant 15 : i32
      %and3A_799 = arith.andi %squeeze3A_777, %and3A_798 : i32
      %eq3A_800 = vector.broadcast %and3A_799 : i32 to vector<16xi32>
      %eq3A_801 = arith.cmpi eq, %iota3A, %eq3A_800 : vector<16xi32>
      %select_n3A_802 = arith.select %eq3A_801, %get3A_787, %broadcast_in_dim3A_48 : vector<16xi1>, vector<16xf32>
      %add3A_803 = arith.addf %sub3A_775, %select_n3A_802 : vector<16xf32>
      %and3A_804 = arith.constant 15 : i32
      %and3A_805 = arith.andi %squeeze3A_779, %and3A_804 : i32
      %eq3A_806 = vector.broadcast %and3A_805 : i32 to vector<16xi32>
      %eq3A_807 = arith.cmpi eq, %iota3A, %eq3A_806 : vector<16xi32>
      %select_n3A_808 = arith.select %eq3A_807, %get3A_797, %broadcast_in_dim3A_48 : vector<16xi1>, vector<16xf32>
      %sub3A_809 = arith.subf %add3A_803, %select_n3A_808 : vector<16xf32>
      %slice3A_810 = vector.extract_strided_slice %get3A_66 {offsets = [6], sizes = [1], strides = [1]} : vector<16xi32> to vector<1xi32>
      %squeeze3A_811 = vector.extract %slice3A_810[0] : i32 from vector<1xi32>
      %slice3A_812 = vector.extract_strided_slice %get3A_69 {offsets = [6], sizes = [1], strides = [1]} : vector<16xi32> to vector<1xi32>
      %squeeze3A_813 = vector.extract %slice3A_812[0] : i32 from vector<1xi32>
      %shift_right_arithmetic3A_814 = arith.constant 4 : i32
      %shift_right_arithmetic3A_815 = arith.shrsi %squeeze3A_811, %shift_right_arithmetic3A_814 : i32
      %shift_left3A_816 = arith.constant 4 : i32
      %shift_left3A_817 = arith.shli %shift_right_arithmetic3A_815, %shift_left3A_816 : i32
      %multiple_of3A_818 = tpu.assume_multiple %shift_left3A_817, 16 : i32
      %get3A_819 = arith.index_cast %multiple_of3A_818 : i32 to index
      %get3A_820 = tpu.vector_load %arg10[%get3A_819] {strides = array<i32>} : memref<1024xf32, #tpu.memory_space<vmem>>, vector<16xf32>,
      %get3A_821 = vector.shape_cast %get3A_820 : vector<16xf32> to vector<16xf32>
      %shift_right_arithmetic3A_822 = arith.constant 4 : i32
      %shift_right_arithmetic3A_823 = arith.shrsi %squeeze3A_813, %shift_right_arithmetic3A_822 : i32
      %shift_left3A_824 = arith.constant 4 : i32
      %shift_left3A_825 = arith.shli %shift_right_arithmetic3A_823, %shift_left3A_824 : i32
      %multiple_of3A_826 = tpu.assume_multiple %shift_left3A_825, 16 : i32
      %get3A_827 = arith.constant 22 : i32
      %get3A_828 = arith.index_cast %get3A_827 : i32 to index
      %get3A_829 = arith.index_cast %multiple_of3A_826 : i32 to index
      %get3A_830 = tpu.vector_load %arg11[%get3A_828, %get3A_829] {strides = array<i32>} : memref<32x1024xf32, #tpu.memory_space<vmem>>, vector<1x16xf32>,
      %get3A_831 = vector.shape_cast %get3A_830 : vector<1x16xf32> to vector<16xf32>
      %and3A_832 = arith.constant 15 : i32
      %and3A_833 = arith.andi %squeeze3A_811, %and3A_832 : i32
      %eq3A_834 = vector.broadcast %and3A_833 : i32 to vector<16xi32>
      %eq3A_835 = arith.cmpi eq, %iota3A, %eq3A_834 : vector<16xi32>
      %select_n3A_836 = arith.select %eq3A_835, %get3A_821, %broadcast_in_dim3A_48 : vector<16xi1>, vector<16xf32>
      %add3A_837 = arith.addf %sub3A_809, %select_n3A_836 : vector<16xf32>
      %and3A_838 = arith.constant 15 : i32
      %and3A_839 = arith.andi %squeeze3A_813, %and3A_838 : i32
      %eq3A_840 = vector.broadcast %and3A_839 : i32 to vector<16xi32>
      %eq3A_841 = arith.cmpi eq, %iota3A, %eq3A_840 : vector<16xi32>
      %select_n3A_842 = arith.select %eq3A_841, %get3A_831, %broadcast_in_dim3A_48 : vector<16xi1>, vector<16xf32>
      %sub3A_843 = arith.subf %add3A_837, %select_n3A_842 : vector<16xf32>
      %slice3A_844 = vector.extract_strided_slice %get3A_66 {offsets = [7], sizes = [1], strides = [1]} : vector<16xi32> to vector<1xi32>
      %squeeze3A_845 = vector.extract %slice3A_844[0] : i32 from vector<1xi32>
      %slice3A_846 = vector.extract_strided_slice %get3A_69 {offsets = [7], sizes = [1], strides = [1]} : vector<16xi32> to vector<1xi32>
      %squeeze3A_847 = vector.extract %slice3A_846[0] : i32 from vector<1xi32>
      %shift_right_arithmetic3A_848 = arith.constant 4 : i32
      %shift_right_arithmetic3A_849 = arith.shrsi %squeeze3A_845, %shift_right_arithmetic3A_848 : i32
      %shift_left3A_850 = arith.constant 4 : i32
      %shift_left3A_851 = arith.shli %shift_right_arithmetic3A_849, %shift_left3A_850 : i32
      %multiple_of3A_852 = tpu.assume_multiple %shift_left3A_851, 16 : i32
      %get3A_853 = arith.index_cast %multiple_of3A_852 : i32 to index
      %get3A_854 = tpu.vector_load %arg10[%get3A_853] {strides = array<i32>} : memref<1024xf32, #tpu.memory_space<vmem>>, vector<16xf32>,
      %get3A_855 = vector.shape_cast %get3A_854 : vector<16xf32> to vector<16xf32>
      %shift_right_arithmetic3A_856 = arith.constant 4 : i32
      %shift_right_arithmetic3A_857 = arith.shrsi %squeeze3A_847, %shift_right_arithmetic3A_856 : i32
      %shift_left3A_858 = arith.constant 4 : i32
      %shift_left3A_859 = arith.shli %shift_right_arithmetic3A_857, %shift_left3A_858 : i32
      %multiple_of3A_860 = tpu.assume_multiple %shift_left3A_859, 16 : i32
      %get3A_861 = arith.constant 23 : i32
      %get3A_862 = arith.index_cast %get3A_861 : i32 to index
      %get3A_863 = arith.index_cast %multiple_of3A_860 : i32 to index
      %get3A_864 = tpu.vector_load %arg11[%get3A_862, %get3A_863] {strides = array<i32>} : memref<32x1024xf32, #tpu.memory_space<vmem>>, vector<1x16xf32>,
      %get3A_865 = vector.shape_cast %get3A_864 : vector<1x16xf32> to vector<16xf32>
      %and3A_866 = arith.constant 15 : i32
      %and3A_867 = arith.andi %squeeze3A_845, %and3A_866 : i32
      %eq3A_868 = vector.broadcast %and3A_867 : i32 to vector<16xi32>
      %eq3A_869 = arith.cmpi eq, %iota3A, %eq3A_868 : vector<16xi32>
      %select_n3A_870 = arith.select %eq3A_869, %get3A_855, %broadcast_in_dim3A_48 : vector<16xi1>, vector<16xf32>
      %add3A_871 = arith.addf %sub3A_843, %select_n3A_870 : vector<16xf32>
      %and3A_872 = arith.constant 15 : i32
      %and3A_873 = arith.andi %squeeze3A_847, %and3A_872 : i32
      %eq3A_874 = vector.broadcast %and3A_873 : i32 to vector<16xi32>
      %eq3A_875 = arith.cmpi eq, %iota3A, %eq3A_874 : vector<16xi32>
      %select_n3A_876 = arith.select %eq3A_875, %get3A_865, %broadcast_in_dim3A_48 : vector<16xi1>, vector<16xf32>
      %sub3A_877 = arith.subf %add3A_871, %select_n3A_876 : vector<16xf32>
      %slice3A_878 = vector.extract_strided_slice %get3A_66 {offsets = [8], sizes = [1], strides = [1]} : vector<16xi32> to vector<1xi32>
      %squeeze3A_879 = vector.extract %slice3A_878[0] : i32 from vector<1xi32>
      %slice3A_880 = vector.extract_strided_slice %get3A_69 {offsets = [8], sizes = [1], strides = [1]} : vector<16xi32> to vector<1xi32>
      %squeeze3A_881 = vector.extract %slice3A_880[0] : i32 from vector<1xi32>
      %shift_right_arithmetic3A_882 = arith.constant 4 : i32
      %shift_right_arithmetic3A_883 = arith.shrsi %squeeze3A_879, %shift_right_arithmetic3A_882 : i32
      %shift_left3A_884 = arith.constant 4 : i32
      %shift_left3A_885 = arith.shli %shift_right_arithmetic3A_883, %shift_left3A_884 : i32
      %multiple_of3A_886 = tpu.assume_multiple %shift_left3A_885, 16 : i32
      %get3A_887 = arith.index_cast %multiple_of3A_886 : i32 to index
      %get3A_888 = tpu.vector_load %arg10[%get3A_887] {strides = array<i32>} : memref<1024xf32, #tpu.memory_space<vmem>>, vector<16xf32>,
      %get3A_889 = vector.shape_cast %get3A_888 : vector<16xf32> to vector<16xf32>
      %shift_right_arithmetic3A_890 = arith.constant 4 : i32
      %shift_right_arithmetic3A_891 = arith.shrsi %squeeze3A_881, %shift_right_arithmetic3A_890 : i32
      %shift_left3A_892 = arith.constant 4 : i32
      %shift_left3A_893 = arith.shli %shift_right_arithmetic3A_891, %shift_left3A_892 : i32
      %multiple_of3A_894 = tpu.assume_multiple %shift_left3A_893, 16 : i32
      %get3A_895 = arith.constant 24 : i32
      %get3A_896 = arith.index_cast %get3A_895 : i32 to index
      %get3A_897 = arith.index_cast %multiple_of3A_894 : i32 to index
      %get3A_898 = tpu.vector_load %arg11[%get3A_896, %get3A_897] {strides = array<i32>} : memref<32x1024xf32, #tpu.memory_space<vmem>>, vector<1x16xf32>,
      %get3A_899 = vector.shape_cast %get3A_898 : vector<1x16xf32> to vector<16xf32>
      %and3A_900 = arith.constant 15 : i32
      %and3A_901 = arith.andi %squeeze3A_879, %and3A_900 : i32
      %eq3A_902 = vector.broadcast %and3A_901 : i32 to vector<16xi32>
      %eq3A_903 = arith.cmpi eq, %iota3A, %eq3A_902 : vector<16xi32>
      %select_n3A_904 = arith.select %eq3A_903, %get3A_889, %broadcast_in_dim3A_48 : vector<16xi1>, vector<16xf32>
      %add3A_905 = arith.addf %sub3A_877, %select_n3A_904 : vector<16xf32>
      %and3A_906 = arith.constant 15 : i32
      %and3A_907 = arith.andi %squeeze3A_881, %and3A_906 : i32
      %eq3A_908 = vector.broadcast %and3A_907 : i32 to vector<16xi32>
      %eq3A_909 = arith.cmpi eq, %iota3A, %eq3A_908 : vector<16xi32>
      %select_n3A_910 = arith.select %eq3A_909, %get3A_899, %broadcast_in_dim3A_48 : vector<16xi1>, vector<16xf32>
      %sub3A_911 = arith.subf %add3A_905, %select_n3A_910 : vector<16xf32>
      %slice3A_912 = vector.extract_strided_slice %get3A_66 {offsets = [9], sizes = [1], strides = [1]} : vector<16xi32> to vector<1xi32>
      %squeeze3A_913 = vector.extract %slice3A_912[0] : i32 from vector<1xi32>
      %slice3A_914 = vector.extract_strided_slice %get3A_69 {offsets = [9], sizes = [1], strides = [1]} : vector<16xi32> to vector<1xi32>
      %squeeze3A_915 = vector.extract %slice3A_914[0] : i32 from vector<1xi32>
      %shift_right_arithmetic3A_916 = arith.constant 4 : i32
      %shift_right_arithmetic3A_917 = arith.shrsi %squeeze3A_913, %shift_right_arithmetic3A_916 : i32
      %shift_left3A_918 = arith.constant 4 : i32
      %shift_left3A_919 = arith.shli %shift_right_arithmetic3A_917, %shift_left3A_918 : i32
      %multiple_of3A_920 = tpu.assume_multiple %shift_left3A_919, 16 : i32
      %get3A_921 = arith.index_cast %multiple_of3A_920 : i32 to index
      %get3A_922 = tpu.vector_load %arg10[%get3A_921] {strides = array<i32>} : memref<1024xf32, #tpu.memory_space<vmem>>, vector<16xf32>,
      %get3A_923 = vector.shape_cast %get3A_922 : vector<16xf32> to vector<16xf32>
      %shift_right_arithmetic3A_924 = arith.constant 4 : i32
      %shift_right_arithmetic3A_925 = arith.shrsi %squeeze3A_915, %shift_right_arithmetic3A_924 : i32
      %shift_left3A_926 = arith.constant 4 : i32
      %shift_left3A_927 = arith.shli %shift_right_arithmetic3A_925, %shift_left3A_926 : i32
      %multiple_of3A_928 = tpu.assume_multiple %shift_left3A_927, 16 : i32
      %get3A_929 = arith.constant 25 : i32
      %get3A_930 = arith.index_cast %get3A_929 : i32 to index
      %get3A_931 = arith.index_cast %multiple_of3A_928 : i32 to index
      %get3A_932 = tpu.vector_load %arg11[%get3A_930, %get3A_931] {strides = array<i32>} : memref<32x1024xf32, #tpu.memory_space<vmem>>, vector<1x16xf32>,
      %get3A_933 = vector.shape_cast %get3A_932 : vector<1x16xf32> to vector<16xf32>
      %and3A_934 = arith.constant 15 : i32
      %and3A_935 = arith.andi %squeeze3A_913, %and3A_934 : i32
      %eq3A_936 = vector.broadcast %and3A_935 : i32 to vector<16xi32>
      %eq3A_937 = arith.cmpi eq, %iota3A, %eq3A_936 : vector<16xi32>
      %select_n3A_938 = arith.select %eq3A_937, %get3A_923, %broadcast_in_dim3A_48 : vector<16xi1>, vector<16xf32>
      %add3A_939 = arith.addf %sub3A_911, %select_n3A_938 : vector<16xf32>
      %and3A_940 = arith.constant 15 : i32
      %and3A_941 = arith.andi %squeeze3A_915, %and3A_940 : i32
      %eq3A_942 = vector.broadcast %and3A_941 : i32 to vector<16xi32>
      %eq3A_943 = arith.cmpi eq, %iota3A, %eq3A_942 : vector<16xi32>
      %select_n3A_944 = arith.select %eq3A_943, %get3A_933, %broadcast_in_dim3A_48 : vector<16xi1>, vector<16xf32>
      %sub3A_945 = arith.subf %add3A_939, %select_n3A_944 : vector<16xf32>
      %slice3A_946 = vector.extract_strided_slice %get3A_66 {offsets = [10], sizes = [1], strides = [1]} : vector<16xi32> to vector<1xi32>
      %squeeze3A_947 = vector.extract %slice3A_946[0] : i32 from vector<1xi32>
      %slice3A_948 = vector.extract_strided_slice %get3A_69 {offsets = [10], sizes = [1], strides = [1]} : vector<16xi32> to vector<1xi32>
      %squeeze3A_949 = vector.extract %slice3A_948[0] : i32 from vector<1xi32>
      %shift_right_arithmetic3A_950 = arith.constant 4 : i32
      %shift_right_arithmetic3A_951 = arith.shrsi %squeeze3A_947, %shift_right_arithmetic3A_950 : i32
      %shift_left3A_952 = arith.constant 4 : i32
      %shift_left3A_953 = arith.shli %shift_right_arithmetic3A_951, %shift_left3A_952 : i32
      %multiple_of3A_954 = tpu.assume_multiple %shift_left3A_953, 16 : i32
      %get3A_955 = arith.index_cast %multiple_of3A_954 : i32 to index
      %get3A_956 = tpu.vector_load %arg10[%get3A_955] {strides = array<i32>} : memref<1024xf32, #tpu.memory_space<vmem>>, vector<16xf32>,
      %get3A_957 = vector.shape_cast %get3A_956 : vector<16xf32> to vector<16xf32>
      %shift_right_arithmetic3A_958 = arith.constant 4 : i32
      %shift_right_arithmetic3A_959 = arith.shrsi %squeeze3A_949, %shift_right_arithmetic3A_958 : i32
      %shift_left3A_960 = arith.constant 4 : i32
      %shift_left3A_961 = arith.shli %shift_right_arithmetic3A_959, %shift_left3A_960 : i32
      %multiple_of3A_962 = tpu.assume_multiple %shift_left3A_961, 16 : i32
      %get3A_963 = arith.constant 26 : i32
      %get3A_964 = arith.index_cast %get3A_963 : i32 to index
      %get3A_965 = arith.index_cast %multiple_of3A_962 : i32 to index
      %get3A_966 = tpu.vector_load %arg11[%get3A_964, %get3A_965] {strides = array<i32>} : memref<32x1024xf32, #tpu.memory_space<vmem>>, vector<1x16xf32>,
      %get3A_967 = vector.shape_cast %get3A_966 : vector<1x16xf32> to vector<16xf32>
      %and3A_968 = arith.constant 15 : i32
      %and3A_969 = arith.andi %squeeze3A_947, %and3A_968 : i32
      %eq3A_970 = vector.broadcast %and3A_969 : i32 to vector<16xi32>
      %eq3A_971 = arith.cmpi eq, %iota3A, %eq3A_970 : vector<16xi32>
      %select_n3A_972 = arith.select %eq3A_971, %get3A_957, %broadcast_in_dim3A_48 : vector<16xi1>, vector<16xf32>
      %add3A_973 = arith.addf %sub3A_945, %select_n3A_972 : vector<16xf32>
      %and3A_974 = arith.constant 15 : i32
      %and3A_975 = arith.andi %squeeze3A_949, %and3A_974 : i32
      %eq3A_976 = vector.broadcast %and3A_975 : i32 to vector<16xi32>
      %eq3A_977 = arith.cmpi eq, %iota3A, %eq3A_976 : vector<16xi32>
      %select_n3A_978 = arith.select %eq3A_977, %get3A_967, %broadcast_in_dim3A_48 : vector<16xi1>, vector<16xf32>
      %sub3A_979 = arith.subf %add3A_973, %select_n3A_978 : vector<16xf32>
      %slice3A_980 = vector.extract_strided_slice %get3A_66 {offsets = [11], sizes = [1], strides = [1]} : vector<16xi32> to vector<1xi32>
      %squeeze3A_981 = vector.extract %slice3A_980[0] : i32 from vector<1xi32>
      %slice3A_982 = vector.extract_strided_slice %get3A_69 {offsets = [11], sizes = [1], strides = [1]} : vector<16xi32> to vector<1xi32>
      %squeeze3A_983 = vector.extract %slice3A_982[0] : i32 from vector<1xi32>
      %shift_right_arithmetic3A_984 = arith.constant 4 : i32
      %shift_right_arithmetic3A_985 = arith.shrsi %squeeze3A_981, %shift_right_arithmetic3A_984 : i32
      %shift_left3A_986 = arith.constant 4 : i32
      %shift_left3A_987 = arith.shli %shift_right_arithmetic3A_985, %shift_left3A_986 : i32
      %multiple_of3A_988 = tpu.assume_multiple %shift_left3A_987, 16 : i32
      %get3A_989 = arith.index_cast %multiple_of3A_988 : i32 to index
      %get3A_990 = tpu.vector_load %arg10[%get3A_989] {strides = array<i32>} : memref<1024xf32, #tpu.memory_space<vmem>>, vector<16xf32>,
      %get3A_991 = vector.shape_cast %get3A_990 : vector<16xf32> to vector<16xf32>
      %shift_right_arithmetic3A_992 = arith.constant 4 : i32
      %shift_right_arithmetic3A_993 = arith.shrsi %squeeze3A_983, %shift_right_arithmetic3A_992 : i32
      %shift_left3A_994 = arith.constant 4 : i32
      %shift_left3A_995 = arith.shli %shift_right_arithmetic3A_993, %shift_left3A_994 : i32
      %multiple_of3A_996 = tpu.assume_multiple %shift_left3A_995, 16 : i32
      %get3A_997 = arith.constant 27 : i32
      %get3A_998 = arith.index_cast %get3A_997 : i32 to index
      %get3A_999 = arith.index_cast %multiple_of3A_996 : i32 to index
      %get3A_1000 = tpu.vector_load %arg11[%get3A_998, %get3A_999] {strides = array<i32>} : memref<32x1024xf32, #tpu.memory_space<vmem>>, vector<1x16xf32>,
      %get3A_1001 = vector.shape_cast %get3A_1000 : vector<1x16xf32> to vector<16xf32>
      %and3A_1002 = arith.constant 15 : i32
      %and3A_1003 = arith.andi %squeeze3A_981, %and3A_1002 : i32
      %eq3A_1004 = vector.broadcast %and3A_1003 : i32 to vector<16xi32>
      %eq3A_1005 = arith.cmpi eq, %iota3A, %eq3A_1004 : vector<16xi32>
      %select_n3A_1006 = arith.select %eq3A_1005, %get3A_991, %broadcast_in_dim3A_48 : vector<16xi1>, vector<16xf32>
      %add3A_1007 = arith.addf %sub3A_979, %select_n3A_1006 : vector<16xf32>
      %and3A_1008 = arith.constant 15 : i32
      %and3A_1009 = arith.andi %squeeze3A_983, %and3A_1008 : i32
      %eq3A_1010 = vector.broadcast %and3A_1009 : i32 to vector<16xi32>
      %eq3A_1011 = arith.cmpi eq, %iota3A, %eq3A_1010 : vector<16xi32>
      %select_n3A_1012 = arith.select %eq3A_1011, %get3A_1001, %broadcast_in_dim3A_48 : vector<16xi1>, vector<16xf32>
      %sub3A_1013 = arith.subf %add3A_1007, %select_n3A_1012 : vector<16xf32>
      %slice3A_1014 = vector.extract_strided_slice %get3A_66 {offsets = [12], sizes = [1], strides = [1]} : vector<16xi32> to vector<1xi32>
      %squeeze3A_1015 = vector.extract %slice3A_1014[0] : i32 from vector<1xi32>
      %slice3A_1016 = vector.extract_strided_slice %get3A_69 {offsets = [12], sizes = [1], strides = [1]} : vector<16xi32> to vector<1xi32>
      %squeeze3A_1017 = vector.extract %slice3A_1016[0] : i32 from vector<1xi32>
      %shift_right_arithmetic3A_1018 = arith.constant 4 : i32
      %shift_right_arithmetic3A_1019 = arith.shrsi %squeeze3A_1015, %shift_right_arithmetic3A_1018 : i32
      %shift_left3A_1020 = arith.constant 4 : i32
      %shift_left3A_1021 = arith.shli %shift_right_arithmetic3A_1019, %shift_left3A_1020 : i32
      %multiple_of3A_1022 = tpu.assume_multiple %shift_left3A_1021, 16 : i32
      %get3A_1023 = arith.index_cast %multiple_of3A_1022 : i32 to index
      %get3A_1024 = tpu.vector_load %arg10[%get3A_1023] {strides = array<i32>} : memref<1024xf32, #tpu.memory_space<vmem>>, vector<16xf32>,
      %get3A_1025 = vector.shape_cast %get3A_1024 : vector<16xf32> to vector<16xf32>
      %shift_right_arithmetic3A_1026 = arith.constant 4 : i32
      %shift_right_arithmetic3A_1027 = arith.shrsi %squeeze3A_1017, %shift_right_arithmetic3A_1026 : i32
      %shift_left3A_1028 = arith.constant 4 : i32
      %shift_left3A_1029 = arith.shli %shift_right_arithmetic3A_1027, %shift_left3A_1028 : i32
      %multiple_of3A_1030 = tpu.assume_multiple %shift_left3A_1029, 16 : i32
      %get3A_1031 = arith.constant 28 : i32
      %get3A_1032 = arith.index_cast %get3A_1031 : i32 to index
      %get3A_1033 = arith.index_cast %multiple_of3A_1030 : i32 to index
      %get3A_1034 = tpu.vector_load %arg11[%get3A_1032, %get3A_1033] {strides = array<i32>} : memref<32x1024xf32, #tpu.memory_space<vmem>>, vector<1x16xf32>,
      %get3A_1035 = vector.shape_cast %get3A_1034 : vector<1x16xf32> to vector<16xf32>
      %and3A_1036 = arith.constant 15 : i32
      %and3A_1037 = arith.andi %squeeze3A_1015, %and3A_1036 : i32
      %eq3A_1038 = vector.broadcast %and3A_1037 : i32 to vector<16xi32>
      %eq3A_1039 = arith.cmpi eq, %iota3A, %eq3A_1038 : vector<16xi32>
      %select_n3A_1040 = arith.select %eq3A_1039, %get3A_1025, %broadcast_in_dim3A_48 : vector<16xi1>, vector<16xf32>
      %add3A_1041 = arith.addf %sub3A_1013, %select_n3A_1040 : vector<16xf32>
      %and3A_1042 = arith.constant 15 : i32
      %and3A_1043 = arith.andi %squeeze3A_1017, %and3A_1042 : i32
      %eq3A_1044 = vector.broadcast %and3A_1043 : i32 to vector<16xi32>
      %eq3A_1045 = arith.cmpi eq, %iota3A, %eq3A_1044 : vector<16xi32>
      %select_n3A_1046 = arith.select %eq3A_1045, %get3A_1035, %broadcast_in_dim3A_48 : vector<16xi1>, vector<16xf32>
      %sub3A_1047 = arith.subf %add3A_1041, %select_n3A_1046 : vector<16xf32>
      %slice3A_1048 = vector.extract_strided_slice %get3A_66 {offsets = [13], sizes = [1], strides = [1]} : vector<16xi32> to vector<1xi32>
      %squeeze3A_1049 = vector.extract %slice3A_1048[0] : i32 from vector<1xi32>
      %slice3A_1050 = vector.extract_strided_slice %get3A_69 {offsets = [13], sizes = [1], strides = [1]} : vector<16xi32> to vector<1xi32>
      %squeeze3A_1051 = vector.extract %slice3A_1050[0] : i32 from vector<1xi32>
      %shift_right_arithmetic3A_1052 = arith.constant 4 : i32
      %shift_right_arithmetic3A_1053 = arith.shrsi %squeeze3A_1049, %shift_right_arithmetic3A_1052 : i32
      %shift_left3A_1054 = arith.constant 4 : i32
      %shift_left3A_1055 = arith.shli %shift_right_arithmetic3A_1053, %shift_left3A_1054 : i32
      %multiple_of3A_1056 = tpu.assume_multiple %shift_left3A_1055, 16 : i32
      %get3A_1057 = arith.index_cast %multiple_of3A_1056 : i32 to index
      %get3A_1058 = tpu.vector_load %arg10[%get3A_1057] {strides = array<i32>} : memref<1024xf32, #tpu.memory_space<vmem>>, vector<16xf32>,
      %get3A_1059 = vector.shape_cast %get3A_1058 : vector<16xf32> to vector<16xf32>
      %shift_right_arithmetic3A_1060 = arith.constant 4 : i32
      %shift_right_arithmetic3A_1061 = arith.shrsi %squeeze3A_1051, %shift_right_arithmetic3A_1060 : i32
      %shift_left3A_1062 = arith.constant 4 : i32
      %shift_left3A_1063 = arith.shli %shift_right_arithmetic3A_1061, %shift_left3A_1062 : i32
      %multiple_of3A_1064 = tpu.assume_multiple %shift_left3A_1063, 16 : i32
      %get3A_1065 = arith.constant 29 : i32
      %get3A_1066 = arith.index_cast %get3A_1065 : i32 to index
      %get3A_1067 = arith.index_cast %multiple_of3A_1064 : i32 to index
      %get3A_1068 = tpu.vector_load %arg11[%get3A_1066, %get3A_1067] {strides = array<i32>} : memref<32x1024xf32, #tpu.memory_space<vmem>>, vector<1x16xf32>,
      %get3A_1069 = vector.shape_cast %get3A_1068 : vector<1x16xf32> to vector<16xf32>
      %and3A_1070 = arith.constant 15 : i32
      %and3A_1071 = arith.andi %squeeze3A_1049, %and3A_1070 : i32
      %eq3A_1072 = vector.broadcast %and3A_1071 : i32 to vector<16xi32>
      %eq3A_1073 = arith.cmpi eq, %iota3A, %eq3A_1072 : vector<16xi32>
      %select_n3A_1074 = arith.select %eq3A_1073, %get3A_1059, %broadcast_in_dim3A_48 : vector<16xi1>, vector<16xf32>
      %add3A_1075 = arith.addf %sub3A_1047, %select_n3A_1074 : vector<16xf32>
      %and3A_1076 = arith.constant 15 : i32
      %and3A_1077 = arith.andi %squeeze3A_1051, %and3A_1076 : i32
      %eq3A_1078 = vector.broadcast %and3A_1077 : i32 to vector<16xi32>
      %eq3A_1079 = arith.cmpi eq, %iota3A, %eq3A_1078 : vector<16xi32>
      %select_n3A_1080 = arith.select %eq3A_1079, %get3A_1069, %broadcast_in_dim3A_48 : vector<16xi1>, vector<16xf32>
      %sub3A_1081 = arith.subf %add3A_1075, %select_n3A_1080 : vector<16xf32>
      %slice3A_1082 = vector.extract_strided_slice %get3A_66 {offsets = [14], sizes = [1], strides = [1]} : vector<16xi32> to vector<1xi32>
      %squeeze3A_1083 = vector.extract %slice3A_1082[0] : i32 from vector<1xi32>
      %slice3A_1084 = vector.extract_strided_slice %get3A_69 {offsets = [14], sizes = [1], strides = [1]} : vector<16xi32> to vector<1xi32>
      %squeeze3A_1085 = vector.extract %slice3A_1084[0] : i32 from vector<1xi32>
      %shift_right_arithmetic3A_1086 = arith.constant 4 : i32
      %shift_right_arithmetic3A_1087 = arith.shrsi %squeeze3A_1083, %shift_right_arithmetic3A_1086 : i32
      %shift_left3A_1088 = arith.constant 4 : i32
      %shift_left3A_1089 = arith.shli %shift_right_arithmetic3A_1087, %shift_left3A_1088 : i32
      %multiple_of3A_1090 = tpu.assume_multiple %shift_left3A_1089, 16 : i32
      %get3A_1091 = arith.index_cast %multiple_of3A_1090 : i32 to index
      %get3A_1092 = tpu.vector_load %arg10[%get3A_1091] {strides = array<i32>} : memref<1024xf32, #tpu.memory_space<vmem>>, vector<16xf32>,
      %get3A_1093 = vector.shape_cast %get3A_1092 : vector<16xf32> to vector<16xf32>
      %shift_right_arithmetic3A_1094 = arith.constant 4 : i32
      %shift_right_arithmetic3A_1095 = arith.shrsi %squeeze3A_1085, %shift_right_arithmetic3A_1094 : i32
      %shift_left3A_1096 = arith.constant 4 : i32
      %shift_left3A_1097 = arith.shli %shift_right_arithmetic3A_1095, %shift_left3A_1096 : i32
      %multiple_of3A_1098 = tpu.assume_multiple %shift_left3A_1097, 16 : i32
      %get3A_1099 = arith.constant 30 : i32
      %get3A_1100 = arith.index_cast %get3A_1099 : i32 to index
      %get3A_1101 = arith.index_cast %multiple_of3A_1098 : i32 to index
      %get3A_1102 = tpu.vector_load %arg11[%get3A_1100, %get3A_1101] {strides = array<i32>} : memref<32x1024xf32, #tpu.memory_space<vmem>>, vector<1x16xf32>,
      %get3A_1103 = vector.shape_cast %get3A_1102 : vector<1x16xf32> to vector<16xf32>
      %and3A_1104 = arith.constant 15 : i32
      %and3A_1105 = arith.andi %squeeze3A_1083, %and3A_1104 : i32
      %eq3A_1106 = vector.broadcast %and3A_1105 : i32 to vector<16xi32>
      %eq3A_1107 = arith.cmpi eq, %iota3A, %eq3A_1106 : vector<16xi32>
      %select_n3A_1108 = arith.select %eq3A_1107, %get3A_1093, %broadcast_in_dim3A_48 : vector<16xi1>, vector<16xf32>
      %add3A_1109 = arith.addf %sub3A_1081, %select_n3A_1108 : vector<16xf32>
      %and3A_1110 = arith.constant 15 : i32
      %and3A_1111 = arith.andi %squeeze3A_1085, %and3A_1110 : i32
      %eq3A_1112 = vector.broadcast %and3A_1111 : i32 to vector<16xi32>
      %eq3A_1113 = arith.cmpi eq, %iota3A, %eq3A_1112 : vector<16xi32>
      %select_n3A_1114 = arith.select %eq3A_1113, %get3A_1103, %broadcast_in_dim3A_48 : vector<16xi1>, vector<16xf32>
      %sub3A_1115 = arith.subf %add3A_1109, %select_n3A_1114 : vector<16xf32>
      %slice3A_1116 = vector.extract_strided_slice %get3A_66 {offsets = [15], sizes = [1], strides = [1]} : vector<16xi32> to vector<1xi32>
      %squeeze3A_1117 = vector.extract %slice3A_1116[0] : i32 from vector<1xi32>
      %slice3A_1118 = vector.extract_strided_slice %get3A_69 {offsets = [15], sizes = [1], strides = [1]} : vector<16xi32> to vector<1xi32>
      %squeeze3A_1119 = vector.extract %slice3A_1118[0] : i32 from vector<1xi32>
      %shift_right_arithmetic3A_1120 = arith.constant 4 : i32
      %shift_right_arithmetic3A_1121 = arith.shrsi %squeeze3A_1117, %shift_right_arithmetic3A_1120 : i32
      %shift_left3A_1122 = arith.constant 4 : i32
      %shift_left3A_1123 = arith.shli %shift_right_arithmetic3A_1121, %shift_left3A_1122 : i32
      %multiple_of3A_1124 = tpu.assume_multiple %shift_left3A_1123, 16 : i32
      %get3A_1125 = arith.index_cast %multiple_of3A_1124 : i32 to index
      %get3A_1126 = tpu.vector_load %arg10[%get3A_1125] {strides = array<i32>} : memref<1024xf32, #tpu.memory_space<vmem>>, vector<16xf32>,
      %get3A_1127 = vector.shape_cast %get3A_1126 : vector<16xf32> to vector<16xf32>
      %shift_right_arithmetic3A_1128 = arith.constant 4 : i32
      %shift_right_arithmetic3A_1129 = arith.shrsi %squeeze3A_1119, %shift_right_arithmetic3A_1128 : i32
      %shift_left3A_1130 = arith.constant 4 : i32
      %shift_left3A_1131 = arith.shli %shift_right_arithmetic3A_1129, %shift_left3A_1130 : i32
      %multiple_of3A_1132 = tpu.assume_multiple %shift_left3A_1131, 16 : i32
      %get3A_1133 = arith.constant 31 : i32
      %get3A_1134 = arith.index_cast %get3A_1133 : i32 to index
      %get3A_1135 = arith.index_cast %multiple_of3A_1132 : i32 to index
      %get3A_1136 = tpu.vector_load %arg11[%get3A_1134, %get3A_1135] {strides = array<i32>} : memref<32x1024xf32, #tpu.memory_space<vmem>>, vector<1x16xf32>,
      %get3A_1137 = vector.shape_cast %get3A_1136 : vector<1x16xf32> to vector<16xf32>
      %and3A_1138 = arith.constant 15 : i32
      %and3A_1139 = arith.andi %squeeze3A_1117, %and3A_1138 : i32
      %eq3A_1140 = vector.broadcast %and3A_1139 : i32 to vector<16xi32>
      %eq3A_1141 = arith.cmpi eq, %iota3A, %eq3A_1140 : vector<16xi32>
      %select_n3A_1142 = arith.select %eq3A_1141, %get3A_1127, %broadcast_in_dim3A_48 : vector<16xi1>, vector<16xf32>
      %add3A_1143 = arith.addf %sub3A_1115, %select_n3A_1142 : vector<16xf32>
      %and3A_1144 = arith.constant 15 : i32
      %and3A_1145 = arith.andi %squeeze3A_1119, %and3A_1144 : i32
      %eq3A_1146 = vector.broadcast %and3A_1145 : i32 to vector<16xi32>
      %eq3A_1147 = arith.cmpi eq, %iota3A, %eq3A_1146 : vector<16xi32>
      %select_n3A_1148 = arith.select %eq3A_1147, %get3A_1137, %broadcast_in_dim3A_48 : vector<16xi1>, vector<16xf32>
      %sub3A_1149 = arith.subf %add3A_1143, %select_n3A_1148 : vector<16xf32>
      %dma_wait3A_1150 = arith.constant 0 : i32
      %dma_wait3A_1151 = tpu.memref_slice %arg6[%mul3A_2, %dma_wait3A_1150] : memref<51200x1024xf32, #tpu.memory_space<hbm>> -> memref<32x1024xf32, #tpu.memory_space<hbm>>
      %dma_wait3A_1152 = arith.constant 0 : i32
      %dma_wait3A_1153 = tpu.memref_slice %arg6[%mul3A_2, %dma_wait3A_1152] : memref<51200x1024xf32, #tpu.memory_space<hbm>> -> memref<32x1024xf32, #tpu.memory_space<hbm>>
      tpu.wait_dma2 semaphore(%arg16 : memref<!tpu.dma_semaphore, #tpu.memory_space<semaphore_mem>>) src(%arg11 : memref<32x1024xf32, #tpu.memory_space<vmem>>) dst(%dma_wait3A_1153 : memref<32x1024xf32, #tpu.memory_space<hbm>>)
      %add3A_1154 = arith.constant 1 : i32
      %add3A_1155 = arith.addi %add3A_24, %add3A_1154 : i32
      %lt3A = arith.constant 50 : i32
      %lt3A_1156 = arith.cmpi slt, %add3A_1155, %lt3A : i32
      %convert_element_type3A_1157 = arith.extui %lt3A_1156 : i1 to i32
      %cond3A_1158 = arith.constant 0 : i32
      %cond3A_1159 = arith.cmpi ne, %convert_element_type3A_1157, %cond3A_1158 : i32
      scf.if %cond3A_1159 {
        %add3A_2285 = arith.constant 1 : i32
        %add3A_2286 = arith.addi %add3A_24, %add3A_2285 : i32
        %mul3A_2287 = arith.constant 32 : i32
        %mul3A_2288 = arith.muli %add3A_2286, %mul3A_2287 : i32
        %multiple_of3A_2289 = tpu.assume_multiple %mul3A_2288, 8 : i32
        %dma_start3A_2290 = tpu.memref_slice %arg8[%multiple_of3A_2289] : memref<1600xi32, #tpu.memory_space<vmem>> -> memref<32xi32, #tpu.memory_space<vmem>>
        %dma_start3A_2291 = arith.constant 0 : i32
        %dma_start3A_2292 = arith.constant 0 : i32
        %dma_start3A_2293 = tpu.memref_slice %arg2[%dma_start3A_2291, %dma_start3A_2292] : memref<1000x1024xf32, #tpu.memory_space<hbm>> -> memref<1000x1024xf32, #tpu.memory_space<hbm>>
        tpu.enqueue_indirect_dma source(%dma_start3A_2293 : memref<1000x1024xf32, #tpu.memory_space<hbm>>) target(%arg11 : memref<32x1024xf32, #tpu.memory_space<vmem>>) offsets(%dma_start3A_2290 : memref<32xi32, #tpu.memory_space<vmem>>) semaphore(%arg14 : memref<!tpu.dma_semaphore, #tpu.memory_space<semaphore_mem>>)
      } else {
      }
      %dma_wait3A_1160 = arith.constant 0 : i32
      %dma_wait3A_1161 = arith.constant 0 : i32
      %dma_wait3A_1162 = tpu.memref_slice %arg2[%dma_wait3A_1160, %dma_wait3A_1161] : memref<1000x1024xf32, #tpu.memory_space<hbm>> -> memref<32x1024xf32, #tpu.memory_space<hbm>>
      %dma_wait3A_1163 = arith.constant 0 : i32
      %dma_wait3A_1164 = arith.constant 0 : i32
      %dma_wait3A_1165 = tpu.memref_slice %arg2[%dma_wait3A_1163, %dma_wait3A_1164] : memref<1000x1024xf32, #tpu.memory_space<hbm>> -> memref<32x1024xf32, #tpu.memory_space<hbm>>
      tpu.wait_dma2 semaphore(%arg15 : memref<!tpu.dma_semaphore, #tpu.memory_space<semaphore_mem>>) src(%dma_wait3A_1165 : memref<32x1024xf32, #tpu.memory_space<hbm>>) dst(%arg12 : memref<32x1024xf32, #tpu.memory_space<vmem>>)
      %mul3A_1166 = arith.constant 32 : i32
      %mul3A_1167 = arith.muli %add3A_24, %mul3A_1166 : i32
      %add3A_1168 = arith.addi %mul3A_2, %mul3A_1167 : i32
      %dma_start3A_1169 = arith.constant 0 : i32
      %dma_start3A_1170 = tpu.memref_slice %arg6[%add3A_1168, %dma_start3A_1169] : memref<51200x1024xf32, #tpu.memory_space<hbm>> -> memref<32x1024xf32, #tpu.memory_space<hbm>>
      %dma_start3A_1171 = arith.constant 0 : i32
      %dma_start3A_1172 = tpu.memref_slice %arg6[%add3A_1168, %dma_start3A_1171] : memref<51200x1024xf32, #tpu.memory_space<hbm>> -> memref<32x1024xf32, #tpu.memory_space<hbm>>
      tpu.enqueue_dma source(%arg12 : memref<32x1024xf32, #tpu.memory_space<vmem>>) target(%dma_start3A_1172 : memref<32x1024xf32, #tpu.memory_space<hbm>>) target_semaphore(%arg17 : memref<!tpu.dma_semaphore, #tpu.memory_space<semaphore_mem>>)
      %broadcast_in_dim3A_1173 = arith.constant 0.000000e+00 : f32
      %broadcast_in_dim3A_1174 = vector.broadcast %broadcast_in_dim3A_1173 : f32 to vector<16xf32>
      %mul3A_1175 = arith.constant 32 : i32
      %mul3A_1176 = arith.muli %add3A_24, %mul3A_1175 : i32
      %add3A_1177 = arith.constant 0 : i32
      %add3A_1178 = arith.addi %mul3A_1176, %add3A_1177 : i32
      %multiple_of3A_1179 = tpu.assume_multiple %add3A_1178, 16 : i32
      %get3A_1180 = arith.index_cast %multiple_of3A_1179 : i32 to index
      %get3A_1181 = tpu.vector_load %arg8[%get3A_1180] {strides = array<i32>} : memref<1600xi32, #tpu.memory_space<vmem>>, vector<16xi32>,
      %get3A_1182 = vector.shape_cast %get3A_1181 : vector<16xi32> to vector<16xi32>
      %get3A_1183 = arith.index_cast %multiple_of3A_1179 : i32 to index
      %get3A_1184 = tpu.vector_load %arg9[%get3A_1183] {strides = array<i32>} : memref<1600xi32, #tpu.memory_space<vmem>>, vector<16xi32>,
      %get3A_1185 = vector.shape_cast %get3A_1184 : vector<16xi32> to vector<16xi32>
      %mul3A_1186 = arith.constant 32 : i32
      %mul3A_1187 = arith.muli %add3A_24, %mul3A_1186 : i32
      %add3A_1188 = arith.constant 16 : i32
      %add3A_1189 = arith.addi %mul3A_1187, %add3A_1188 : i32
      %multiple_of3A_1190 = tpu.assume_multiple %add3A_1189, 16 : i32
      %get3A_1191 = arith.index_cast %multiple_of3A_1190 : i32 to index
      %get3A_1192 = tpu.vector_load %arg8[%get3A_1191] {strides = array<i32>} : memref<1600xi32, #tpu.memory_space<vmem>>, vector<16xi32>,
      %get3A_1193 = vector.shape_cast %get3A_1192 : vector<16xi32> to vector<16xi32>
      %get3A_1194 = arith.index_cast %multiple_of3A_1190 : i32 to index
      %get3A_1195 = tpu.vector_load %arg9[%get3A_1194] {strides = array<i32>} : memref<1600xi32, #tpu.memory_space<vmem>>, vector<16xi32>,
      %get3A_1196 = vector.shape_cast %get3A_1195 : vector<16xi32> to vector<16xi32>
      %slice3A_1197 = vector.extract_strided_slice %get3A_1182 {offsets = [0], sizes = [1], strides = [1]} : vector<16xi32> to vector<1xi32>
      %squeeze3A_1198 = vector.extract %slice3A_1197[0] : i32 from vector<1xi32>
      %slice3A_1199 = vector.extract_strided_slice %get3A_1185 {offsets = [0], sizes = [1], strides = [1]} : vector<16xi32> to vector<1xi32>
      %squeeze3A_1200 = vector.extract %slice3A_1199[0] : i32 from vector<1xi32>
      %shift_right_arithmetic3A_1201 = arith.constant 4 : i32
      %shift_right_arithmetic3A_1202 = arith.shrsi %squeeze3A_1198, %shift_right_arithmetic3A_1201 : i32
      %shift_left3A_1203 = arith.constant 4 : i32
      %shift_left3A_1204 = arith.shli %shift_right_arithmetic3A_1202, %shift_left3A_1203 : i32
      %multiple_of3A_1205 = tpu.assume_multiple %shift_left3A_1204, 16 : i32
      %get3A_1206 = arith.index_cast %multiple_of3A_1205 : i32 to index
      %get3A_1207 = tpu.vector_load %arg10[%get3A_1206] {strides = array<i32>} : memref<1024xf32, #tpu.memory_space<vmem>>, vector<16xf32>,
      %get3A_1208 = vector.shape_cast %get3A_1207 : vector<16xf32> to vector<16xf32>
      %shift_right_arithmetic3A_1209 = arith.constant 4 : i32
      %shift_right_arithmetic3A_1210 = arith.shrsi %squeeze3A_1200, %shift_right_arithmetic3A_1209 : i32
      %shift_left3A_1211 = arith.constant 4 : i32
      %shift_left3A_1212 = arith.shli %shift_right_arithmetic3A_1210, %shift_left3A_1211 : i32
      %multiple_of3A_1213 = tpu.assume_multiple %shift_left3A_1212, 16 : i32
      %get3A_1214 = arith.constant 0 : i32
      %get3A_1215 = arith.index_cast %get3A_1214 : i32 to index
      %get3A_1216 = arith.index_cast %multiple_of3A_1213 : i32 to index
      %get3A_1217 = tpu.vector_load %arg12[%get3A_1215, %get3A_1216] {strides = array<i32>} : memref<32x1024xf32, #tpu.memory_space<vmem>>, vector<1x16xf32>,
      %get3A_1218 = vector.shape_cast %get3A_1217 : vector<1x16xf32> to vector<16xf32>
      %and3A_1219 = arith.constant 15 : i32
      %and3A_1220 = arith.andi %squeeze3A_1198, %and3A_1219 : i32
      %eq3A_1221 = vector.broadcast %and3A_1220 : i32 to vector<16xi32>
      %eq3A_1222 = arith.cmpi eq, %iota3A, %eq3A_1221 : vector<16xi32>
      %select_n3A_1223 = arith.select %eq3A_1222, %get3A_1208, %broadcast_in_dim3A_1174 : vector<16xi1>, vector<16xf32>
      %add3A_1224 = arith.addf %sub3A_1149, %select_n3A_1223 : vector<16xf32>
      %and3A_1225 = arith.constant 15 : i32
      %and3A_1226 = arith.andi %squeeze3A_1200, %and3A_1225 : i32
      %eq3A_1227 = vector.broadcast %and3A_1226 : i32 to vector<16xi32>
      %eq3A_1228 = arith.cmpi eq, %iota3A, %eq3A_1227 : vector<16xi32>
      %select_n3A_1229 = arith.select %eq3A_1228, %get3A_1218, %broadcast_in_dim3A_1174 : vector<16xi1>, vector<16xf32>
      %sub3A_1230 = arith.subf %add3A_1224, %select_n3A_1229 : vector<16xf32>
      %slice3A_1231 = vector.extract_strided_slice %get3A_1182 {offsets = [1], sizes = [1], strides = [1]} : vector<16xi32> to vector<1xi32>
      %squeeze3A_1232 = vector.extract %slice3A_1231[0] : i32 from vector<1xi32>
      %slice3A_1233 = vector.extract_strided_slice %get3A_1185 {offsets = [1], sizes = [1], strides = [1]} : vector<16xi32> to vector<1xi32>
      %squeeze3A_1234 = vector.extract %slice3A_1233[0] : i32 from vector<1xi32>
      %shift_right_arithmetic3A_1235 = arith.constant 4 : i32
      %shift_right_arithmetic3A_1236 = arith.shrsi %squeeze3A_1232, %shift_right_arithmetic3A_1235 : i32
      %shift_left3A_1237 = arith.constant 4 : i32
      %shift_left3A_1238 = arith.shli %shift_right_arithmetic3A_1236, %shift_left3A_1237 : i32
      %multiple_of3A_1239 = tpu.assume_multiple %shift_left3A_1238, 16 : i32
      %get3A_1240 = arith.index_cast %multiple_of3A_1239 : i32 to index
      %get3A_1241 = tpu.vector_load %arg10[%get3A_1240] {strides = array<i32>} : memref<1024xf32, #tpu.memory_space<vmem>>, vector<16xf32>,
      %get3A_1242 = vector.shape_cast %get3A_1241 : vector<16xf32> to vector<16xf32>
      %shift_right_arithmetic3A_1243 = arith.constant 4 : i32
      %shift_right_arithmetic3A_1244 = arith.shrsi %squeeze3A_1234, %shift_right_arithmetic3A_1243 : i32
      %shift_left3A_1245 = arith.constant 4 : i32
      %shift_left3A_1246 = arith.shli %shift_right_arithmetic3A_1244, %shift_left3A_1245 : i32
      %multiple_of3A_1247 = tpu.assume_multiple %shift_left3A_1246, 16 : i32
      %get3A_1248 = arith.constant 1 : i32
      %get3A_1249 = arith.index_cast %get3A_1248 : i32 to index
      %get3A_1250 = arith.index_cast %multiple_of3A_1247 : i32 to index
      %get3A_1251 = tpu.vector_load %arg12[%get3A_1249, %get3A_1250] {strides = array<i32>} : memref<32x1024xf32, #tpu.memory_space<vmem>>, vector<1x16xf32>,
      %get3A_1252 = vector.shape_cast %get3A_1251 : vector<1x16xf32> to vector<16xf32>
      %and3A_1253 = arith.constant 15 : i32
      %and3A_1254 = arith.andi %squeeze3A_1232, %and3A_1253 : i32
      %eq3A_1255 = vector.broadcast %and3A_1254 : i32 to vector<16xi32>
      %eq3A_1256 = arith.cmpi eq, %iota3A, %eq3A_1255 : vector<16xi32>
      %select_n3A_1257 = arith.select %eq3A_1256, %get3A_1242, %broadcast_in_dim3A_1174 : vector<16xi1>, vector<16xf32>
      %add3A_1258 = arith.addf %sub3A_1230, %select_n3A_1257 : vector<16xf32>
      %and3A_1259 = arith.constant 15 : i32
      %and3A_1260 = arith.andi %squeeze3A_1234, %and3A_1259 : i32
      %eq3A_1261 = vector.broadcast %and3A_1260 : i32 to vector<16xi32>
      %eq3A_1262 = arith.cmpi eq, %iota3A, %eq3A_1261 : vector<16xi32>
      %select_n3A_1263 = arith.select %eq3A_1262, %get3A_1252, %broadcast_in_dim3A_1174 : vector<16xi1>, vector<16xf32>
      %sub3A_1264 = arith.subf %add3A_1258, %select_n3A_1263 : vector<16xf32>
      %slice3A_1265 = vector.extract_strided_slice %get3A_1182 {offsets = [2], sizes = [1], strides = [1]} : vector<16xi32> to vector<1xi32>
      %squeeze3A_1266 = vector.extract %slice3A_1265[0] : i32 from vector<1xi32>
      %slice3A_1267 = vector.extract_strided_slice %get3A_1185 {offsets = [2], sizes = [1], strides = [1]} : vector<16xi32> to vector<1xi32>
      %squeeze3A_1268 = vector.extract %slice3A_1267[0] : i32 from vector<1xi32>
      %shift_right_arithmetic3A_1269 = arith.constant 4 : i32
      %shift_right_arithmetic3A_1270 = arith.shrsi %squeeze3A_1266, %shift_right_arithmetic3A_1269 : i32
      %shift_left3A_1271 = arith.constant 4 : i32
      %shift_left3A_1272 = arith.shli %shift_right_arithmetic3A_1270, %shift_left3A_1271 : i32
      %multiple_of3A_1273 = tpu.assume_multiple %shift_left3A_1272, 16 : i32
      %get3A_1274 = arith.index_cast %multiple_of3A_1273 : i32 to index
      %get3A_1275 = tpu.vector_load %arg10[%get3A_1274] {strides = array<i32>} : memref<1024xf32, #tpu.memory_space<vmem>>, vector<16xf32>,
      %get3A_1276 = vector.shape_cast %get3A_1275 : vector<16xf32> to vector<16xf32>
      %shift_right_arithmetic3A_1277 = arith.constant 4 : i32
      %shift_right_arithmetic3A_1278 = arith.shrsi %squeeze3A_1268, %shift_right_arithmetic3A_1277 : i32
      %shift_left3A_1279 = arith.constant 4 : i32
      %shift_left3A_1280 = arith.shli %shift_right_arithmetic3A_1278, %shift_left3A_1279 : i32
      %multiple_of3A_1281 = tpu.assume_multiple %shift_left3A_1280, 16 : i32
      %get3A_1282 = arith.constant 2 : i32
      %get3A_1283 = arith.index_cast %get3A_1282 : i32 to index
      %get3A_1284 = arith.index_cast %multiple_of3A_1281 : i32 to index
      %get3A_1285 = tpu.vector_load %arg12[%get3A_1283, %get3A_1284] {strides = array<i32>} : memref<32x1024xf32, #tpu.memory_space<vmem>>, vector<1x16xf32>,
      %get3A_1286 = vector.shape_cast %get3A_1285 : vector<1x16xf32> to vector<16xf32>
      %and3A_1287 = arith.constant 15 : i32
      %and3A_1288 = arith.andi %squeeze3A_1266, %and3A_1287 : i32
      %eq3A_1289 = vector.broadcast %and3A_1288 : i32 to vector<16xi32>
      %eq3A_1290 = arith.cmpi eq, %iota3A, %eq3A_1289 : vector<16xi32>
      %select_n3A_1291 = arith.select %eq3A_1290, %get3A_1276, %broadcast_in_dim3A_1174 : vector<16xi1>, vector<16xf32>
      %add3A_1292 = arith.addf %sub3A_1264, %select_n3A_1291 : vector<16xf32>
      %and3A_1293 = arith.constant 15 : i32
      %and3A_1294 = arith.andi %squeeze3A_1268, %and3A_1293 : i32
      %eq3A_1295 = vector.broadcast %and3A_1294 : i32 to vector<16xi32>
      %eq3A_1296 = arith.cmpi eq, %iota3A, %eq3A_1295 : vector<16xi32>
      %select_n3A_1297 = arith.select %eq3A_1296, %get3A_1286, %broadcast_in_dim3A_1174 : vector<16xi1>, vector<16xf32>
      %sub3A_1298 = arith.subf %add3A_1292, %select_n3A_1297 : vector<16xf32>
      %slice3A_1299 = vector.extract_strided_slice %get3A_1182 {offsets = [3], sizes = [1], strides = [1]} : vector<16xi32> to vector<1xi32>
      %squeeze3A_1300 = vector.extract %slice3A_1299[0] : i32 from vector<1xi32>
      %slice3A_1301 = vector.extract_strided_slice %get3A_1185 {offsets = [3], sizes = [1], strides = [1]} : vector<16xi32> to vector<1xi32>
      %squeeze3A_1302 = vector.extract %slice3A_1301[0] : i32 from vector<1xi32>
      %shift_right_arithmetic3A_1303 = arith.constant 4 : i32
      %shift_right_arithmetic3A_1304 = arith.shrsi %squeeze3A_1300, %shift_right_arithmetic3A_1303 : i32
      %shift_left3A_1305 = arith.constant 4 : i32
      %shift_left3A_1306 = arith.shli %shift_right_arithmetic3A_1304, %shift_left3A_1305 : i32
      %multiple_of3A_1307 = tpu.assume_multiple %shift_left3A_1306, 16 : i32
      %get3A_1308 = arith.index_cast %multiple_of3A_1307 : i32 to index
      %get3A_1309 = tpu.vector_load %arg10[%get3A_1308] {strides = array<i32>} : memref<1024xf32, #tpu.memory_space<vmem>>, vector<16xf32>,
      %get3A_1310 = vector.shape_cast %get3A_1309 : vector<16xf32> to vector<16xf32>
      %shift_right_arithmetic3A_1311 = arith.constant 4 : i32
      %shift_right_arithmetic3A_1312 = arith.shrsi %squeeze3A_1302, %shift_right_arithmetic3A_1311 : i32
      %shift_left3A_1313 = arith.constant 4 : i32
      %shift_left3A_1314 = arith.shli %shift_right_arithmetic3A_1312, %shift_left3A_1313 : i32
      %multiple_of3A_1315 = tpu.assume_multiple %shift_left3A_1314, 16 : i32
      %get3A_1316 = arith.constant 3 : i32
      %get3A_1317 = arith.index_cast %get3A_1316 : i32 to index
      %get3A_1318 = arith.index_cast %multiple_of3A_1315 : i32 to index
      %get3A_1319 = tpu.vector_load %arg12[%get3A_1317, %get3A_1318] {strides = array<i32>} : memref<32x1024xf32, #tpu.memory_space<vmem>>, vector<1x16xf32>,
      %get3A_1320 = vector.shape_cast %get3A_1319 : vector<1x16xf32> to vector<16xf32>
      %and3A_1321 = arith.constant 15 : i32
      %and3A_1322 = arith.andi %squeeze3A_1300, %and3A_1321 : i32
      %eq3A_1323 = vector.broadcast %and3A_1322 : i32 to vector<16xi32>
      %eq3A_1324 = arith.cmpi eq, %iota3A, %eq3A_1323 : vector<16xi32>
      %select_n3A_1325 = arith.select %eq3A_1324, %get3A_1310, %broadcast_in_dim3A_1174 : vector<16xi1>, vector<16xf32>
      %add3A_1326 = arith.addf %sub3A_1298, %select_n3A_1325 : vector<16xf32>
      %and3A_1327 = arith.constant 15 : i32
      %and3A_1328 = arith.andi %squeeze3A_1302, %and3A_1327 : i32
      %eq3A_1329 = vector.broadcast %and3A_1328 : i32 to vector<16xi32>
      %eq3A_1330 = arith.cmpi eq, %iota3A, %eq3A_1329 : vector<16xi32>
      %select_n3A_1331 = arith.select %eq3A_1330, %get3A_1320, %broadcast_in_dim3A_1174 : vector<16xi1>, vector<16xf32>
      %sub3A_1332 = arith.subf %add3A_1326, %select_n3A_1331 : vector<16xf32>
      %slice3A_1333 = vector.extract_strided_slice %get3A_1182 {offsets = [4], sizes = [1], strides = [1]} : vector<16xi32> to vector<1xi32>
      %squeeze3A_1334 = vector.extract %slice3A_1333[0] : i32 from vector<1xi32>
      %slice3A_1335 = vector.extract_strided_slice %get3A_1185 {offsets = [4], sizes = [1], strides = [1]} : vector<16xi32> to vector<1xi32>
      %squeeze3A_1336 = vector.extract %slice3A_1335[0] : i32 from vector<1xi32>
      %shift_right_arithmetic3A_1337 = arith.constant 4 : i32
      %shift_right_arithmetic3A_1338 = arith.shrsi %squeeze3A_1334, %shift_right_arithmetic3A_1337 : i32
      %shift_left3A_1339 = arith.constant 4 : i32
      %shift_left3A_1340 = arith.shli %shift_right_arithmetic3A_1338, %shift_left3A_1339 : i32
      %multiple_of3A_1341 = tpu.assume_multiple %shift_left3A_1340, 16 : i32
      %get3A_1342 = arith.index_cast %multiple_of3A_1341 : i32 to index
      %get3A_1343 = tpu.vector_load %arg10[%get3A_1342] {strides = array<i32>} : memref<1024xf32, #tpu.memory_space<vmem>>, vector<16xf32>,
      %get3A_1344 = vector.shape_cast %get3A_1343 : vector<16xf32> to vector<16xf32>
      %shift_right_arithmetic3A_1345 = arith.constant 4 : i32
      %shift_right_arithmetic3A_1346 = arith.shrsi %squeeze3A_1336, %shift_right_arithmetic3A_1345 : i32
      %shift_left3A_1347 = arith.constant 4 : i32
      %shift_left3A_1348 = arith.shli %shift_right_arithmetic3A_1346, %shift_left3A_1347 : i32
      %multiple_of3A_1349 = tpu.assume_multiple %shift_left3A_1348, 16 : i32
      %get3A_1350 = arith.constant 4 : i32
      %get3A_1351 = arith.index_cast %get3A_1350 : i32 to index
      %get3A_1352 = arith.index_cast %multiple_of3A_1349 : i32 to index
      %get3A_1353 = tpu.vector_load %arg12[%get3A_1351, %get3A_1352] {strides = array<i32>} : memref<32x1024xf32, #tpu.memory_space<vmem>>, vector<1x16xf32>,
      %get3A_1354 = vector.shape_cast %get3A_1353 : vector<1x16xf32> to vector<16xf32>
      %and3A_1355 = arith.constant 15 : i32
      %and3A_1356 = arith.andi %squeeze3A_1334, %and3A_1355 : i32
      %eq3A_1357 = vector.broadcast %and3A_1356 : i32 to vector<16xi32>
      %eq3A_1358 = arith.cmpi eq, %iota3A, %eq3A_1357 : vector<16xi32>
      %select_n3A_1359 = arith.select %eq3A_1358, %get3A_1344, %broadcast_in_dim3A_1174 : vector<16xi1>, vector<16xf32>
      %add3A_1360 = arith.addf %sub3A_1332, %select_n3A_1359 : vector<16xf32>
      %and3A_1361 = arith.constant 15 : i32
      %and3A_1362 = arith.andi %squeeze3A_1336, %and3A_1361 : i32
      %eq3A_1363 = vector.broadcast %and3A_1362 : i32 to vector<16xi32>
      %eq3A_1364 = arith.cmpi eq, %iota3A, %eq3A_1363 : vector<16xi32>
      %select_n3A_1365 = arith.select %eq3A_1364, %get3A_1354, %broadcast_in_dim3A_1174 : vector<16xi1>, vector<16xf32>
      %sub3A_1366 = arith.subf %add3A_1360, %select_n3A_1365 : vector<16xf32>
      %slice3A_1367 = vector.extract_strided_slice %get3A_1182 {offsets = [5], sizes = [1], strides = [1]} : vector<16xi32> to vector<1xi32>
      %squeeze3A_1368 = vector.extract %slice3A_1367[0] : i32 from vector<1xi32>
      %slice3A_1369 = vector.extract_strided_slice %get3A_1185 {offsets = [5], sizes = [1], strides = [1]} : vector<16xi32> to vector<1xi32>
      %squeeze3A_1370 = vector.extract %slice3A_1369[0] : i32 from vector<1xi32>
      %shift_right_arithmetic3A_1371 = arith.constant 4 : i32
      %shift_right_arithmetic3A_1372 = arith.shrsi %squeeze3A_1368, %shift_right_arithmetic3A_1371 : i32
      %shift_left3A_1373 = arith.constant 4 : i32
      %shift_left3A_1374 = arith.shli %shift_right_arithmetic3A_1372, %shift_left3A_1373 : i32
      %multiple_of3A_1375 = tpu.assume_multiple %shift_left3A_1374, 16 : i32
      %get3A_1376 = arith.index_cast %multiple_of3A_1375 : i32 to index
      %get3A_1377 = tpu.vector_load %arg10[%get3A_1376] {strides = array<i32>} : memref<1024xf32, #tpu.memory_space<vmem>>, vector<16xf32>,
      %get3A_1378 = vector.shape_cast %get3A_1377 : vector<16xf32> to vector<16xf32>
      %shift_right_arithmetic3A_1379 = arith.constant 4 : i32
      %shift_right_arithmetic3A_1380 = arith.shrsi %squeeze3A_1370, %shift_right_arithmetic3A_1379 : i32
      %shift_left3A_1381 = arith.constant 4 : i32
      %shift_left3A_1382 = arith.shli %shift_right_arithmetic3A_1380, %shift_left3A_1381 : i32
      %multiple_of3A_1383 = tpu.assume_multiple %shift_left3A_1382, 16 : i32
      %get3A_1384 = arith.constant 5 : i32
      %get3A_1385 = arith.index_cast %get3A_1384 : i32 to index
      %get3A_1386 = arith.index_cast %multiple_of3A_1383 : i32 to index
      %get3A_1387 = tpu.vector_load %arg12[%get3A_1385, %get3A_1386] {strides = array<i32>} : memref<32x1024xf32, #tpu.memory_space<vmem>>, vector<1x16xf32>,
      %get3A_1388 = vector.shape_cast %get3A_1387 : vector<1x16xf32> to vector<16xf32>
      %and3A_1389 = arith.constant 15 : i32
      %and3A_1390 = arith.andi %squeeze3A_1368, %and3A_1389 : i32
      %eq3A_1391 = vector.broadcast %and3A_1390 : i32 to vector<16xi32>
      %eq3A_1392 = arith.cmpi eq, %iota3A, %eq3A_1391 : vector<16xi32>
      %select_n3A_1393 = arith.select %eq3A_1392, %get3A_1378, %broadcast_in_dim3A_1174 : vector<16xi1>, vector<16xf32>
      %add3A_1394 = arith.addf %sub3A_1366, %select_n3A_1393 : vector<16xf32>
      %and3A_1395 = arith.constant 15 : i32
      %and3A_1396 = arith.andi %squeeze3A_1370, %and3A_1395 : i32
      %eq3A_1397 = vector.broadcast %and3A_1396 : i32 to vector<16xi32>
      %eq3A_1398 = arith.cmpi eq, %iota3A, %eq3A_1397 : vector<16xi32>
      %select_n3A_1399 = arith.select %eq3A_1398, %get3A_1388, %broadcast_in_dim3A_1174 : vector<16xi1>, vector<16xf32>
      %sub3A_1400 = arith.subf %add3A_1394, %select_n3A_1399 : vector<16xf32>
      %slice3A_1401 = vector.extract_strided_slice %get3A_1182 {offsets = [6], sizes = [1], strides = [1]} : vector<16xi32> to vector<1xi32>
      %squeeze3A_1402 = vector.extract %slice3A_1401[0] : i32 from vector<1xi32>
      %slice3A_1403 = vector.extract_strided_slice %get3A_1185 {offsets = [6], sizes = [1], strides = [1]} : vector<16xi32> to vector<1xi32>
      %squeeze3A_1404 = vector.extract %slice3A_1403[0] : i32 from vector<1xi32>
      %shift_right_arithmetic3A_1405 = arith.constant 4 : i32
      %shift_right_arithmetic3A_1406 = arith.shrsi %squeeze3A_1402, %shift_right_arithmetic3A_1405 : i32
      %shift_left3A_1407 = arith.constant 4 : i32
      %shift_left3A_1408 = arith.shli %shift_right_arithmetic3A_1406, %shift_left3A_1407 : i32
      %multiple_of3A_1409 = tpu.assume_multiple %shift_left3A_1408, 16 : i32
      %get3A_1410 = arith.index_cast %multiple_of3A_1409 : i32 to index
      %get3A_1411 = tpu.vector_load %arg10[%get3A_1410] {strides = array<i32>} : memref<1024xf32, #tpu.memory_space<vmem>>, vector<16xf32>,
      %get3A_1412 = vector.shape_cast %get3A_1411 : vector<16xf32> to vector<16xf32>
      %shift_right_arithmetic3A_1413 = arith.constant 4 : i32
      %shift_right_arithmetic3A_1414 = arith.shrsi %squeeze3A_1404, %shift_right_arithmetic3A_1413 : i32
      %shift_left3A_1415 = arith.constant 4 : i32
      %shift_left3A_1416 = arith.shli %shift_right_arithmetic3A_1414, %shift_left3A_1415 : i32
      %multiple_of3A_1417 = tpu.assume_multiple %shift_left3A_1416, 16 : i32
      %get3A_1418 = arith.constant 6 : i32
      %get3A_1419 = arith.index_cast %get3A_1418 : i32 to index
      %get3A_1420 = arith.index_cast %multiple_of3A_1417 : i32 to index
      %get3A_1421 = tpu.vector_load %arg12[%get3A_1419, %get3A_1420] {strides = array<i32>} : memref<32x1024xf32, #tpu.memory_space<vmem>>, vector<1x16xf32>,
      %get3A_1422 = vector.shape_cast %get3A_1421 : vector<1x16xf32> to vector<16xf32>
      %and3A_1423 = arith.constant 15 : i32
      %and3A_1424 = arith.andi %squeeze3A_1402, %and3A_1423 : i32
      %eq3A_1425 = vector.broadcast %and3A_1424 : i32 to vector<16xi32>
      %eq3A_1426 = arith.cmpi eq, %iota3A, %eq3A_1425 : vector<16xi32>
      %select_n3A_1427 = arith.select %eq3A_1426, %get3A_1412, %broadcast_in_dim3A_1174 : vector<16xi1>, vector<16xf32>
      %add3A_1428 = arith.addf %sub3A_1400, %select_n3A_1427 : vector<16xf32>
      %and3A_1429 = arith.constant 15 : i32
      %and3A_1430 = arith.andi %squeeze3A_1404, %and3A_1429 : i32
      %eq3A_1431 = vector.broadcast %and3A_1430 : i32 to vector<16xi32>
      %eq3A_1432 = arith.cmpi eq, %iota3A, %eq3A_1431 : vector<16xi32>
      %select_n3A_1433 = arith.select %eq3A_1432, %get3A_1422, %broadcast_in_dim3A_1174 : vector<16xi1>, vector<16xf32>
      %sub3A_1434 = arith.subf %add3A_1428, %select_n3A_1433 : vector<16xf32>
      %slice3A_1435 = vector.extract_strided_slice %get3A_1182 {offsets = [7], sizes = [1], strides = [1]} : vector<16xi32> to vector<1xi32>
      %squeeze3A_1436 = vector.extract %slice3A_1435[0] : i32 from vector<1xi32>
      %slice3A_1437 = vector.extract_strided_slice %get3A_1185 {offsets = [7], sizes = [1], strides = [1]} : vector<16xi32> to vector<1xi32>
      %squeeze3A_1438 = vector.extract %slice3A_1437[0] : i32 from vector<1xi32>
      %shift_right_arithmetic3A_1439 = arith.constant 4 : i32
      %shift_right_arithmetic3A_1440 = arith.shrsi %squeeze3A_1436, %shift_right_arithmetic3A_1439 : i32
      %shift_left3A_1441 = arith.constant 4 : i32
      %shift_left3A_1442 = arith.shli %shift_right_arithmetic3A_1440, %shift_left3A_1441 : i32
      %multiple_of3A_1443 = tpu.assume_multiple %shift_left3A_1442, 16 : i32
      %get3A_1444 = arith.index_cast %multiple_of3A_1443 : i32 to index
      %get3A_1445 = tpu.vector_load %arg10[%get3A_1444] {strides = array<i32>} : memref<1024xf32, #tpu.memory_space<vmem>>, vector<16xf32>,
      %get3A_1446 = vector.shape_cast %get3A_1445 : vector<16xf32> to vector<16xf32>
      %shift_right_arithmetic3A_1447 = arith.constant 4 : i32
      %shift_right_arithmetic3A_1448 = arith.shrsi %squeeze3A_1438, %shift_right_arithmetic3A_1447 : i32
      %shift_left3A_1449 = arith.constant 4 : i32
      %shift_left3A_1450 = arith.shli %shift_right_arithmetic3A_1448, %shift_left3A_1449 : i32
      %multiple_of3A_1451 = tpu.assume_multiple %shift_left3A_1450, 16 : i32
      %get3A_1452 = arith.constant 7 : i32
      %get3A_1453 = arith.index_cast %get3A_1452 : i32 to index
      %get3A_1454 = arith.index_cast %multiple_of3A_1451 : i32 to index
      %get3A_1455 = tpu.vector_load %arg12[%get3A_1453, %get3A_1454] {strides = array<i32>} : memref<32x1024xf32, #tpu.memory_space<vmem>>, vector<1x16xf32>,
      %get3A_1456 = vector.shape_cast %get3A_1455 : vector<1x16xf32> to vector<16xf32>
      %and3A_1457 = arith.constant 15 : i32
      %and3A_1458 = arith.andi %squeeze3A_1436, %and3A_1457 : i32
      %eq3A_1459 = vector.broadcast %and3A_1458 : i32 to vector<16xi32>
      %eq3A_1460 = arith.cmpi eq, %iota3A, %eq3A_1459 : vector<16xi32>
      %select_n3A_1461 = arith.select %eq3A_1460, %get3A_1446, %broadcast_in_dim3A_1174 : vector<16xi1>, vector<16xf32>
      %add3A_1462 = arith.addf %sub3A_1434, %select_n3A_1461 : vector<16xf32>
      %and3A_1463 = arith.constant 15 : i32
      %and3A_1464 = arith.andi %squeeze3A_1438, %and3A_1463 : i32
      %eq3A_1465 = vector.broadcast %and3A_1464 : i32 to vector<16xi32>
      %eq3A_1466 = arith.cmpi eq, %iota3A, %eq3A_1465 : vector<16xi32>
      %select_n3A_1467 = arith.select %eq3A_1466, %get3A_1456, %broadcast_in_dim3A_1174 : vector<16xi1>, vector<16xf32>
      %sub3A_1468 = arith.subf %add3A_1462, %select_n3A_1467 : vector<16xf32>
      %slice3A_1469 = vector.extract_strided_slice %get3A_1182 {offsets = [8], sizes = [1], strides = [1]} : vector<16xi32> to vector<1xi32>
      %squeeze3A_1470 = vector.extract %slice3A_1469[0] : i32 from vector<1xi32>
      %slice3A_1471 = vector.extract_strided_slice %get3A_1185 {offsets = [8], sizes = [1], strides = [1]} : vector<16xi32> to vector<1xi32>
      %squeeze3A_1472 = vector.extract %slice3A_1471[0] : i32 from vector<1xi32>
      %shift_right_arithmetic3A_1473 = arith.constant 4 : i32
      %shift_right_arithmetic3A_1474 = arith.shrsi %squeeze3A_1470, %shift_right_arithmetic3A_1473 : i32
      %shift_left3A_1475 = arith.constant 4 : i32
      %shift_left3A_1476 = arith.shli %shift_right_arithmetic3A_1474, %shift_left3A_1475 : i32
      %multiple_of3A_1477 = tpu.assume_multiple %shift_left3A_1476, 16 : i32
      %get3A_1478 = arith.index_cast %multiple_of3A_1477 : i32 to index
      %get3A_1479 = tpu.vector_load %arg10[%get3A_1478] {strides = array<i32>} : memref<1024xf32, #tpu.memory_space<vmem>>, vector<16xf32>,
      %get3A_1480 = vector.shape_cast %get3A_1479 : vector<16xf32> to vector<16xf32>
      %shift_right_arithmetic3A_1481 = arith.constant 4 : i32
      %shift_right_arithmetic3A_1482 = arith.shrsi %squeeze3A_1472, %shift_right_arithmetic3A_1481 : i32
      %shift_left3A_1483 = arith.constant 4 : i32
      %shift_left3A_1484 = arith.shli %shift_right_arithmetic3A_1482, %shift_left3A_1483 : i32
      %multiple_of3A_1485 = tpu.assume_multiple %shift_left3A_1484, 16 : i32
      %get3A_1486 = arith.constant 8 : i32
      %get3A_1487 = arith.index_cast %get3A_1486 : i32 to index
      %get3A_1488 = arith.index_cast %multiple_of3A_1485 : i32 to index
      %get3A_1489 = tpu.vector_load %arg12[%get3A_1487, %get3A_1488] {strides = array<i32>} : memref<32x1024xf32, #tpu.memory_space<vmem>>, vector<1x16xf32>,
      %get3A_1490 = vector.shape_cast %get3A_1489 : vector<1x16xf32> to vector<16xf32>
      %and3A_1491 = arith.constant 15 : i32
      %and3A_1492 = arith.andi %squeeze3A_1470, %and3A_1491 : i32
      %eq3A_1493 = vector.broadcast %and3A_1492 : i32 to vector<16xi32>
      %eq3A_1494 = arith.cmpi eq, %iota3A, %eq3A_1493 : vector<16xi32>
      %select_n3A_1495 = arith.select %eq3A_1494, %get3A_1480, %broadcast_in_dim3A_1174 : vector<16xi1>, vector<16xf32>
      %add3A_1496 = arith.addf %sub3A_1468, %select_n3A_1495 : vector<16xf32>
      %and3A_1497 = arith.constant 15 : i32
      %and3A_1498 = arith.andi %squeeze3A_1472, %and3A_1497 : i32
      %eq3A_1499 = vector.broadcast %and3A_1498 : i32 to vector<16xi32>
      %eq3A_1500 = arith.cmpi eq, %iota3A, %eq3A_1499 : vector<16xi32>
      %select_n3A_1501 = arith.select %eq3A_1500, %get3A_1490, %broadcast_in_dim3A_1174 : vector<16xi1>, vector<16xf32>
      %sub3A_1502 = arith.subf %add3A_1496, %select_n3A_1501 : vector<16xf32>
      %slice3A_1503 = vector.extract_strided_slice %get3A_1182 {offsets = [9], sizes = [1], strides = [1]} : vector<16xi32> to vector<1xi32>
      %squeeze3A_1504 = vector.extract %slice3A_1503[0] : i32 from vector<1xi32>
      %slice3A_1505 = vector.extract_strided_slice %get3A_1185 {offsets = [9], sizes = [1], strides = [1]} : vector<16xi32> to vector<1xi32>
      %squeeze3A_1506 = vector.extract %slice3A_1505[0] : i32 from vector<1xi32>
      %shift_right_arithmetic3A_1507 = arith.constant 4 : i32
      %shift_right_arithmetic3A_1508 = arith.shrsi %squeeze3A_1504, %shift_right_arithmetic3A_1507 : i32
      %shift_left3A_1509 = arith.constant 4 : i32
      %shift_left3A_1510 = arith.shli %shift_right_arithmetic3A_1508, %shift_left3A_1509 : i32
      %multiple_of3A_1511 = tpu.assume_multiple %shift_left3A_1510, 16 : i32
      %get3A_1512 = arith.index_cast %multiple_of3A_1511 : i32 to index
      %get3A_1513 = tpu.vector_load %arg10[%get3A_1512] {strides = array<i32>} : memref<1024xf32, #tpu.memory_space<vmem>>, vector<16xf32>,
      %get3A_1514 = vector.shape_cast %get3A_1513 : vector<16xf32> to vector<16xf32>
      %shift_right_arithmetic3A_1515 = arith.constant 4 : i32
      %shift_right_arithmetic3A_1516 = arith.shrsi %squeeze3A_1506, %shift_right_arithmetic3A_1515 : i32
      %shift_left3A_1517 = arith.constant 4 : i32
      %shift_left3A_1518 = arith.shli %shift_right_arithmetic3A_1516, %shift_left3A_1517 : i32
      %multiple_of3A_1519 = tpu.assume_multiple %shift_left3A_1518, 16 : i32
      %get3A_1520 = arith.constant 9 : i32
      %get3A_1521 = arith.index_cast %get3A_1520 : i32 to index
      %get3A_1522 = arith.index_cast %multiple_of3A_1519 : i32 to index
      %get3A_1523 = tpu.vector_load %arg12[%get3A_1521, %get3A_1522] {strides = array<i32>} : memref<32x1024xf32, #tpu.memory_space<vmem>>, vector<1x16xf32>,
      %get3A_1524 = vector.shape_cast %get3A_1523 : vector<1x16xf32> to vector<16xf32>
      %and3A_1525 = arith.constant 15 : i32
      %and3A_1526 = arith.andi %squeeze3A_1504, %and3A_1525 : i32
      %eq3A_1527 = vector.broadcast %and3A_1526 : i32 to vector<16xi32>
      %eq3A_1528 = arith.cmpi eq, %iota3A, %eq3A_1527 : vector<16xi32>
      %select_n3A_1529 = arith.select %eq3A_1528, %get3A_1514, %broadcast_in_dim3A_1174 : vector<16xi1>, vector<16xf32>
      %add3A_1530 = arith.addf %sub3A_1502, %select_n3A_1529 : vector<16xf32>
      %and3A_1531 = arith.constant 15 : i32
      %and3A_1532 = arith.andi %squeeze3A_1506, %and3A_1531 : i32
      %eq3A_1533 = vector.broadcast %and3A_1532 : i32 to vector<16xi32>
      %eq3A_1534 = arith.cmpi eq, %iota3A, %eq3A_1533 : vector<16xi32>
      %select_n3A_1535 = arith.select %eq3A_1534, %get3A_1524, %broadcast_in_dim3A_1174 : vector<16xi1>, vector<16xf32>
      %sub3A_1536 = arith.subf %add3A_1530, %select_n3A_1535 : vector<16xf32>
      %slice3A_1537 = vector.extract_strided_slice %get3A_1182 {offsets = [10], sizes = [1], strides = [1]} : vector<16xi32> to vector<1xi32>
      %squeeze3A_1538 = vector.extract %slice3A_1537[0] : i32 from vector<1xi32>
      %slice3A_1539 = vector.extract_strided_slice %get3A_1185 {offsets = [10], sizes = [1], strides = [1]} : vector<16xi32> to vector<1xi32>
      %squeeze3A_1540 = vector.extract %slice3A_1539[0] : i32 from vector<1xi32>
      %shift_right_arithmetic3A_1541 = arith.constant 4 : i32
      %shift_right_arithmetic3A_1542 = arith.shrsi %squeeze3A_1538, %shift_right_arithmetic3A_1541 : i32
      %shift_left3A_1543 = arith.constant 4 : i32
      %shift_left3A_1544 = arith.shli %shift_right_arithmetic3A_1542, %shift_left3A_1543 : i32
      %multiple_of3A_1545 = tpu.assume_multiple %shift_left3A_1544, 16 : i32
      %get3A_1546 = arith.index_cast %multiple_of3A_1545 : i32 to index
      %get3A_1547 = tpu.vector_load %arg10[%get3A_1546] {strides = array<i32>} : memref<1024xf32, #tpu.memory_space<vmem>>, vector<16xf32>,
      %get3A_1548 = vector.shape_cast %get3A_1547 : vector<16xf32> to vector<16xf32>
      %shift_right_arithmetic3A_1549 = arith.constant 4 : i32
      %shift_right_arithmetic3A_1550 = arith.shrsi %squeeze3A_1540, %shift_right_arithmetic3A_1549 : i32
      %shift_left3A_1551 = arith.constant 4 : i32
      %shift_left3A_1552 = arith.shli %shift_right_arithmetic3A_1550, %shift_left3A_1551 : i32
      %multiple_of3A_1553 = tpu.assume_multiple %shift_left3A_1552, 16 : i32
      %get3A_1554 = arith.constant 10 : i32
      %get3A_1555 = arith.index_cast %get3A_1554 : i32 to index
      %get3A_1556 = arith.index_cast %multiple_of3A_1553 : i32 to index
      %get3A_1557 = tpu.vector_load %arg12[%get3A_1555, %get3A_1556] {strides = array<i32>} : memref<32x1024xf32, #tpu.memory_space<vmem>>, vector<1x16xf32>,
      %get3A_1558 = vector.shape_cast %get3A_1557 : vector<1x16xf32> to vector<16xf32>
      %and3A_1559 = arith.constant 15 : i32
      %and3A_1560 = arith.andi %squeeze3A_1538, %and3A_1559 : i32
      %eq3A_1561 = vector.broadcast %and3A_1560 : i32 to vector<16xi32>
      %eq3A_1562 = arith.cmpi eq, %iota3A, %eq3A_1561 : vector<16xi32>
      %select_n3A_1563 = arith.select %eq3A_1562, %get3A_1548, %broadcast_in_dim3A_1174 : vector<16xi1>, vector<16xf32>
      %add3A_1564 = arith.addf %sub3A_1536, %select_n3A_1563 : vector<16xf32>
      %and3A_1565 = arith.constant 15 : i32
      %and3A_1566 = arith.andi %squeeze3A_1540, %and3A_1565 : i32
      %eq3A_1567 = vector.broadcast %and3A_1566 : i32 to vector<16xi32>
      %eq3A_1568 = arith.cmpi eq, %iota3A, %eq3A_1567 : vector<16xi32>
      %select_n3A_1569 = arith.select %eq3A_1568, %get3A_1558, %broadcast_in_dim3A_1174 : vector<16xi1>, vector<16xf32>
      %sub3A_1570 = arith.subf %add3A_1564, %select_n3A_1569 : vector<16xf32>
      %slice3A_1571 = vector.extract_strided_slice %get3A_1182 {offsets = [11], sizes = [1], strides = [1]} : vector<16xi32> to vector<1xi32>
      %squeeze3A_1572 = vector.extract %slice3A_1571[0] : i32 from vector<1xi32>
      %slice3A_1573 = vector.extract_strided_slice %get3A_1185 {offsets = [11], sizes = [1], strides = [1]} : vector<16xi32> to vector<1xi32>
      %squeeze3A_1574 = vector.extract %slice3A_1573[0] : i32 from vector<1xi32>
      %shift_right_arithmetic3A_1575 = arith.constant 4 : i32
      %shift_right_arithmetic3A_1576 = arith.shrsi %squeeze3A_1572, %shift_right_arithmetic3A_1575 : i32
      %shift_left3A_1577 = arith.constant 4 : i32
      %shift_left3A_1578 = arith.shli %shift_right_arithmetic3A_1576, %shift_left3A_1577 : i32
      %multiple_of3A_1579 = tpu.assume_multiple %shift_left3A_1578, 16 : i32
      %get3A_1580 = arith.index_cast %multiple_of3A_1579 : i32 to index
      %get3A_1581 = tpu.vector_load %arg10[%get3A_1580] {strides = array<i32>} : memref<1024xf32, #tpu.memory_space<vmem>>, vector<16xf32>,
      %get3A_1582 = vector.shape_cast %get3A_1581 : vector<16xf32> to vector<16xf32>
      %shift_right_arithmetic3A_1583 = arith.constant 4 : i32
      %shift_right_arithmetic3A_1584 = arith.shrsi %squeeze3A_1574, %shift_right_arithmetic3A_1583 : i32
      %shift_left3A_1585 = arith.constant 4 : i32
      %shift_left3A_1586 = arith.shli %shift_right_arithmetic3A_1584, %shift_left3A_1585 : i32
      %multiple_of3A_1587 = tpu.assume_multiple %shift_left3A_1586, 16 : i32
      %get3A_1588 = arith.constant 11 : i32
      %get3A_1589 = arith.index_cast %get3A_1588 : i32 to index
      %get3A_1590 = arith.index_cast %multiple_of3A_1587 : i32 to index
      %get3A_1591 = tpu.vector_load %arg12[%get3A_1589, %get3A_1590] {strides = array<i32>} : memref<32x1024xf32, #tpu.memory_space<vmem>>, vector<1x16xf32>,
      %get3A_1592 = vector.shape_cast %get3A_1591 : vector<1x16xf32> to vector<16xf32>
      %and3A_1593 = arith.constant 15 : i32
      %and3A_1594 = arith.andi %squeeze3A_1572, %and3A_1593 : i32
      %eq3A_1595 = vector.broadcast %and3A_1594 : i32 to vector<16xi32>
      %eq3A_1596 = arith.cmpi eq, %iota3A, %eq3A_1595 : vector<16xi32>
      %select_n3A_1597 = arith.select %eq3A_1596, %get3A_1582, %broadcast_in_dim3A_1174 : vector<16xi1>, vector<16xf32>
      %add3A_1598 = arith.addf %sub3A_1570, %select_n3A_1597 : vector<16xf32>
      %and3A_1599 = arith.constant 15 : i32
      %and3A_1600 = arith.andi %squeeze3A_1574, %and3A_1599 : i32
      %eq3A_1601 = vector.broadcast %and3A_1600 : i32 to vector<16xi32>
      %eq3A_1602 = arith.cmpi eq, %iota3A, %eq3A_1601 : vector<16xi32>
      %select_n3A_1603 = arith.select %eq3A_1602, %get3A_1592, %broadcast_in_dim3A_1174 : vector<16xi1>, vector<16xf32>
      %sub3A_1604 = arith.subf %add3A_1598, %select_n3A_1603 : vector<16xf32>
      %slice3A_1605 = vector.extract_strided_slice %get3A_1182 {offsets = [12], sizes = [1], strides = [1]} : vector<16xi32> to vector<1xi32>
      %squeeze3A_1606 = vector.extract %slice3A_1605[0] : i32 from vector<1xi32>
      %slice3A_1607 = vector.extract_strided_slice %get3A_1185 {offsets = [12], sizes = [1], strides = [1]} : vector<16xi32> to vector<1xi32>
      %squeeze3A_1608 = vector.extract %slice3A_1607[0] : i32 from vector<1xi32>
      %shift_right_arithmetic3A_1609 = arith.constant 4 : i32
      %shift_right_arithmetic3A_1610 = arith.shrsi %squeeze3A_1606, %shift_right_arithmetic3A_1609 : i32
      %shift_left3A_1611 = arith.constant 4 : i32
      %shift_left3A_1612 = arith.shli %shift_right_arithmetic3A_1610, %shift_left3A_1611 : i32
      %multiple_of3A_1613 = tpu.assume_multiple %shift_left3A_1612, 16 : i32
      %get3A_1614 = arith.index_cast %multiple_of3A_1613 : i32 to index
      %get3A_1615 = tpu.vector_load %arg10[%get3A_1614] {strides = array<i32>} : memref<1024xf32, #tpu.memory_space<vmem>>, vector<16xf32>,
      %get3A_1616 = vector.shape_cast %get3A_1615 : vector<16xf32> to vector<16xf32>
      %shift_right_arithmetic3A_1617 = arith.constant 4 : i32
      %shift_right_arithmetic3A_1618 = arith.shrsi %squeeze3A_1608, %shift_right_arithmetic3A_1617 : i32
      %shift_left3A_1619 = arith.constant 4 : i32
      %shift_left3A_1620 = arith.shli %shift_right_arithmetic3A_1618, %shift_left3A_1619 : i32
      %multiple_of3A_1621 = tpu.assume_multiple %shift_left3A_1620, 16 : i32
      %get3A_1622 = arith.constant 12 : i32
      %get3A_1623 = arith.index_cast %get3A_1622 : i32 to index
      %get3A_1624 = arith.index_cast %multiple_of3A_1621 : i32 to index
      %get3A_1625 = tpu.vector_load %arg12[%get3A_1623, %get3A_1624] {strides = array<i32>} : memref<32x1024xf32, #tpu.memory_space<vmem>>, vector<1x16xf32>,
      %get3A_1626 = vector.shape_cast %get3A_1625 : vector<1x16xf32> to vector<16xf32>
      %and3A_1627 = arith.constant 15 : i32
      %and3A_1628 = arith.andi %squeeze3A_1606, %and3A_1627 : i32
      %eq3A_1629 = vector.broadcast %and3A_1628 : i32 to vector<16xi32>
      %eq3A_1630 = arith.cmpi eq, %iota3A, %eq3A_1629 : vector<16xi32>
      %select_n3A_1631 = arith.select %eq3A_1630, %get3A_1616, %broadcast_in_dim3A_1174 : vector<16xi1>, vector<16xf32>
      %add3A_1632 = arith.addf %sub3A_1604, %select_n3A_1631 : vector<16xf32>
      %and3A_1633 = arith.constant 15 : i32
      %and3A_1634 = arith.andi %squeeze3A_1608, %and3A_1633 : i32
      %eq3A_1635 = vector.broadcast %and3A_1634 : i32 to vector<16xi32>
      %eq3A_1636 = arith.cmpi eq, %iota3A, %eq3A_1635 : vector<16xi32>
      %select_n3A_1637 = arith.select %eq3A_1636, %get3A_1626, %broadcast_in_dim3A_1174 : vector<16xi1>, vector<16xf32>
      %sub3A_1638 = arith.subf %add3A_1632, %select_n3A_1637 : vector<16xf32>
      %slice3A_1639 = vector.extract_strided_slice %get3A_1182 {offsets = [13], sizes = [1], strides = [1]} : vector<16xi32> to vector<1xi32>
      %squeeze3A_1640 = vector.extract %slice3A_1639[0] : i32 from vector<1xi32>
      %slice3A_1641 = vector.extract_strided_slice %get3A_1185 {offsets = [13], sizes = [1], strides = [1]} : vector<16xi32> to vector<1xi32>
      %squeeze3A_1642 = vector.extract %slice3A_1641[0] : i32 from vector<1xi32>
      %shift_right_arithmetic3A_1643 = arith.constant 4 : i32
      %shift_right_arithmetic3A_1644 = arith.shrsi %squeeze3A_1640, %shift_right_arithmetic3A_1643 : i32
      %shift_left3A_1645 = arith.constant 4 : i32
      %shift_left3A_1646 = arith.shli %shift_right_arithmetic3A_1644, %shift_left3A_1645 : i32
      %multiple_of3A_1647 = tpu.assume_multiple %shift_left3A_1646, 16 : i32
      %get3A_1648 = arith.index_cast %multiple_of3A_1647 : i32 to index
      %get3A_1649 = tpu.vector_load %arg10[%get3A_1648] {strides = array<i32>} : memref<1024xf32, #tpu.memory_space<vmem>>, vector<16xf32>,
      %get3A_1650 = vector.shape_cast %get3A_1649 : vector<16xf32> to vector<16xf32>
      %shift_right_arithmetic3A_1651 = arith.constant 4 : i32
      %shift_right_arithmetic3A_1652 = arith.shrsi %squeeze3A_1642, %shift_right_arithmetic3A_1651 : i32
      %shift_left3A_1653 = arith.constant 4 : i32
      %shift_left3A_1654 = arith.shli %shift_right_arithmetic3A_1652, %shift_left3A_1653 : i32
      %multiple_of3A_1655 = tpu.assume_multiple %shift_left3A_1654, 16 : i32
      %get3A_1656 = arith.constant 13 : i32
      %get3A_1657 = arith.index_cast %get3A_1656 : i32 to index
      %get3A_1658 = arith.index_cast %multiple_of3A_1655 : i32 to index
      %get3A_1659 = tpu.vector_load %arg12[%get3A_1657, %get3A_1658] {strides = array<i32>} : memref<32x1024xf32, #tpu.memory_space<vmem>>, vector<1x16xf32>,
      %get3A_1660 = vector.shape_cast %get3A_1659 : vector<1x16xf32> to vector<16xf32>
      %and3A_1661 = arith.constant 15 : i32
      %and3A_1662 = arith.andi %squeeze3A_1640, %and3A_1661 : i32
      %eq3A_1663 = vector.broadcast %and3A_1662 : i32 to vector<16xi32>
      %eq3A_1664 = arith.cmpi eq, %iota3A, %eq3A_1663 : vector<16xi32>
      %select_n3A_1665 = arith.select %eq3A_1664, %get3A_1650, %broadcast_in_dim3A_1174 : vector<16xi1>, vector<16xf32>
      %add3A_1666 = arith.addf %sub3A_1638, %select_n3A_1665 : vector<16xf32>
      %and3A_1667 = arith.constant 15 : i32
      %and3A_1668 = arith.andi %squeeze3A_1642, %and3A_1667 : i32
      %eq3A_1669 = vector.broadcast %and3A_1668 : i32 to vector<16xi32>
      %eq3A_1670 = arith.cmpi eq, %iota3A, %eq3A_1669 : vector<16xi32>
      %select_n3A_1671 = arith.select %eq3A_1670, %get3A_1660, %broadcast_in_dim3A_1174 : vector<16xi1>, vector<16xf32>
      %sub3A_1672 = arith.subf %add3A_1666, %select_n3A_1671 : vector<16xf32>
      %slice3A_1673 = vector.extract_strided_slice %get3A_1182 {offsets = [14], sizes = [1], strides = [1]} : vector<16xi32> to vector<1xi32>
      %squeeze3A_1674 = vector.extract %slice3A_1673[0] : i32 from vector<1xi32>
      %slice3A_1675 = vector.extract_strided_slice %get3A_1185 {offsets = [14], sizes = [1], strides = [1]} : vector<16xi32> to vector<1xi32>
      %squeeze3A_1676 = vector.extract %slice3A_1675[0] : i32 from vector<1xi32>
      %shift_right_arithmetic3A_1677 = arith.constant 4 : i32
      %shift_right_arithmetic3A_1678 = arith.shrsi %squeeze3A_1674, %shift_right_arithmetic3A_1677 : i32
      %shift_left3A_1679 = arith.constant 4 : i32
      %shift_left3A_1680 = arith.shli %shift_right_arithmetic3A_1678, %shift_left3A_1679 : i32
      %multiple_of3A_1681 = tpu.assume_multiple %shift_left3A_1680, 16 : i32
      %get3A_1682 = arith.index_cast %multiple_of3A_1681 : i32 to index
      %get3A_1683 = tpu.vector_load %arg10[%get3A_1682] {strides = array<i32>} : memref<1024xf32, #tpu.memory_space<vmem>>, vector<16xf32>,
      %get3A_1684 = vector.shape_cast %get3A_1683 : vector<16xf32> to vector<16xf32>
      %shift_right_arithmetic3A_1685 = arith.constant 4 : i32
      %shift_right_arithmetic3A_1686 = arith.shrsi %squeeze3A_1676, %shift_right_arithmetic3A_1685 : i32
      %shift_left3A_1687 = arith.constant 4 : i32
      %shift_left3A_1688 = arith.shli %shift_right_arithmetic3A_1686, %shift_left3A_1687 : i32
      %multiple_of3A_1689 = tpu.assume_multiple %shift_left3A_1688, 16 : i32
      %get3A_1690 = arith.constant 14 : i32
      %get3A_1691 = arith.index_cast %get3A_1690 : i32 to index
      %get3A_1692 = arith.index_cast %multiple_of3A_1689 : i32 to index
      %get3A_1693 = tpu.vector_load %arg12[%get3A_1691, %get3A_1692] {strides = array<i32>} : memref<32x1024xf32, #tpu.memory_space<vmem>>, vector<1x16xf32>,
      %get3A_1694 = vector.shape_cast %get3A_1693 : vector<1x16xf32> to vector<16xf32>
      %and3A_1695 = arith.constant 15 : i32
      %and3A_1696 = arith.andi %squeeze3A_1674, %and3A_1695 : i32
      %eq3A_1697 = vector.broadcast %and3A_1696 : i32 to vector<16xi32>
      %eq3A_1698 = arith.cmpi eq, %iota3A, %eq3A_1697 : vector<16xi32>
      %select_n3A_1699 = arith.select %eq3A_1698, %get3A_1684, %broadcast_in_dim3A_1174 : vector<16xi1>, vector<16xf32>
      %add3A_1700 = arith.addf %sub3A_1672, %select_n3A_1699 : vector<16xf32>
      %and3A_1701 = arith.constant 15 : i32
      %and3A_1702 = arith.andi %squeeze3A_1676, %and3A_1701 : i32
      %eq3A_1703 = vector.broadcast %and3A_1702 : i32 to vector<16xi32>
      %eq3A_1704 = arith.cmpi eq, %iota3A, %eq3A_1703 : vector<16xi32>
      %select_n3A_1705 = arith.select %eq3A_1704, %get3A_1694, %broadcast_in_dim3A_1174 : vector<16xi1>, vector<16xf32>
      %sub3A_1706 = arith.subf %add3A_1700, %select_n3A_1705 : vector<16xf32>
      %slice3A_1707 = vector.extract_strided_slice %get3A_1182 {offsets = [15], sizes = [1], strides = [1]} : vector<16xi32> to vector<1xi32>
      %squeeze3A_1708 = vector.extract %slice3A_1707[0] : i32 from vector<1xi32>
      %slice3A_1709 = vector.extract_strided_slice %get3A_1185 {offsets = [15], sizes = [1], strides = [1]} : vector<16xi32> to vector<1xi32>
      %squeeze3A_1710 = vector.extract %slice3A_1709[0] : i32 from vector<1xi32>
      %shift_right_arithmetic3A_1711 = arith.constant 4 : i32
      %shift_right_arithmetic3A_1712 = arith.shrsi %squeeze3A_1708, %shift_right_arithmetic3A_1711 : i32
      %shift_left3A_1713 = arith.constant 4 : i32
      %shift_left3A_1714 = arith.shli %shift_right_arithmetic3A_1712, %shift_left3A_1713 : i32
      %multiple_of3A_1715 = tpu.assume_multiple %shift_left3A_1714, 16 : i32
      %get3A_1716 = arith.index_cast %multiple_of3A_1715 : i32 to index
      %get3A_1717 = tpu.vector_load %arg10[%get3A_1716] {strides = array<i32>} : memref<1024xf32, #tpu.memory_space<vmem>>, vector<16xf32>,
      %get3A_1718 = vector.shape_cast %get3A_1717 : vector<16xf32> to vector<16xf32>
      %shift_right_arithmetic3A_1719 = arith.constant 4 : i32
      %shift_right_arithmetic3A_1720 = arith.shrsi %squeeze3A_1710, %shift_right_arithmetic3A_1719 : i32
      %shift_left3A_1721 = arith.constant 4 : i32
      %shift_left3A_1722 = arith.shli %shift_right_arithmetic3A_1720, %shift_left3A_1721 : i32
      %multiple_of3A_1723 = tpu.assume_multiple %shift_left3A_1722, 16 : i32
      %get3A_1724 = arith.constant 15 : i32
      %get3A_1725 = arith.index_cast %get3A_1724 : i32 to index
      %get3A_1726 = arith.index_cast %multiple_of3A_1723 : i32 to index
      %get3A_1727 = tpu.vector_load %arg12[%get3A_1725, %get3A_1726] {strides = array<i32>} : memref<32x1024xf32, #tpu.memory_space<vmem>>, vector<1x16xf32>,
      %get3A_1728 = vector.shape_cast %get3A_1727 : vector<1x16xf32> to vector<16xf32>
      %and3A_1729 = arith.constant 15 : i32
      %and3A_1730 = arith.andi %squeeze3A_1708, %and3A_1729 : i32
      %eq3A_1731 = vector.broadcast %and3A_1730 : i32 to vector<16xi32>
      %eq3A_1732 = arith.cmpi eq, %iota3A, %eq3A_1731 : vector<16xi32>
      %select_n3A_1733 = arith.select %eq3A_1732, %get3A_1718, %broadcast_in_dim3A_1174 : vector<16xi1>, vector<16xf32>
      %add3A_1734 = arith.addf %sub3A_1706, %select_n3A_1733 : vector<16xf32>
      %and3A_1735 = arith.constant 15 : i32
      %and3A_1736 = arith.andi %squeeze3A_1710, %and3A_1735 : i32
      %eq3A_1737 = vector.broadcast %and3A_1736 : i32 to vector<16xi32>
      %eq3A_1738 = arith.cmpi eq, %iota3A, %eq3A_1737 : vector<16xi32>
      %select_n3A_1739 = arith.select %eq3A_1738, %get3A_1728, %broadcast_in_dim3A_1174 : vector<16xi1>, vector<16xf32>
      %sub3A_1740 = arith.subf %add3A_1734, %select_n3A_1739 : vector<16xf32>
      %slice3A_1741 = vector.extract_strided_slice %get3A_1193 {offsets = [0], sizes = [1], strides = [1]} : vector<16xi32> to vector<1xi32>
      %squeeze3A_1742 = vector.extract %slice3A_1741[0] : i32 from vector<1xi32>
      %slice3A_1743 = vector.extract_strided_slice %get3A_1196 {offsets = [0], sizes = [1], strides = [1]} : vector<16xi32> to vector<1xi32>
      %squeeze3A_1744 = vector.extract %slice3A_1743[0] : i32 from vector<1xi32>
      %shift_right_arithmetic3A_1745 = arith.constant 4 : i32
      %shift_right_arithmetic3A_1746 = arith.shrsi %squeeze3A_1742, %shift_right_arithmetic3A_1745 : i32
      %shift_left3A_1747 = arith.constant 4 : i32
      %shift_left3A_1748 = arith.shli %shift_right_arithmetic3A_1746, %shift_left3A_1747 : i32
      %multiple_of3A_1749 = tpu.assume_multiple %shift_left3A_1748, 16 : i32
      %get3A_1750 = arith.index_cast %multiple_of3A_1749 : i32 to index
      %get3A_1751 = tpu.vector_load %arg10[%get3A_1750] {strides = array<i32>} : memref<1024xf32, #tpu.memory_space<vmem>>, vector<16xf32>,
      %get3A_1752 = vector.shape_cast %get3A_1751 : vector<16xf32> to vector<16xf32>
      %shift_right_arithmetic3A_1753 = arith.constant 4 : i32
      %shift_right_arithmetic3A_1754 = arith.shrsi %squeeze3A_1744, %shift_right_arithmetic3A_1753 : i32
      %shift_left3A_1755 = arith.constant 4 : i32
      %shift_left3A_1756 = arith.shli %shift_right_arithmetic3A_1754, %shift_left3A_1755 : i32
      %multiple_of3A_1757 = tpu.assume_multiple %shift_left3A_1756, 16 : i32
      %get3A_1758 = arith.constant 16 : i32
      %get3A_1759 = arith.index_cast %get3A_1758 : i32 to index
      %get3A_1760 = arith.index_cast %multiple_of3A_1757 : i32 to index
      %get3A_1761 = tpu.vector_load %arg12[%get3A_1759, %get3A_1760] {strides = array<i32>} : memref<32x1024xf32, #tpu.memory_space<vmem>>, vector<1x16xf32>,
      %get3A_1762 = vector.shape_cast %get3A_1761 : vector<1x16xf32> to vector<16xf32>
      %and3A_1763 = arith.constant 15 : i32
      %and3A_1764 = arith.andi %squeeze3A_1742, %and3A_1763 : i32
      %eq3A_1765 = vector.broadcast %and3A_1764 : i32 to vector<16xi32>
      %eq3A_1766 = arith.cmpi eq, %iota3A, %eq3A_1765 : vector<16xi32>
      %select_n3A_1767 = arith.select %eq3A_1766, %get3A_1752, %broadcast_in_dim3A_1174 : vector<16xi1>, vector<16xf32>
      %add3A_1768 = arith.addf %sub3A_1740, %select_n3A_1767 : vector<16xf32>
      %and3A_1769 = arith.constant 15 : i32
      %and3A_1770 = arith.andi %squeeze3A_1744, %and3A_1769 : i32
      %eq3A_1771 = vector.broadcast %and3A_1770 : i32 to vector<16xi32>
      %eq3A_1772 = arith.cmpi eq, %iota3A, %eq3A_1771 : vector<16xi32>
      %select_n3A_1773 = arith.select %eq3A_1772, %get3A_1762, %broadcast_in_dim3A_1174 : vector<16xi1>, vector<16xf32>
      %sub3A_1774 = arith.subf %add3A_1768, %select_n3A_1773 : vector<16xf32>
      %slice3A_1775 = vector.extract_strided_slice %get3A_1193 {offsets = [1], sizes = [1], strides = [1]} : vector<16xi32> to vector<1xi32>
      %squeeze3A_1776 = vector.extract %slice3A_1775[0] : i32 from vector<1xi32>
      %slice3A_1777 = vector.extract_strided_slice %get3A_1196 {offsets = [1], sizes = [1], strides = [1]} : vector<16xi32> to vector<1xi32>
      %squeeze3A_1778 = vector.extract %slice3A_1777[0] : i32 from vector<1xi32>
      %shift_right_arithmetic3A_1779 = arith.constant 4 : i32
      %shift_right_arithmetic3A_1780 = arith.shrsi %squeeze3A_1776, %shift_right_arithmetic3A_1779 : i32
      %shift_left3A_1781 = arith.constant 4 : i32
      %shift_left3A_1782 = arith.shli %shift_right_arithmetic3A_1780, %shift_left3A_1781 : i32
      %multiple_of3A_1783 = tpu.assume_multiple %shift_left3A_1782, 16 : i32
      %get3A_1784 = arith.index_cast %multiple_of3A_1783 : i32 to index
      %get3A_1785 = tpu.vector_load %arg10[%get3A_1784] {strides = array<i32>} : memref<1024xf32, #tpu.memory_space<vmem>>, vector<16xf32>,
      %get3A_1786 = vector.shape_cast %get3A_1785 : vector<16xf32> to vector<16xf32>
      %shift_right_arithmetic3A_1787 = arith.constant 4 : i32
      %shift_right_arithmetic3A_1788 = arith.shrsi %squeeze3A_1778, %shift_right_arithmetic3A_1787 : i32
      %shift_left3A_1789 = arith.constant 4 : i32
      %shift_left3A_1790 = arith.shli %shift_right_arithmetic3A_1788, %shift_left3A_1789 : i32
      %multiple_of3A_1791 = tpu.assume_multiple %shift_left3A_1790, 16 : i32
      %get3A_1792 = arith.constant 17 : i32
      %get3A_1793 = arith.index_cast %get3A_1792 : i32 to index
      %get3A_1794 = arith.index_cast %multiple_of3A_1791 : i32 to index
      %get3A_1795 = tpu.vector_load %arg12[%get3A_1793, %get3A_1794] {strides = array<i32>} : memref<32x1024xf32, #tpu.memory_space<vmem>>, vector<1x16xf32>,
      %get3A_1796 = vector.shape_cast %get3A_1795 : vector<1x16xf32> to vector<16xf32>
      %and3A_1797 = arith.constant 15 : i32
      %and3A_1798 = arith.andi %squeeze3A_1776, %and3A_1797 : i32
      %eq3A_1799 = vector.broadcast %and3A_1798 : i32 to vector<16xi32>
      %eq3A_1800 = arith.cmpi eq, %iota3A, %eq3A_1799 : vector<16xi32>
      %select_n3A_1801 = arith.select %eq3A_1800, %get3A_1786, %broadcast_in_dim3A_1174 : vector<16xi1>, vector<16xf32>
      %add3A_1802 = arith.addf %sub3A_1774, %select_n3A_1801 : vector<16xf32>
      %and3A_1803 = arith.constant 15 : i32
      %and3A_1804 = arith.andi %squeeze3A_1778, %and3A_1803 : i32
      %eq3A_1805 = vector.broadcast %and3A_1804 : i32 to vector<16xi32>
      %eq3A_1806 = arith.cmpi eq, %iota3A, %eq3A_1805 : vector<16xi32>
      %select_n3A_1807 = arith.select %eq3A_1806, %get3A_1796, %broadcast_in_dim3A_1174 : vector<16xi1>, vector<16xf32>
      %sub3A_1808 = arith.subf %add3A_1802, %select_n3A_1807 : vector<16xf32>
      %slice3A_1809 = vector.extract_strided_slice %get3A_1193 {offsets = [2], sizes = [1], strides = [1]} : vector<16xi32> to vector<1xi32>
      %squeeze3A_1810 = vector.extract %slice3A_1809[0] : i32 from vector<1xi32>
      %slice3A_1811 = vector.extract_strided_slice %get3A_1196 {offsets = [2], sizes = [1], strides = [1]} : vector<16xi32> to vector<1xi32>
      %squeeze3A_1812 = vector.extract %slice3A_1811[0] : i32 from vector<1xi32>
      %shift_right_arithmetic3A_1813 = arith.constant 4 : i32
      %shift_right_arithmetic3A_1814 = arith.shrsi %squeeze3A_1810, %shift_right_arithmetic3A_1813 : i32
      %shift_left3A_1815 = arith.constant 4 : i32
      %shift_left3A_1816 = arith.shli %shift_right_arithmetic3A_1814, %shift_left3A_1815 : i32
      %multiple_of3A_1817 = tpu.assume_multiple %shift_left3A_1816, 16 : i32
      %get3A_1818 = arith.index_cast %multiple_of3A_1817 : i32 to index
      %get3A_1819 = tpu.vector_load %arg10[%get3A_1818] {strides = array<i32>} : memref<1024xf32, #tpu.memory_space<vmem>>, vector<16xf32>,
      %get3A_1820 = vector.shape_cast %get3A_1819 : vector<16xf32> to vector<16xf32>
      %shift_right_arithmetic3A_1821 = arith.constant 4 : i32
      %shift_right_arithmetic3A_1822 = arith.shrsi %squeeze3A_1812, %shift_right_arithmetic3A_1821 : i32
      %shift_left3A_1823 = arith.constant 4 : i32
      %shift_left3A_1824 = arith.shli %shift_right_arithmetic3A_1822, %shift_left3A_1823 : i32
      %multiple_of3A_1825 = tpu.assume_multiple %shift_left3A_1824, 16 : i32
      %get3A_1826 = arith.constant 18 : i32
      %get3A_1827 = arith.index_cast %get3A_1826 : i32 to index
      %get3A_1828 = arith.index_cast %multiple_of3A_1825 : i32 to index
      %get3A_1829 = tpu.vector_load %arg12[%get3A_1827, %get3A_1828] {strides = array<i32>} : memref<32x1024xf32, #tpu.memory_space<vmem>>, vector<1x16xf32>,
      %get3A_1830 = vector.shape_cast %get3A_1829 : vector<1x16xf32> to vector<16xf32>
      %and3A_1831 = arith.constant 15 : i32
      %and3A_1832 = arith.andi %squeeze3A_1810, %and3A_1831 : i32
      %eq3A_1833 = vector.broadcast %and3A_1832 : i32 to vector<16xi32>
      %eq3A_1834 = arith.cmpi eq, %iota3A, %eq3A_1833 : vector<16xi32>
      %select_n3A_1835 = arith.select %eq3A_1834, %get3A_1820, %broadcast_in_dim3A_1174 : vector<16xi1>, vector<16xf32>
      %add3A_1836 = arith.addf %sub3A_1808, %select_n3A_1835 : vector<16xf32>
      %and3A_1837 = arith.constant 15 : i32
      %and3A_1838 = arith.andi %squeeze3A_1812, %and3A_1837 : i32
      %eq3A_1839 = vector.broadcast %and3A_1838 : i32 to vector<16xi32>
      %eq3A_1840 = arith.cmpi eq, %iota3A, %eq3A_1839 : vector<16xi32>
      %select_n3A_1841 = arith.select %eq3A_1840, %get3A_1830, %broadcast_in_dim3A_1174 : vector<16xi1>, vector<16xf32>
      %sub3A_1842 = arith.subf %add3A_1836, %select_n3A_1841 : vector<16xf32>
      %slice3A_1843 = vector.extract_strided_slice %get3A_1193 {offsets = [3], sizes = [1], strides = [1]} : vector<16xi32> to vector<1xi32>
      %squeeze3A_1844 = vector.extract %slice3A_1843[0] : i32 from vector<1xi32>
      %slice3A_1845 = vector.extract_strided_slice %get3A_1196 {offsets = [3], sizes = [1], strides = [1]} : vector<16xi32> to vector<1xi32>
      %squeeze3A_1846 = vector.extract %slice3A_1845[0] : i32 from vector<1xi32>
      %shift_right_arithmetic3A_1847 = arith.constant 4 : i32
      %shift_right_arithmetic3A_1848 = arith.shrsi %squeeze3A_1844, %shift_right_arithmetic3A_1847 : i32
      %shift_left3A_1849 = arith.constant 4 : i32
      %shift_left3A_1850 = arith.shli %shift_right_arithmetic3A_1848, %shift_left3A_1849 : i32
      %multiple_of3A_1851 = tpu.assume_multiple %shift_left3A_1850, 16 : i32
      %get3A_1852 = arith.index_cast %multiple_of3A_1851 : i32 to index
      %get3A_1853 = tpu.vector_load %arg10[%get3A_1852] {strides = array<i32>} : memref<1024xf32, #tpu.memory_space<vmem>>, vector<16xf32>,
      %get3A_1854 = vector.shape_cast %get3A_1853 : vector<16xf32> to vector<16xf32>
      %shift_right_arithmetic3A_1855 = arith.constant 4 : i32
      %shift_right_arithmetic3A_1856 = arith.shrsi %squeeze3A_1846, %shift_right_arithmetic3A_1855 : i32
      %shift_left3A_1857 = arith.constant 4 : i32
      %shift_left3A_1858 = arith.shli %shift_right_arithmetic3A_1856, %shift_left3A_1857 : i32
      %multiple_of3A_1859 = tpu.assume_multiple %shift_left3A_1858, 16 : i32
      %get3A_1860 = arith.constant 19 : i32
      %get3A_1861 = arith.index_cast %get3A_1860 : i32 to index
      %get3A_1862 = arith.index_cast %multiple_of3A_1859 : i32 to index
      %get3A_1863 = tpu.vector_load %arg12[%get3A_1861, %get3A_1862] {strides = array<i32>} : memref<32x1024xf32, #tpu.memory_space<vmem>>, vector<1x16xf32>,
      %get3A_1864 = vector.shape_cast %get3A_1863 : vector<1x16xf32> to vector<16xf32>
      %and3A_1865 = arith.constant 15 : i32
      %and3A_1866 = arith.andi %squeeze3A_1844, %and3A_1865 : i32
      %eq3A_1867 = vector.broadcast %and3A_1866 : i32 to vector<16xi32>
      %eq3A_1868 = arith.cmpi eq, %iota3A, %eq3A_1867 : vector<16xi32>
      %select_n3A_1869 = arith.select %eq3A_1868, %get3A_1854, %broadcast_in_dim3A_1174 : vector<16xi1>, vector<16xf32>
      %add3A_1870 = arith.addf %sub3A_1842, %select_n3A_1869 : vector<16xf32>
      %and3A_1871 = arith.constant 15 : i32
      %and3A_1872 = arith.andi %squeeze3A_1846, %and3A_1871 : i32
      %eq3A_1873 = vector.broadcast %and3A_1872 : i32 to vector<16xi32>
      %eq3A_1874 = arith.cmpi eq, %iota3A, %eq3A_1873 : vector<16xi32>
      %select_n3A_1875 = arith.select %eq3A_1874, %get3A_1864, %broadcast_in_dim3A_1174 : vector<16xi1>, vector<16xf32>
      %sub3A_1876 = arith.subf %add3A_1870, %select_n3A_1875 : vector<16xf32>
      %slice3A_1877 = vector.extract_strided_slice %get3A_1193 {offsets = [4], sizes = [1], strides = [1]} : vector<16xi32> to vector<1xi32>
      %squeeze3A_1878 = vector.extract %slice3A_1877[0] : i32 from vector<1xi32>
      %slice3A_1879 = vector.extract_strided_slice %get3A_1196 {offsets = [4], sizes = [1], strides = [1]} : vector<16xi32> to vector<1xi32>
      %squeeze3A_1880 = vector.extract %slice3A_1879[0] : i32 from vector<1xi32>
      %shift_right_arithmetic3A_1881 = arith.constant 4 : i32
      %shift_right_arithmetic3A_1882 = arith.shrsi %squeeze3A_1878, %shift_right_arithmetic3A_1881 : i32
      %shift_left3A_1883 = arith.constant 4 : i32
      %shift_left3A_1884 = arith.shli %shift_right_arithmetic3A_1882, %shift_left3A_1883 : i32
      %multiple_of3A_1885 = tpu.assume_multiple %shift_left3A_1884, 16 : i32
      %get3A_1886 = arith.index_cast %multiple_of3A_1885 : i32 to index
      %get3A_1887 = tpu.vector_load %arg10[%get3A_1886] {strides = array<i32>} : memref<1024xf32, #tpu.memory_space<vmem>>, vector<16xf32>,
      %get3A_1888 = vector.shape_cast %get3A_1887 : vector<16xf32> to vector<16xf32>
      %shift_right_arithmetic3A_1889 = arith.constant 4 : i32
      %shift_right_arithmetic3A_1890 = arith.shrsi %squeeze3A_1880, %shift_right_arithmetic3A_1889 : i32
      %shift_left3A_1891 = arith.constant 4 : i32
      %shift_left3A_1892 = arith.shli %shift_right_arithmetic3A_1890, %shift_left3A_1891 : i32
      %multiple_of3A_1893 = tpu.assume_multiple %shift_left3A_1892, 16 : i32
      %get3A_1894 = arith.constant 20 : i32
      %get3A_1895 = arith.index_cast %get3A_1894 : i32 to index
      %get3A_1896 = arith.index_cast %multiple_of3A_1893 : i32 to index
      %get3A_1897 = tpu.vector_load %arg12[%get3A_1895, %get3A_1896] {strides = array<i32>} : memref<32x1024xf32, #tpu.memory_space<vmem>>, vector<1x16xf32>,
      %get3A_1898 = vector.shape_cast %get3A_1897 : vector<1x16xf32> to vector<16xf32>
      %and3A_1899 = arith.constant 15 : i32
      %and3A_1900 = arith.andi %squeeze3A_1878, %and3A_1899 : i32
      %eq3A_1901 = vector.broadcast %and3A_1900 : i32 to vector<16xi32>
      %eq3A_1902 = arith.cmpi eq, %iota3A, %eq3A_1901 : vector<16xi32>
      %select_n3A_1903 = arith.select %eq3A_1902, %get3A_1888, %broadcast_in_dim3A_1174 : vector<16xi1>, vector<16xf32>
      %add3A_1904 = arith.addf %sub3A_1876, %select_n3A_1903 : vector<16xf32>
      %and3A_1905 = arith.constant 15 : i32
      %and3A_1906 = arith.andi %squeeze3A_1880, %and3A_1905 : i32
      %eq3A_1907 = vector.broadcast %and3A_1906 : i32 to vector<16xi32>
      %eq3A_1908 = arith.cmpi eq, %iota3A, %eq3A_1907 : vector<16xi32>
      %select_n3A_1909 = arith.select %eq3A_1908, %get3A_1898, %broadcast_in_dim3A_1174 : vector<16xi1>, vector<16xf32>
      %sub3A_1910 = arith.subf %add3A_1904, %select_n3A_1909 : vector<16xf32>
      %slice3A_1911 = vector.extract_strided_slice %get3A_1193 {offsets = [5], sizes = [1], strides = [1]} : vector<16xi32> to vector<1xi32>
      %squeeze3A_1912 = vector.extract %slice3A_1911[0] : i32 from vector<1xi32>
      %slice3A_1913 = vector.extract_strided_slice %get3A_1196 {offsets = [5], sizes = [1], strides = [1]} : vector<16xi32> to vector<1xi32>
      %squeeze3A_1914 = vector.extract %slice3A_1913[0] : i32 from vector<1xi32>
      %shift_right_arithmetic3A_1915 = arith.constant 4 : i32
      %shift_right_arithmetic3A_1916 = arith.shrsi %squeeze3A_1912, %shift_right_arithmetic3A_1915 : i32
      %shift_left3A_1917 = arith.constant 4 : i32
      %shift_left3A_1918 = arith.shli %shift_right_arithmetic3A_1916, %shift_left3A_1917 : i32
      %multiple_of3A_1919 = tpu.assume_multiple %shift_left3A_1918, 16 : i32
      %get3A_1920 = arith.index_cast %multiple_of3A_1919 : i32 to index
      %get3A_1921 = tpu.vector_load %arg10[%get3A_1920] {strides = array<i32>} : memref<1024xf32, #tpu.memory_space<vmem>>, vector<16xf32>,
      %get3A_1922 = vector.shape_cast %get3A_1921 : vector<16xf32> to vector<16xf32>
      %shift_right_arithmetic3A_1923 = arith.constant 4 : i32
      %shift_right_arithmetic3A_1924 = arith.shrsi %squeeze3A_1914, %shift_right_arithmetic3A_1923 : i32
      %shift_left3A_1925 = arith.constant 4 : i32
      %shift_left3A_1926 = arith.shli %shift_right_arithmetic3A_1924, %shift_left3A_1925 : i32
      %multiple_of3A_1927 = tpu.assume_multiple %shift_left3A_1926, 16 : i32
      %get3A_1928 = arith.constant 21 : i32
      %get3A_1929 = arith.index_cast %get3A_1928 : i32 to index
      %get3A_1930 = arith.index_cast %multiple_of3A_1927 : i32 to index
      %get3A_1931 = tpu.vector_load %arg12[%get3A_1929, %get3A_1930] {strides = array<i32>} : memref<32x1024xf32, #tpu.memory_space<vmem>>, vector<1x16xf32>,
      %get3A_1932 = vector.shape_cast %get3A_1931 : vector<1x16xf32> to vector<16xf32>
      %and3A_1933 = arith.constant 15 : i32
      %and3A_1934 = arith.andi %squeeze3A_1912, %and3A_1933 : i32
      %eq3A_1935 = vector.broadcast %and3A_1934 : i32 to vector<16xi32>
      %eq3A_1936 = arith.cmpi eq, %iota3A, %eq3A_1935 : vector<16xi32>
      %select_n3A_1937 = arith.select %eq3A_1936, %get3A_1922, %broadcast_in_dim3A_1174 : vector<16xi1>, vector<16xf32>
      %add3A_1938 = arith.addf %sub3A_1910, %select_n3A_1937 : vector<16xf32>
      %and3A_1939 = arith.constant 15 : i32
      %and3A_1940 = arith.andi %squeeze3A_1914, %and3A_1939 : i32
      %eq3A_1941 = vector.broadcast %and3A_1940 : i32 to vector<16xi32>
      %eq3A_1942 = arith.cmpi eq, %iota3A, %eq3A_1941 : vector<16xi32>
      %select_n3A_1943 = arith.select %eq3A_1942, %get3A_1932, %broadcast_in_dim3A_1174 : vector<16xi1>, vector<16xf32>
      %sub3A_1944 = arith.subf %add3A_1938, %select_n3A_1943 : vector<16xf32>
      %slice3A_1945 = vector.extract_strided_slice %get3A_1193 {offsets = [6], sizes = [1], strides = [1]} : vector<16xi32> to vector<1xi32>
      %squeeze3A_1946 = vector.extract %slice3A_1945[0] : i32 from vector<1xi32>
      %slice3A_1947 = vector.extract_strided_slice %get3A_1196 {offsets = [6], sizes = [1], strides = [1]} : vector<16xi32> to vector<1xi32>
      %squeeze3A_1948 = vector.extract %slice3A_1947[0] : i32 from vector<1xi32>
      %shift_right_arithmetic3A_1949 = arith.constant 4 : i32
      %shift_right_arithmetic3A_1950 = arith.shrsi %squeeze3A_1946, %shift_right_arithmetic3A_1949 : i32
      %shift_left3A_1951 = arith.constant 4 : i32
      %shift_left3A_1952 = arith.shli %shift_right_arithmetic3A_1950, %shift_left3A_1951 : i32
      %multiple_of3A_1953 = tpu.assume_multiple %shift_left3A_1952, 16 : i32
      %get3A_1954 = arith.index_cast %multiple_of3A_1953 : i32 to index
      %get3A_1955 = tpu.vector_load %arg10[%get3A_1954] {strides = array<i32>} : memref<1024xf32, #tpu.memory_space<vmem>>, vector<16xf32>,
      %get3A_1956 = vector.shape_cast %get3A_1955 : vector<16xf32> to vector<16xf32>
      %shift_right_arithmetic3A_1957 = arith.constant 4 : i32
      %shift_right_arithmetic3A_1958 = arith.shrsi %squeeze3A_1948, %shift_right_arithmetic3A_1957 : i32
      %shift_left3A_1959 = arith.constant 4 : i32
      %shift_left3A_1960 = arith.shli %shift_right_arithmetic3A_1958, %shift_left3A_1959 : i32
      %multiple_of3A_1961 = tpu.assume_multiple %shift_left3A_1960, 16 : i32
      %get3A_1962 = arith.constant 22 : i32
      %get3A_1963 = arith.index_cast %get3A_1962 : i32 to index
      %get3A_1964 = arith.index_cast %multiple_of3A_1961 : i32 to index
      %get3A_1965 = tpu.vector_load %arg12[%get3A_1963, %get3A_1964] {strides = array<i32>} : memref<32x1024xf32, #tpu.memory_space<vmem>>, vector<1x16xf32>,
      %get3A_1966 = vector.shape_cast %get3A_1965 : vector<1x16xf32> to vector<16xf32>
      %and3A_1967 = arith.constant 15 : i32
      %and3A_1968 = arith.andi %squeeze3A_1946, %and3A_1967 : i32
      %eq3A_1969 = vector.broadcast %and3A_1968 : i32 to vector<16xi32>
      %eq3A_1970 = arith.cmpi eq, %iota3A, %eq3A_1969 : vector<16xi32>
      %select_n3A_1971 = arith.select %eq3A_1970, %get3A_1956, %broadcast_in_dim3A_1174 : vector<16xi1>, vector<16xf32>
      %add3A_1972 = arith.addf %sub3A_1944, %select_n3A_1971 : vector<16xf32>
      %and3A_1973 = arith.constant 15 : i32
      %and3A_1974 = arith.andi %squeeze3A_1948, %and3A_1973 : i32
      %eq3A_1975 = vector.broadcast %and3A_1974 : i32 to vector<16xi32>
      %eq3A_1976 = arith.cmpi eq, %iota3A, %eq3A_1975 : vector<16xi32>
      %select_n3A_1977 = arith.select %eq3A_1976, %get3A_1966, %broadcast_in_dim3A_1174 : vector<16xi1>, vector<16xf32>
      %sub3A_1978 = arith.subf %add3A_1972, %select_n3A_1977 : vector<16xf32>
      %slice3A_1979 = vector.extract_strided_slice %get3A_1193 {offsets = [7], sizes = [1], strides = [1]} : vector<16xi32> to vector<1xi32>
      %squeeze3A_1980 = vector.extract %slice3A_1979[0] : i32 from vector<1xi32>
      %slice3A_1981 = vector.extract_strided_slice %get3A_1196 {offsets = [7], sizes = [1], strides = [1]} : vector<16xi32> to vector<1xi32>
      %squeeze3A_1982 = vector.extract %slice3A_1981[0] : i32 from vector<1xi32>
      %shift_right_arithmetic3A_1983 = arith.constant 4 : i32
      %shift_right_arithmetic3A_1984 = arith.shrsi %squeeze3A_1980, %shift_right_arithmetic3A_1983 : i32
      %shift_left3A_1985 = arith.constant 4 : i32
      %shift_left3A_1986 = arith.shli %shift_right_arithmetic3A_1984, %shift_left3A_1985 : i32
      %multiple_of3A_1987 = tpu.assume_multiple %shift_left3A_1986, 16 : i32
      %get3A_1988 = arith.index_cast %multiple_of3A_1987 : i32 to index
      %get3A_1989 = tpu.vector_load %arg10[%get3A_1988] {strides = array<i32>} : memref<1024xf32, #tpu.memory_space<vmem>>, vector<16xf32>,
      %get3A_1990 = vector.shape_cast %get3A_1989 : vector<16xf32> to vector<16xf32>
      %shift_right_arithmetic3A_1991 = arith.constant 4 : i32
      %shift_right_arithmetic3A_1992 = arith.shrsi %squeeze3A_1982, %shift_right_arithmetic3A_1991 : i32
      %shift_left3A_1993 = arith.constant 4 : i32
      %shift_left3A_1994 = arith.shli %shift_right_arithmetic3A_1992, %shift_left3A_1993 : i32
      %multiple_of3A_1995 = tpu.assume_multiple %shift_left3A_1994, 16 : i32
      %get3A_1996 = arith.constant 23 : i32
      %get3A_1997 = arith.index_cast %get3A_1996 : i32 to index
      %get3A_1998 = arith.index_cast %multiple_of3A_1995 : i32 to index
      %get3A_1999 = tpu.vector_load %arg12[%get3A_1997, %get3A_1998] {strides = array<i32>} : memref<32x1024xf32, #tpu.memory_space<vmem>>, vector<1x16xf32>,
      %get3A_2000 = vector.shape_cast %get3A_1999 : vector<1x16xf32> to vector<16xf32>
      %and3A_2001 = arith.constant 15 : i32
      %and3A_2002 = arith.andi %squeeze3A_1980, %and3A_2001 : i32
      %eq3A_2003 = vector.broadcast %and3A_2002 : i32 to vector<16xi32>
      %eq3A_2004 = arith.cmpi eq, %iota3A, %eq3A_2003 : vector<16xi32>
      %select_n3A_2005 = arith.select %eq3A_2004, %get3A_1990, %broadcast_in_dim3A_1174 : vector<16xi1>, vector<16xf32>
      %add3A_2006 = arith.addf %sub3A_1978, %select_n3A_2005 : vector<16xf32>
      %and3A_2007 = arith.constant 15 : i32
      %and3A_2008 = arith.andi %squeeze3A_1982, %and3A_2007 : i32
      %eq3A_2009 = vector.broadcast %and3A_2008 : i32 to vector<16xi32>
      %eq3A_2010 = arith.cmpi eq, %iota3A, %eq3A_2009 : vector<16xi32>
      %select_n3A_2011 = arith.select %eq3A_2010, %get3A_2000, %broadcast_in_dim3A_1174 : vector<16xi1>, vector<16xf32>
      %sub3A_2012 = arith.subf %add3A_2006, %select_n3A_2011 : vector<16xf32>
      %slice3A_2013 = vector.extract_strided_slice %get3A_1193 {offsets = [8], sizes = [1], strides = [1]} : vector<16xi32> to vector<1xi32>
      %squeeze3A_2014 = vector.extract %slice3A_2013[0] : i32 from vector<1xi32>
      %slice3A_2015 = vector.extract_strided_slice %get3A_1196 {offsets = [8], sizes = [1], strides = [1]} : vector<16xi32> to vector<1xi32>
      %squeeze3A_2016 = vector.extract %slice3A_2015[0] : i32 from vector<1xi32>
      %shift_right_arithmetic3A_2017 = arith.constant 4 : i32
      %shift_right_arithmetic3A_2018 = arith.shrsi %squeeze3A_2014, %shift_right_arithmetic3A_2017 : i32
      %shift_left3A_2019 = arith.constant 4 : i32
      %shift_left3A_2020 = arith.shli %shift_right_arithmetic3A_2018, %shift_left3A_2019 : i32
      %multiple_of3A_2021 = tpu.assume_multiple %shift_left3A_2020, 16 : i32
      %get3A_2022 = arith.index_cast %multiple_of3A_2021 : i32 to index
      %get3A_2023 = tpu.vector_load %arg10[%get3A_2022] {strides = array<i32>} : memref<1024xf32, #tpu.memory_space<vmem>>, vector<16xf32>,
      %get3A_2024 = vector.shape_cast %get3A_2023 : vector<16xf32> to vector<16xf32>
      %shift_right_arithmetic3A_2025 = arith.constant 4 : i32
      %shift_right_arithmetic3A_2026 = arith.shrsi %squeeze3A_2016, %shift_right_arithmetic3A_2025 : i32
      %shift_left3A_2027 = arith.constant 4 : i32
      %shift_left3A_2028 = arith.shli %shift_right_arithmetic3A_2026, %shift_left3A_2027 : i32
      %multiple_of3A_2029 = tpu.assume_multiple %shift_left3A_2028, 16 : i32
      %get3A_2030 = arith.constant 24 : i32
      %get3A_2031 = arith.index_cast %get3A_2030 : i32 to index
      %get3A_2032 = arith.index_cast %multiple_of3A_2029 : i32 to index
      %get3A_2033 = tpu.vector_load %arg12[%get3A_2031, %get3A_2032] {strides = array<i32>} : memref<32x1024xf32, #tpu.memory_space<vmem>>, vector<1x16xf32>,
      %get3A_2034 = vector.shape_cast %get3A_2033 : vector<1x16xf32> to vector<16xf32>
      %and3A_2035 = arith.constant 15 : i32
      %and3A_2036 = arith.andi %squeeze3A_2014, %and3A_2035 : i32
      %eq3A_2037 = vector.broadcast %and3A_2036 : i32 to vector<16xi32>
      %eq3A_2038 = arith.cmpi eq, %iota3A, %eq3A_2037 : vector<16xi32>
      %select_n3A_2039 = arith.select %eq3A_2038, %get3A_2024, %broadcast_in_dim3A_1174 : vector<16xi1>, vector<16xf32>
      %add3A_2040 = arith.addf %sub3A_2012, %select_n3A_2039 : vector<16xf32>
      %and3A_2041 = arith.constant 15 : i32
      %and3A_2042 = arith.andi %squeeze3A_2016, %and3A_2041 : i32
      %eq3A_2043 = vector.broadcast %and3A_2042 : i32 to vector<16xi32>
      %eq3A_2044 = arith.cmpi eq, %iota3A, %eq3A_2043 : vector<16xi32>
      %select_n3A_2045 = arith.select %eq3A_2044, %get3A_2034, %broadcast_in_dim3A_1174 : vector<16xi1>, vector<16xf32>
      %sub3A_2046 = arith.subf %add3A_2040, %select_n3A_2045 : vector<16xf32>
      %slice3A_2047 = vector.extract_strided_slice %get3A_1193 {offsets = [9], sizes = [1], strides = [1]} : vector<16xi32> to vector<1xi32>
      %squeeze3A_2048 = vector.extract %slice3A_2047[0] : i32 from vector<1xi32>
      %slice3A_2049 = vector.extract_strided_slice %get3A_1196 {offsets = [9], sizes = [1], strides = [1]} : vector<16xi32> to vector<1xi32>
      %squeeze3A_2050 = vector.extract %slice3A_2049[0] : i32 from vector<1xi32>
      %shift_right_arithmetic3A_2051 = arith.constant 4 : i32
      %shift_right_arithmetic3A_2052 = arith.shrsi %squeeze3A_2048, %shift_right_arithmetic3A_2051 : i32
      %shift_left3A_2053 = arith.constant 4 : i32
      %shift_left3A_2054 = arith.shli %shift_right_arithmetic3A_2052, %shift_left3A_2053 : i32
      %multiple_of3A_2055 = tpu.assume_multiple %shift_left3A_2054, 16 : i32
      %get3A_2056 = arith.index_cast %multiple_of3A_2055 : i32 to index
      %get3A_2057 = tpu.vector_load %arg10[%get3A_2056] {strides = array<i32>} : memref<1024xf32, #tpu.memory_space<vmem>>, vector<16xf32>,
      %get3A_2058 = vector.shape_cast %get3A_2057 : vector<16xf32> to vector<16xf32>
      %shift_right_arithmetic3A_2059 = arith.constant 4 : i32
      %shift_right_arithmetic3A_2060 = arith.shrsi %squeeze3A_2050, %shift_right_arithmetic3A_2059 : i32
      %shift_left3A_2061 = arith.constant 4 : i32
      %shift_left3A_2062 = arith.shli %shift_right_arithmetic3A_2060, %shift_left3A_2061 : i32
      %multiple_of3A_2063 = tpu.assume_multiple %shift_left3A_2062, 16 : i32
      %get3A_2064 = arith.constant 25 : i32
      %get3A_2065 = arith.index_cast %get3A_2064 : i32 to index
      %get3A_2066 = arith.index_cast %multiple_of3A_2063 : i32 to index
      %get3A_2067 = tpu.vector_load %arg12[%get3A_2065, %get3A_2066] {strides = array<i32>} : memref<32x1024xf32, #tpu.memory_space<vmem>>, vector<1x16xf32>,
      %get3A_2068 = vector.shape_cast %get3A_2067 : vector<1x16xf32> to vector<16xf32>
      %and3A_2069 = arith.constant 15 : i32
      %and3A_2070 = arith.andi %squeeze3A_2048, %and3A_2069 : i32
      %eq3A_2071 = vector.broadcast %and3A_2070 : i32 to vector<16xi32>
      %eq3A_2072 = arith.cmpi eq, %iota3A, %eq3A_2071 : vector<16xi32>
      %select_n3A_2073 = arith.select %eq3A_2072, %get3A_2058, %broadcast_in_dim3A_1174 : vector<16xi1>, vector<16xf32>
      %add3A_2074 = arith.addf %sub3A_2046, %select_n3A_2073 : vector<16xf32>
      %and3A_2075 = arith.constant 15 : i32
      %and3A_2076 = arith.andi %squeeze3A_2050, %and3A_2075 : i32
      %eq3A_2077 = vector.broadcast %and3A_2076 : i32 to vector<16xi32>
      %eq3A_2078 = arith.cmpi eq, %iota3A, %eq3A_2077 : vector<16xi32>
      %select_n3A_2079 = arith.select %eq3A_2078, %get3A_2068, %broadcast_in_dim3A_1174 : vector<16xi1>, vector<16xf32>
      %sub3A_2080 = arith.subf %add3A_2074, %select_n3A_2079 : vector<16xf32>
      %slice3A_2081 = vector.extract_strided_slice %get3A_1193 {offsets = [10], sizes = [1], strides = [1]} : vector<16xi32> to vector<1xi32>
      %squeeze3A_2082 = vector.extract %slice3A_2081[0] : i32 from vector<1xi32>
      %slice3A_2083 = vector.extract_strided_slice %get3A_1196 {offsets = [10], sizes = [1], strides = [1]} : vector<16xi32> to vector<1xi32>
      %squeeze3A_2084 = vector.extract %slice3A_2083[0] : i32 from vector<1xi32>
      %shift_right_arithmetic3A_2085 = arith.constant 4 : i32
      %shift_right_arithmetic3A_2086 = arith.shrsi %squeeze3A_2082, %shift_right_arithmetic3A_2085 : i32
      %shift_left3A_2087 = arith.constant 4 : i32
      %shift_left3A_2088 = arith.shli %shift_right_arithmetic3A_2086, %shift_left3A_2087 : i32
      %multiple_of3A_2089 = tpu.assume_multiple %shift_left3A_2088, 16 : i32
      %get3A_2090 = arith.index_cast %multiple_of3A_2089 : i32 to index
      %get3A_2091 = tpu.vector_load %arg10[%get3A_2090] {strides = array<i32>} : memref<1024xf32, #tpu.memory_space<vmem>>, vector<16xf32>,
      %get3A_2092 = vector.shape_cast %get3A_2091 : vector<16xf32> to vector<16xf32>
      %shift_right_arithmetic3A_2093 = arith.constant 4 : i32
      %shift_right_arithmetic3A_2094 = arith.shrsi %squeeze3A_2084, %shift_right_arithmetic3A_2093 : i32
      %shift_left3A_2095 = arith.constant 4 : i32
      %shift_left3A_2096 = arith.shli %shift_right_arithmetic3A_2094, %shift_left3A_2095 : i32
      %multiple_of3A_2097 = tpu.assume_multiple %shift_left3A_2096, 16 : i32
      %get3A_2098 = arith.constant 26 : i32
      %get3A_2099 = arith.index_cast %get3A_2098 : i32 to index
      %get3A_2100 = arith.index_cast %multiple_of3A_2097 : i32 to index
      %get3A_2101 = tpu.vector_load %arg12[%get3A_2099, %get3A_2100] {strides = array<i32>} : memref<32x1024xf32, #tpu.memory_space<vmem>>, vector<1x16xf32>,
      %get3A_2102 = vector.shape_cast %get3A_2101 : vector<1x16xf32> to vector<16xf32>
      %and3A_2103 = arith.constant 15 : i32
      %and3A_2104 = arith.andi %squeeze3A_2082, %and3A_2103 : i32
      %eq3A_2105 = vector.broadcast %and3A_2104 : i32 to vector<16xi32>
      %eq3A_2106 = arith.cmpi eq, %iota3A, %eq3A_2105 : vector<16xi32>
      %select_n3A_2107 = arith.select %eq3A_2106, %get3A_2092, %broadcast_in_dim3A_1174 : vector<16xi1>, vector<16xf32>
      %add3A_2108 = arith.addf %sub3A_2080, %select_n3A_2107 : vector<16xf32>
      %and3A_2109 = arith.constant 15 : i32
      %and3A_2110 = arith.andi %squeeze3A_2084, %and3A_2109 : i32
      %eq3A_2111 = vector.broadcast %and3A_2110 : i32 to vector<16xi32>
      %eq3A_2112 = arith.cmpi eq, %iota3A, %eq3A_2111 : vector<16xi32>
      %select_n3A_2113 = arith.select %eq3A_2112, %get3A_2102, %broadcast_in_dim3A_1174 : vector<16xi1>, vector<16xf32>
      %sub3A_2114 = arith.subf %add3A_2108, %select_n3A_2113 : vector<16xf32>
      %slice3A_2115 = vector.extract_strided_slice %get3A_1193 {offsets = [11], sizes = [1], strides = [1]} : vector<16xi32> to vector<1xi32>
      %squeeze3A_2116 = vector.extract %slice3A_2115[0] : i32 from vector<1xi32>
      %slice3A_2117 = vector.extract_strided_slice %get3A_1196 {offsets = [11], sizes = [1], strides = [1]} : vector<16xi32> to vector<1xi32>
      %squeeze3A_2118 = vector.extract %slice3A_2117[0] : i32 from vector<1xi32>
      %shift_right_arithmetic3A_2119 = arith.constant 4 : i32
      %shift_right_arithmetic3A_2120 = arith.shrsi %squeeze3A_2116, %shift_right_arithmetic3A_2119 : i32
      %shift_left3A_2121 = arith.constant 4 : i32
      %shift_left3A_2122 = arith.shli %shift_right_arithmetic3A_2120, %shift_left3A_2121 : i32
      %multiple_of3A_2123 = tpu.assume_multiple %shift_left3A_2122, 16 : i32
      %get3A_2124 = arith.index_cast %multiple_of3A_2123 : i32 to index
      %get3A_2125 = tpu.vector_load %arg10[%get3A_2124] {strides = array<i32>} : memref<1024xf32, #tpu.memory_space<vmem>>, vector<16xf32>,
      %get3A_2126 = vector.shape_cast %get3A_2125 : vector<16xf32> to vector<16xf32>
      %shift_right_arithmetic3A_2127 = arith.constant 4 : i32
      %shift_right_arithmetic3A_2128 = arith.shrsi %squeeze3A_2118, %shift_right_arithmetic3A_2127 : i32
      %shift_left3A_2129 = arith.constant 4 : i32
      %shift_left3A_2130 = arith.shli %shift_right_arithmetic3A_2128, %shift_left3A_2129 : i32
      %multiple_of3A_2131 = tpu.assume_multiple %shift_left3A_2130, 16 : i32
      %get3A_2132 = arith.constant 27 : i32
      %get3A_2133 = arith.index_cast %get3A_2132 : i32 to index
      %get3A_2134 = arith.index_cast %multiple_of3A_2131 : i32 to index
      %get3A_2135 = tpu.vector_load %arg12[%get3A_2133, %get3A_2134] {strides = array<i32>} : memref<32x1024xf32, #tpu.memory_space<vmem>>, vector<1x16xf32>,
      %get3A_2136 = vector.shape_cast %get3A_2135 : vector<1x16xf32> to vector<16xf32>
      %and3A_2137 = arith.constant 15 : i32
      %and3A_2138 = arith.andi %squeeze3A_2116, %and3A_2137 : i32
      %eq3A_2139 = vector.broadcast %and3A_2138 : i32 to vector<16xi32>
      %eq3A_2140 = arith.cmpi eq, %iota3A, %eq3A_2139 : vector<16xi32>
      %select_n3A_2141 = arith.select %eq3A_2140, %get3A_2126, %broadcast_in_dim3A_1174 : vector<16xi1>, vector<16xf32>
      %add3A_2142 = arith.addf %sub3A_2114, %select_n3A_2141 : vector<16xf32>
      %and3A_2143 = arith.constant 15 : i32
      %and3A_2144 = arith.andi %squeeze3A_2118, %and3A_2143 : i32
      %eq3A_2145 = vector.broadcast %and3A_2144 : i32 to vector<16xi32>
      %eq3A_2146 = arith.cmpi eq, %iota3A, %eq3A_2145 : vector<16xi32>
      %select_n3A_2147 = arith.select %eq3A_2146, %get3A_2136, %broadcast_in_dim3A_1174 : vector<16xi1>, vector<16xf32>
      %sub3A_2148 = arith.subf %add3A_2142, %select_n3A_2147 : vector<16xf32>
      %slice3A_2149 = vector.extract_strided_slice %get3A_1193 {offsets = [12], sizes = [1], strides = [1]} : vector<16xi32> to vector<1xi32>
      %squeeze3A_2150 = vector.extract %slice3A_2149[0] : i32 from vector<1xi32>
      %slice3A_2151 = vector.extract_strided_slice %get3A_1196 {offsets = [12], sizes = [1], strides = [1]} : vector<16xi32> to vector<1xi32>
      %squeeze3A_2152 = vector.extract %slice3A_2151[0] : i32 from vector<1xi32>
      %shift_right_arithmetic3A_2153 = arith.constant 4 : i32
      %shift_right_arithmetic3A_2154 = arith.shrsi %squeeze3A_2150, %shift_right_arithmetic3A_2153 : i32
      %shift_left3A_2155 = arith.constant 4 : i32
      %shift_left3A_2156 = arith.shli %shift_right_arithmetic3A_2154, %shift_left3A_2155 : i32
      %multiple_of3A_2157 = tpu.assume_multiple %shift_left3A_2156, 16 : i32
      %get3A_2158 = arith.index_cast %multiple_of3A_2157 : i32 to index
      %get3A_2159 = tpu.vector_load %arg10[%get3A_2158] {strides = array<i32>} : memref<1024xf32, #tpu.memory_space<vmem>>, vector<16xf32>,
      %get3A_2160 = vector.shape_cast %get3A_2159 : vector<16xf32> to vector<16xf32>
      %shift_right_arithmetic3A_2161 = arith.constant 4 : i32
      %shift_right_arithmetic3A_2162 = arith.shrsi %squeeze3A_2152, %shift_right_arithmetic3A_2161 : i32
      %shift_left3A_2163 = arith.constant 4 : i32
      %shift_left3A_2164 = arith.shli %shift_right_arithmetic3A_2162, %shift_left3A_2163 : i32
      %multiple_of3A_2165 = tpu.assume_multiple %shift_left3A_2164, 16 : i32
      %get3A_2166 = arith.constant 28 : i32
      %get3A_2167 = arith.index_cast %get3A_2166 : i32 to index
      %get3A_2168 = arith.index_cast %multiple_of3A_2165 : i32 to index
      %get3A_2169 = tpu.vector_load %arg12[%get3A_2167, %get3A_2168] {strides = array<i32>} : memref<32x1024xf32, #tpu.memory_space<vmem>>, vector<1x16xf32>,
      %get3A_2170 = vector.shape_cast %get3A_2169 : vector<1x16xf32> to vector<16xf32>
      %and3A_2171 = arith.constant 15 : i32
      %and3A_2172 = arith.andi %squeeze3A_2150, %and3A_2171 : i32
      %eq3A_2173 = vector.broadcast %and3A_2172 : i32 to vector<16xi32>
      %eq3A_2174 = arith.cmpi eq, %iota3A, %eq3A_2173 : vector<16xi32>
      %select_n3A_2175 = arith.select %eq3A_2174, %get3A_2160, %broadcast_in_dim3A_1174 : vector<16xi1>, vector<16xf32>
      %add3A_2176 = arith.addf %sub3A_2148, %select_n3A_2175 : vector<16xf32>
      %and3A_2177 = arith.constant 15 : i32
      %and3A_2178 = arith.andi %squeeze3A_2152, %and3A_2177 : i32
      %eq3A_2179 = vector.broadcast %and3A_2178 : i32 to vector<16xi32>
      %eq3A_2180 = arith.cmpi eq, %iota3A, %eq3A_2179 : vector<16xi32>
      %select_n3A_2181 = arith.select %eq3A_2180, %get3A_2170, %broadcast_in_dim3A_1174 : vector<16xi1>, vector<16xf32>
      %sub3A_2182 = arith.subf %add3A_2176, %select_n3A_2181 : vector<16xf32>
      %slice3A_2183 = vector.extract_strided_slice %get3A_1193 {offsets = [13], sizes = [1], strides = [1]} : vector<16xi32> to vector<1xi32>
      %squeeze3A_2184 = vector.extract %slice3A_2183[0] : i32 from vector<1xi32>
      %slice3A_2185 = vector.extract_strided_slice %get3A_1196 {offsets = [13], sizes = [1], strides = [1]} : vector<16xi32> to vector<1xi32>
      %squeeze3A_2186 = vector.extract %slice3A_2185[0] : i32 from vector<1xi32>
      %shift_right_arithmetic3A_2187 = arith.constant 4 : i32
      %shift_right_arithmetic3A_2188 = arith.shrsi %squeeze3A_2184, %shift_right_arithmetic3A_2187 : i32
      %shift_left3A_2189 = arith.constant 4 : i32
      %shift_left3A_2190 = arith.shli %shift_right_arithmetic3A_2188, %shift_left3A_2189 : i32
      %multiple_of3A_2191 = tpu.assume_multiple %shift_left3A_2190, 16 : i32
      %get3A_2192 = arith.index_cast %multiple_of3A_2191 : i32 to index
      %get3A_2193 = tpu.vector_load %arg10[%get3A_2192] {strides = array<i32>} : memref<1024xf32, #tpu.memory_space<vmem>>, vector<16xf32>,
      %get3A_2194 = vector.shape_cast %get3A_2193 : vector<16xf32> to vector<16xf32>
      %shift_right_arithmetic3A_2195 = arith.constant 4 : i32
      %shift_right_arithmetic3A_2196 = arith.shrsi %squeeze3A_2186, %shift_right_arithmetic3A_2195 : i32
      %shift_left3A_2197 = arith.constant 4 : i32
      %shift_left3A_2198 = arith.shli %shift_right_arithmetic3A_2196, %shift_left3A_2197 : i32
      %multiple_of3A_2199 = tpu.assume_multiple %shift_left3A_2198, 16 : i32
      %get3A_2200 = arith.constant 29 : i32
      %get3A_2201 = arith.index_cast %get3A_2200 : i32 to index
      %get3A_2202 = arith.index_cast %multiple_of3A_2199 : i32 to index
      %get3A_2203 = tpu.vector_load %arg12[%get3A_2201, %get3A_2202] {strides = array<i32>} : memref<32x1024xf32, #tpu.memory_space<vmem>>, vector<1x16xf32>,
      %get3A_2204 = vector.shape_cast %get3A_2203 : vector<1x16xf32> to vector<16xf32>
      %and3A_2205 = arith.constant 15 : i32
      %and3A_2206 = arith.andi %squeeze3A_2184, %and3A_2205 : i32
      %eq3A_2207 = vector.broadcast %and3A_2206 : i32 to vector<16xi32>
      %eq3A_2208 = arith.cmpi eq, %iota3A, %eq3A_2207 : vector<16xi32>
      %select_n3A_2209 = arith.select %eq3A_2208, %get3A_2194, %broadcast_in_dim3A_1174 : vector<16xi1>, vector<16xf32>
      %add3A_2210 = arith.addf %sub3A_2182, %select_n3A_2209 : vector<16xf32>
      %and3A_2211 = arith.constant 15 : i32
      %and3A_2212 = arith.andi %squeeze3A_2186, %and3A_2211 : i32
      %eq3A_2213 = vector.broadcast %and3A_2212 : i32 to vector<16xi32>
      %eq3A_2214 = arith.cmpi eq, %iota3A, %eq3A_2213 : vector<16xi32>
      %select_n3A_2215 = arith.select %eq3A_2214, %get3A_2204, %broadcast_in_dim3A_1174 : vector<16xi1>, vector<16xf32>
      %sub3A_2216 = arith.subf %add3A_2210, %select_n3A_2215 : vector<16xf32>
      %slice3A_2217 = vector.extract_strided_slice %get3A_1193 {offsets = [14], sizes = [1], strides = [1]} : vector<16xi32> to vector<1xi32>
      %squeeze3A_2218 = vector.extract %slice3A_2217[0] : i32 from vector<1xi32>
      %slice3A_2219 = vector.extract_strided_slice %get3A_1196 {offsets = [14], sizes = [1], strides = [1]} : vector<16xi32> to vector<1xi32>
      %squeeze3A_2220 = vector.extract %slice3A_2219[0] : i32 from vector<1xi32>
      %shift_right_arithmetic3A_2221 = arith.constant 4 : i32
      %shift_right_arithmetic3A_2222 = arith.shrsi %squeeze3A_2218, %shift_right_arithmetic3A_2221 : i32
      %shift_left3A_2223 = arith.constant 4 : i32
      %shift_left3A_2224 = arith.shli %shift_right_arithmetic3A_2222, %shift_left3A_2223 : i32
      %multiple_of3A_2225 = tpu.assume_multiple %shift_left3A_2224, 16 : i32
      %get3A_2226 = arith.index_cast %multiple_of3A_2225 : i32 to index
      %get3A_2227 = tpu.vector_load %arg10[%get3A_2226] {strides = array<i32>} : memref<1024xf32, #tpu.memory_space<vmem>>, vector<16xf32>,
      %get3A_2228 = vector.shape_cast %get3A_2227 : vector<16xf32> to vector<16xf32>
      %shift_right_arithmetic3A_2229 = arith.constant 4 : i32
      %shift_right_arithmetic3A_2230 = arith.shrsi %squeeze3A_2220, %shift_right_arithmetic3A_2229 : i32
      %shift_left3A_2231 = arith.constant 4 : i32
      %shift_left3A_2232 = arith.shli %shift_right_arithmetic3A_2230, %shift_left3A_2231 : i32
      %multiple_of3A_2233 = tpu.assume_multiple %shift_left3A_2232, 16 : i32
      %get3A_2234 = arith.constant 30 : i32
      %get3A_2235 = arith.index_cast %get3A_2234 : i32 to index
      %get3A_2236 = arith.index_cast %multiple_of3A_2233 : i32 to index
      %get3A_2237 = tpu.vector_load %arg12[%get3A_2235, %get3A_2236] {strides = array<i32>} : memref<32x1024xf32, #tpu.memory_space<vmem>>, vector<1x16xf32>,
      %get3A_2238 = vector.shape_cast %get3A_2237 : vector<1x16xf32> to vector<16xf32>
      %and3A_2239 = arith.constant 15 : i32
      %and3A_2240 = arith.andi %squeeze3A_2218, %and3A_2239 : i32
      %eq3A_2241 = vector.broadcast %and3A_2240 : i32 to vector<16xi32>
      %eq3A_2242 = arith.cmpi eq, %iota3A, %eq3A_2241 : vector<16xi32>
      %select_n3A_2243 = arith.select %eq3A_2242, %get3A_2228, %broadcast_in_dim3A_1174 : vector<16xi1>, vector<16xf32>
      %add3A_2244 = arith.addf %sub3A_2216, %select_n3A_2243 : vector<16xf32>
      %and3A_2245 = arith.constant 15 : i32
      %and3A_2246 = arith.andi %squeeze3A_2220, %and3A_2245 : i32
      %eq3A_2247 = vector.broadcast %and3A_2246 : i32 to vector<16xi32>
      %eq3A_2248 = arith.cmpi eq, %iota3A, %eq3A_2247 : vector<16xi32>
      %select_n3A_2249 = arith.select %eq3A_2248, %get3A_2238, %broadcast_in_dim3A_1174 : vector<16xi1>, vector<16xf32>
      %sub3A_2250 = arith.subf %add3A_2244, %select_n3A_2249 : vector<16xf32>
      %slice3A_2251 = vector.extract_strided_slice %get3A_1193 {offsets = [15], sizes = [1], strides = [1]} : vector<16xi32> to vector<1xi32>
      %squeeze3A_2252 = vector.extract %slice3A_2251[0] : i32 from vector<1xi32>
      %slice3A_2253 = vector.extract_strided_slice %get3A_1196 {offsets = [15], sizes = [1], strides = [1]} : vector<16xi32> to vector<1xi32>
      %squeeze3A_2254 = vector.extract %slice3A_2253[0] : i32 from vector<1xi32>
      %shift_right_arithmetic3A_2255 = arith.constant 4 : i32
      %shift_right_arithmetic3A_2256 = arith.shrsi %squeeze3A_2252, %shift_right_arithmetic3A_2255 : i32
      %shift_left3A_2257 = arith.constant 4 : i32
      %shift_left3A_2258 = arith.shli %shift_right_arithmetic3A_2256, %shift_left3A_2257 : i32
      %multiple_of3A_2259 = tpu.assume_multiple %shift_left3A_2258, 16 : i32
      %get3A_2260 = arith.index_cast %multiple_of3A_2259 : i32 to index
      %get3A_2261 = tpu.vector_load %arg10[%get3A_2260] {strides = array<i32>} : memref<1024xf32, #tpu.memory_space<vmem>>, vector<16xf32>,
      %get3A_2262 = vector.shape_cast %get3A_2261 : vector<16xf32> to vector<16xf32>
      %shift_right_arithmetic3A_2263 = arith.constant 4 : i32
      %shift_right_arithmetic3A_2264 = arith.shrsi %squeeze3A_2254, %shift_right_arithmetic3A_2263 : i32
      %shift_left3A_2265 = arith.constant 4 : i32
      %shift_left3A_2266 = arith.shli %shift_right_arithmetic3A_2264, %shift_left3A_2265 : i32
      %multiple_of3A_2267 = tpu.assume_multiple %shift_left3A_2266, 16 : i32
      %get3A_2268 = arith.constant 31 : i32
      %get3A_2269 = arith.index_cast %get3A_2268 : i32 to index
      %get3A_2270 = arith.index_cast %multiple_of3A_2267 : i32 to index
      %get3A_2271 = tpu.vector_load %arg12[%get3A_2269, %get3A_2270] {strides = array<i32>} : memref<32x1024xf32, #tpu.memory_space<vmem>>, vector<1x16xf32>,
      %get3A_2272 = vector.shape_cast %get3A_2271 : vector<1x16xf32> to vector<16xf32>
      %and3A_2273 = arith.constant 15 : i32
      %and3A_2274 = arith.andi %squeeze3A_2252, %and3A_2273 : i32
      %eq3A_2275 = vector.broadcast %and3A_2274 : i32 to vector<16xi32>
      %eq3A_2276 = arith.cmpi eq, %iota3A, %eq3A_2275 : vector<16xi32>
      %select_n3A_2277 = arith.select %eq3A_2276, %get3A_2262, %broadcast_in_dim3A_1174 : vector<16xi1>, vector<16xf32>
      %add3A_2278 = arith.addf %sub3A_2250, %select_n3A_2277 : vector<16xf32>
      %and3A_2279 = arith.constant 15 : i32
      %and3A_2280 = arith.andi %squeeze3A_2254, %and3A_2279 : i32
      %eq3A_2281 = vector.broadcast %and3A_2280 : i32 to vector<16xi32>
      %eq3A_2282 = arith.cmpi eq, %iota3A, %eq3A_2281 : vector<16xi32>
      %select_n3A_2283 = arith.select %eq3A_2282, %get3A_2272, %broadcast_in_dim3A_1174 : vector<16xi1>, vector<16xf32>
      %sub3A_2284 = arith.subf %add3A_2278, %select_n3A_2283 : vector<16xf32>
      scf.yield %sub3A_2284 : vector<16xf32>
    }
    %scan3A_12 = arith.constant 25 : i32
    %dma_wait3A = arith.constant 0 : i32
    %dma_wait3A_13 = tpu.memref_slice %arg6[%mul3A_2, %dma_wait3A] : memref<51200x1024xf32, #tpu.memory_space<hbm>> -> memref<32x1024xf32, #tpu.memory_space<hbm>>
    %dma_wait3A_14 = arith.constant 0 : i32
    %dma_wait3A_15 = tpu.memref_slice %arg6[%mul3A_2, %dma_wait3A_14] : memref<51200x1024xf32, #tpu.memory_space<hbm>> -> memref<32x1024xf32, #tpu.memory_space<hbm>>
    tpu.wait_dma2 semaphore(%arg17 : memref<!tpu.dma_semaphore, #tpu.memory_space<semaphore_mem>>) src(%arg12 : memref<32x1024xf32, #tpu.memory_space<vmem>>) dst(%dma_wait3A_15 : memref<32x1024xf32, #tpu.memory_space<hbm>>)
    %swap3A = arith.constant 0 : index
    %swap3A_16 = tpu.vector_load %arg13[%swap3A] {strides = array<i32>} : memref<16xf32, #tpu.memory_space<vmem>>, vector<16xf32>,
    %swap3A_17 = vector.shape_cast %swap3A_16 : vector<16xf32> to vector<16xf32>
    %swap3A_18 = vector.shape_cast %scan3A_11 : vector<16xf32> to vector<16xf32>
    tpu.vector_store %arg13[%swap3A], %swap3A_18 {strides = array<i32>} : memref<16xf32, #tpu.memory_space<vmem>>, vector<16xf32>,
    "tpu.region"() ({
      %run_scoped3A = tpu.sem_alloc : memref<!tpu.dma_semaphore, #tpu.memory_space<semaphore_mem>>
      %dma_start3A_19 = arith.constant 0 : i32
      %dma_start3A_20 = tpu.memref_slice %arg7[%add3A, %dma_start3A_19] : memref<32x16xf32, #tpu.memory_space<hbm>> -> memref<1x16xf32, #tpu.memory_space<hbm>>
      %dma_start3A_21 = tpu.memref_squeeze %dma_start3A_20 : memref<1x16xf32, #tpu.memory_space<hbm>> -> memref<16xf32, #tpu.memory_space<hbm>>
      %dma_start3A_22 = arith.constant 0 : i32
      %dma_start3A_23 = tpu.memref_slice %arg7[%add3A, %dma_start3A_22] : memref<32x16xf32, #tpu.memory_space<hbm>> -> memref<1x16xf32, #tpu.memory_space<hbm>>
      %dma_start3A_24 = tpu.memref_squeeze %dma_start3A_23 : memref<1x16xf32, #tpu.memory_space<hbm>> -> memref<16xf32, #tpu.memory_space<hbm>>
      tpu.enqueue_dma source(%arg13 : memref<16xf32, #tpu.memory_space<vmem>>) target(%dma_start3A_24 : memref<16xf32, #tpu.memory_space<hbm>>) target_semaphore(%run_scoped3A : memref<!tpu.dma_semaphore, #tpu.memory_space<semaphore_mem>>)
      %dma_wait3A_25 = arith.constant 0 : i32
      %dma_wait3A_26 = tpu.memref_slice %arg7[%add3A, %dma_wait3A_25] : memref<32x16xf32, #tpu.memory_space<hbm>> -> memref<1x16xf32, #tpu.memory_space<hbm>>
      %dma_wait3A_27 = tpu.memref_squeeze %dma_wait3A_26 : memref<1x16xf32, #tpu.memory_space<hbm>> -> memref<16xf32, #tpu.memory_space<hbm>>
      %dma_wait3A_28 = arith.constant 0 : i32
      %dma_wait3A_29 = tpu.memref_slice %arg7[%add3A, %dma_wait3A_28] : memref<32x16xf32, #tpu.memory_space<hbm>> -> memref<1x16xf32, #tpu.memory_space<hbm>>
      %dma_wait3A_30 = tpu.memref_squeeze %dma_wait3A_29 : memref<1x16xf32, #tpu.memory_space<hbm>> -> memref<16xf32, #tpu.memory_space<hbm>>
      tpu.wait_dma2 semaphore(%run_scoped3A : memref<!tpu.dma_semaphore, #tpu.memory_space<semaphore_mem>>) src(%arg13 : memref<16xf32, #tpu.memory_space<vmem>>) dst(%dma_wait3A_30 : memref<16xf32, #tpu.memory_space<hbm>>)
      tpu.yield
    }) : () -> ()
    return
  }
}

module attributes {stable_mosaic.version = 14 : i64} {
  func.func @_lse_body(%arg0: memref<1000x1000xf32, #tpu.memory_space<vmem>>, %arg1: memref<1000x1xf32, #tpu.memory_space<vmem>>) attributes {dimension_semantics = [], scalar_prefetch = 0 : i64, scratch_operands = 0 : i64, tpu.core_type = #tpu.core_type<tc>} {
    %get3A = arith.constant 0 : index
    %get3A_0 = arith.constant 0 : index
    %get3A_1 = vector.load %arg0[%get3A, %get3A_0] : memref<1000x1000xf32, #tpu.memory_space<vmem>>, vector<1000x1000xf32>
    %reduce_max3A = arith.constant dense<0xFF800000> : vector<1000xf32>
    %reduce_max3A_2 = vector.multi_reduction <maximumf>, %get3A_1, %reduce_max3A [1] : vector<1000x1000xf32> to vector<1000xf32>
    %broadcast_in_dim3A = vector.shape_cast %reduce_max3A_2 : vector<1000xf32> to vector<1000x1xf32>
    %sub3A = vector.broadcast %broadcast_in_dim3A : vector<1000x1xf32> to vector<1000x1000xf32>
    %sub3A_3 = arith.subf %get3A_1, %sub3A : vector<1000x1000xf32>
    %exp3A = math.exp %sub3A_3 : vector<1000x1000xf32>
    %reduce_sum3A = arith.constant dense<0.000000e+00> : vector<1000xf32>
    %reduce_sum3A_4 = vector.multi_reduction <add>, %exp3A, %reduce_sum3A [1] : vector<1000x1000xf32> to vector<1000xf32>
    %broadcast_in_dim3A_5 = vector.shape_cast %reduce_sum3A_4 : vector<1000xf32> to vector<1000x1xf32>
    %log3A = math.log %broadcast_in_dim3A_5 : vector<1000x1xf32>
    %add3A = arith.addf %broadcast_in_dim3A, %log3A : vector<1000x1xf32>
    %swap3A = arith.constant 0 : index
    %swap3A_6 = arith.constant 0 : index
    %swap3A_7 = vector.load %arg1[%swap3A, %swap3A_6] : memref<1000x1xf32, #tpu.memory_space<vmem>>, vector<1000x1xf32>
    tpu.vector_store %arg1[%swap3A, %swap3A_6], %add3A {strides = array<i32>} : memref<1000x1xf32, #tpu.memory_space<vmem>>, vector<1000x1xf32>,
    return
  }
}

module attributes {stable_mosaic.version = 14 : i64} {
  func.func @_finish_body(%arg0: i32, %arg1: memref<1600x1024xf32, #tpu.memory_space<vmem>>, %arg2: memref<32x50x1000xf32, #tpu.memory_space<vmem>>) attributes {dimension_semantics = [#tpu.dimension_semantics<arbitrary>], iteration_bounds = array<i64: 32>, scalar_prefetch = 0 : i64, scratch_operands = 0 : i64, tpu.core_type = #tpu.core_type<tc>, window_params = [{transform_indices = @transform_0, window_bounds = array<i64: 1600, 1024>}, {transform_indices = @transform_1, window_bounds = array<i64: 32, 50, 1000>}]} {
    %get3A = arith.constant 0 : index
    %get3A_0 = arith.constant 0 : index
    %get3A_1 = vector.load %arg1[%get3A, %get3A_0] : memref<1600x1024xf32, #tpu.memory_space<vmem>>, vector<1600x1000xf32>
    %reshape3A = vector.shape_cast %get3A_1 : vector<1600x1000xf32> to vector<32x50x1000xf32>
    %swap3A = arith.constant 0 : index
    %swap3A_2 = arith.constant 0 : index
    %swap3A_3 = arith.constant 0 : index
    %swap3A_4 = vector.load %arg2[%swap3A, %swap3A_2, %swap3A_3] : memref<32x50x1000xf32, #tpu.memory_space<vmem>>, vector<32x50x1000xf32>
    tpu.vector_store %arg2[%swap3A, %swap3A_2, %swap3A_3], %reshape3A {strides = array<i32>} : memref<32x50x1000xf32, #tpu.memory_space<vmem>>, vector<32x50x1000xf32>,
    return
  }
  func.func @transform_0(%arg0: i32) -> (i32, i32) {
    %c0_i32 = arith.constant 0 : i32
    %c0_i32_0 = arith.constant 0 : i32
    return %arg0, %c0_i32 : i32, i32
  }
  func.func @transform_1(%arg0: i32) -> (i32, i32, i32) {
    %c0_i32 = arith.constant 0 : i32
    %c0_i32_0 = arith.constant 0 : i32
    %c0_i32_1 = arith.constant 0 : i32
    return %arg0, %c0_i32, %c0_i32_0 : i32, i32, i32
  }
}

</mosaic_0001>

<sc_bundles>
// kernel: kernel.5.cloned.1.call-start
scs
__scs_entry_jumppad:
0x0: {  	(pc) =	sbr.rel $0x88, $3  }
0x1: {  	(tag) =	ssettag $0x0;
	lr =	simm.s32 $0x1  }
0x2: {  	[smem:$0x3F9E] =	sst lr;
	_ =	strace $0xD0000000  }
0x3: {  	_ = 	snop  }
0x4: {  	_ = 	snop  }
0x5: {  	_ = 	snop  }
0x6: {  	_ = 	snop  }
0x7: {  	_ = 	snop  }
__scs_overlays_trampoline_lowered:
0x8: {  	[smem:$0x3FAD] =	sst s0  }
0x9: {  	[smem:$0x3FAE] =	sst s1  }
0xa: {  	[smem:$0x3FAF] =	sst s2  }
0xb: {  	[smem:$0x3FB0] =	sst s3  }
0xc: {  	[smem:$0x3FB1] =	sst s4  }
0xd: {  	[smem:$0x3FB2] =	sst s5  }
0xe: {  	[smem:$0x3FB3] =	sst s6  }
0xf: {  	[smem:$0x3FB4] =	sst s7  }
0x10: {  	[smem:$0x3FB5] =	sst s8  }
0x11: {  	[smem:$0x3FB6] =	sst s9;
	s0 =	simm.s32 @!p0 $0x0  }
0x12: {  	s1 =	sld [smem:$0x3F9C];
	s0 =	simm.s32 @p0 $0x1  }
0x13: {  	[smem:$0x3FB7] =	sst s0;
	s0 =	simm.s32 @!p1 $0x0  }
0x14: {  	s2 =	sld [smem:$0x3F9B];
	s0 =	simm.s32 @p1 $0x1  }
0x15: {  	[smem:$0x3FB8] =	sst s0;
	s0 =	simm.s32 @!p2 $0x0  }
0x16: {  	s3 =	sld [smem:$0x3FDB];
	s0 =	simm.s32 @p2 $0x1  }
0x17: {  	s4 =	simm.s32 $0x1BF5;
	[smem:$0x3FBA] =	sst s0  }
0x18: {  	s0 =	sld [smem:$0x3F9D];
	_ =	swait.ge [sflag:s4], $0x0  }
0x19: {  	s7 =	sld [smem:$0x3F9E]  }
0x1a: {  	s8 =	sadd.s32 $0xFFFFE003, lr  }
0x1b: {  	s9 =	sadd.s32 $0xFFFFFEF7, lr;
	s5 =	simm.s32 $0xFFFFFFFF;
	p2 =	slt.u32 s8, $0xFFFFF086  }
0x1c: {  	p1 =	slt.u32 s9, $0xF7A;
	s5 =	simm.s32 @!p2 $0x0  }
0x1d: {  	s5 =	simm.s32 @p1 $0x1;
	p0 =	seq.s32 s7, s2  }
0x1e: {  	s7 =	smul.u32 @!p0 $0xF7A, s2;
	p2 =	seq.s32 @!p0 s5, $0x0  }
0x1f: {  	s9 =	smul.u32 $0xF7A, s1;
	s8 =	simm.s32 @!p0 $0x1BF5;
	p2 =	por !p2, p0  }
0x20: {  	[sflag:s8] =	ssyncset.s32 @!p0 $0xFFFFF086;
	s6 =	sadd.s32 @!p0 s3, s7;
	s7 =	simm.s32 @!p0 $0x108  }
0x21: {  	s3 =	sadd.s32 s3, s9;
	s6 =	sadd.s32 @!p0 $0x88, s6;
	s7 =	simm.s32 @p2 $0x1082  }
0x22: {  	[simem:s7], [sflag:s8] =	dma.local @!p0 [hbm:s6], $0xF7A  }
0x23: {  	s9 =	sor.u32 $0xD0000000, s2;
	s6 =	simm.s32 $0x108;
	_ =	swait.ge @!p0 [sflag:s8], $0x0  }
0x24: {  	s3 =	sadd.s32 $0x88, s3;
	s6 =	simm.s32 @!p1 $0x1082;
	[sflag:s4] =	ssyncset.s32 $0xFFFFF086  }
0x25: {  	[simem:s6], [sflag:s4] =	dma.local [hbm:s3], $0xF7A  }
0x26: {  	[smem:$0x3F9E] =	sst s1;
	(tag) =	ssettag s2;
	_ =	strace s9  }
0x27: {  	s1 =	sld [smem:$0x3FAE]  }
0x28: {  	s2 =	sld [smem:$0x3FAF]  }
0x29: {  	s4 =	sld [smem:$0x3FB1]  }
0x2a: {  	p0 =	seq.s32 s5, $0x0;
	s5 =	sld [smem:$0x3FB2]  }
0x2b: {  	s6 =	sld [smem:$0x3FB3]  }
0x2c: {  	s7 =	sld [smem:$0x3FB4]  }
0x2d: {  	s3 =	simm.s32 $0x108;
	s8 =	sld [smem:$0x3FB5]  }
0x2e: {  	s3 =	simm.s32 @!p0 $0x1082;
	s9 =	sld [smem:$0x3FB6]  }
0x2f: {  	lr =	sadd.s32 s0, s3;
	s0 =	sld [smem:$0x3FAD]  }
0x30: {  	s3 =	sld [smem:$0x3FB0]  }
0x31: {  	[smem:$0x3FB9] =	sst s10  }
0x32: {  	s10 =	sld [smem:$0x3FB7];
	_ =	sdelay $0x3  }
0x33: {  	p0 =	seq.s32 s10, $0x1;
	s10 =	sld [smem:$0x3FB9];
	_ =	sdelay $0x3  }
0x34: {  	[smem:$0x3FB9] =	sst s10  }
0x35: {  	s10 =	sld [smem:$0x3FB8];
	_ =	sdelay $0x3  }
0x36: {  	p1 =	seq.s32 s10, $0x1;
	s10 =	sld [smem:$0x3FB9];
	_ =	sdelay $0x3  }
0x37: {  	[smem:$0x3FB9] =	sst s10  }
0x38: {  	s10 =	sld [smem:$0x3FBA]  }
0x39: {  	_ = 	snop;
	(pc) =	sbr.ind lr, $3  }
0x3a: {  	_ = 	snop  }
0x3b: {  	_ = 	snop  }
0x3c: {  	p2 =	seq.s32 s10, $0x1;
	s10 =	sld [smem:$0x3FB9]  }
0x3d: {  	_ =	shalt  }
0x3e: {  	_ =	shalt  }
0x3f: {  	_ =	shalt  }
0x40: {  	_ =	shalt  }
0x41: {  	_ =	shalt  }
0x42: {  	_ =	shalt  }
0x43: {  	_ =	shalt  }
0x44: {  	_ =	shalt  }
0x45: {  	_ =	shalt  }
0x46: {  	_ =	shalt  }
0x47: {  	_ =	shalt  }
0x48: {  	_ =	shalt  }
0x49: {  	_ =	shalt  }
0x4a: {  	_ =	shalt  }
0x4b: {  	_ =	shalt  }
0x4c: {  	_ =	shalt  }
0x4d: {  	_ =	shalt  }
0x4e: {  	_ =	shalt  }
0x4f: {  	_ =	shalt  }
0x50: {  	_ =	shalt  }
0x51: {  	_ =	shalt  }
0x52: {  	_ =	shalt  }
0x53: {  	_ =	shalt  }
0x54: {  	_ =	shalt  }
0x55: {  	_ =	shalt  }
0x56: {  	_ =	shalt  }
0x57: {  	_ =	shalt  }
0x58: {  	_ =	shalt  }
0x59: {  	_ =	shalt  }
0x5a: {  	_ =	shalt  }
0x5b: {  	_ =	shalt  }
0x5c: {  	_ =	shalt  }
0x5d: {  	_ =	shalt  }
0x5e: {  	_ =	shalt  }
0x5f: {  	_ =	shalt  }
0x60: {  	_ =	shalt  }
0x61: {  	_ =	shalt  }
0x62: {  	_ =	shalt  }
0x63: {  	_ =	shalt  }
0x64: {  	_ =	shalt  }
0x65: {  	_ =	shalt  }
0x66: {  	_ =	shalt  }
0x67: {  	_ =	shalt  }
0x68: {  	_ =	shalt  }
0x69: {  	_ =	shalt  }
0x6a: {  	_ =	shalt  }
0x6b: {  	_ =	shalt  }
0x6c: {  	_ =	shalt  }
0x6d: {  	_ =	shalt  }
0x6e: {  	_ =	shalt  }
0x6f: {  	_ =	shalt  }
0x70: {  	_ =	shalt  }
0x71: {  	_ =	shalt  }
0x72: {  	_ =	shalt  }
0x73: {  	_ =	shalt  }
0x74: {  	_ =	shalt  }
0x75: {  	_ =	shalt  }
0x76: {  	_ =	shalt  }
0x77: {  	_ =	shalt  }
0x78: {  	_ =	shalt  }
0x79: {  	_ =	shalt  }
0x7a: {  	_ =	shalt  }
0x7b: {  	_ =	shalt  }
0x7c: {  	_ =	shalt  }
0x7d: {  	_ =	shalt  }
0x7e: {  	_ =	shalt  }
0x7f: {  	_ =	shalt  }
0x80: {  	_ =	shalt  }
0x81: {  	_ =	shalt  }
0x82: {  	_ =	shalt  }
0x83: {  	_ =	shalt  }
0x84: {  	_ =	shalt  }
0x85: {  	_ =	shalt  }
0x86: {  	_ =	shalt  }
0x87: {  	_ =	shalt  }
.Lfunc_end0:
.L_simem_size_0:
called_computation_lowered:
.L_overlay_start_0:
0x88: {  	s2 =	sld [smem:$0x3FD9]  }
0x89: {  	s3 =	sld [smem:$0x3FFE];
	_ =	sdelay $0x1  }
0x8a: {  	s1 =	srdreg.scid  }
0x8b: {  	s0 =	sand.u32 $0x1, s1  }
0x8c: {  	s14 =	sshll.u32 s0, $0xA;
	s2 =	sadd.s32 s3, s2  }
0x8d: {  	s2 =	sadd.s32 s2, s14  }
0x8e: {  	[smem:$0x3FC5] =	sst s2  }
0x8f: {  	_ = 	snop  }
0x90: {  	s2 =	sld [smem:$0x3FD0];
	_ =	sdelay $0x2  }
0x91: {  	s15 =	simm.s32 $0xA;
	s4 =	simm.s32 $0x10  }
0x92: {  	[smem:s4], [sflag:s15] =	dma.local [hbm:s2], $0x1  }
0x93: {  	_ =	swait.eq [sflag:s15], $0x1  }
0x94: {  	[sflag:s15] =	ssyncset.done $0x0  }
0x95: {  	[sflag:s15] =	ssyncadd.s32 $0xFFFFFFFF  }
0x96: {  	s16 =	sld [smem:$0x10];
	(tm) =	ssettm $0x1  }
0x97: {  	s17 =	sld [smem:$0x3FFB];
	_ =	sdelay $0x3  }
0x98: {  	_ =	strace s17  }
0x99: {  	s3 =	sld [smem:$0x3FFC];
	_ =	sdelay $0x3  }
0x9a: {  	_ =	strace s3  }
0x9b: {  	s3 =	sld [smem:$0x3FFD];
	_ =	sdelay $0x3  }
0x9c: {  	_ =	strace s3  }
0x9d: {  	_ =	strace $0x8FFFFFFF  }
0x9e: {  	s18 =	sld [smem:$0x3FDB];
	_ =	sdelay $0x1  }
0x9f: {  	s19 =	simm.s32 $_scs_section_size  }
0xa0: {  	s5 =	simm.s32 $_size__tile_overlayer_lowered;
	s6 =	simm.s32 $_tile_overlayer_lowered  }
0xa1: {  	s22 =	simm.s32 $0x1BFF;
	s21 =	sshll.u32 s6, $0x1;
	s3 =	sadd.s32 s19, s18  }
0xa2: {  	s7 =	simm.s32 $0x0;
	s20 =	sshll.u32 s5, $0x1;
	s5 =	sadd.s32 s21, s3  }
0xa3: {  	[timem:s7], [sflag:s22] =	dma.local [hbm:s5], s20  }
0xa4: {  	_ =	swait.ge [sflag:s22], s20  }
0xa5: {  	s4 =	ssub.s32 $0x0, s20;
	[sflag:s22] =	ssyncset.done $0x0  }
0xa6: {  	[sflag:s22] =	ssyncadd.s32 s4;
	_ =	sdelay $0x1  }
0xa7: {  	s23 =	simm.s32 $0x1B8B  }
0xa8: {  	_ =	swait.ge [sflag:s23], $0x1  }
0xa9: {  	[sflag:s23] =	ssyncset.done $0x0  }
0xaa: {  	s25 =	simm.s32 $0x1B8E;
	s24 =	sld [smem:$0x3FFE];
	[sflag:s23] =	ssyncadd.s32 $0xFFFFFFFF  }
0xab: {  	s26 =	simm.s32 $execute0_lowered;
	[smem:$0x3FD2] =	sst s25  }
0xac: {  	s5 =	sshll.u32 s26, $0x1;
	_ =	strace $0x80000046;
	[dreg:$0x1] =	wrdreg $0xFFFFFFFF  }
0xad: {  	s28 =	simm.s32 $_size_execute0_lowered;
	s3 =	sadd.s32 s3, s5;
	[dreg:$0x0] =	wrdreg $0x0  }
0xae: {  	s5 =	sshll.u32 s28, $0x1;
	[dreg:$0x2] =	wrdreg s3  }
0xaf: {  	[dreg:$0x3] =	wrdreg s5  }
0xb0: {  	[dreg:$0x4] =	wrdreg $0xC0  }
0xb1: {  	_ =	task [dreg:s7], $0x5FFFF  }
0xb2: {  	[dreg:$0x1] =	wrdreg $0xFFFFFFFF  }
0xb3: {  	[dreg:$0x0] =	wrdreg $0x60  }
0xb4: {  	[dreg:$0x2] =	wrdreg s16  }
0xb5: {  	[dreg:$0x3] =	wrdreg s24  }
0xb6: {  	[dreg:$0x4] =	wrdreg $0x9  }
0xb7: {  	_ =	task.clear_ibuf [dreg:s7], $0x5FFFF;
	_ =	strace $0x90000046  }
0xb8: {  	s29 =	simm.s32 $0x9;
	_ =	strace $0x80000048  }
0xb9: {  	_ =	swait.ge [sflag:s29], $0x1  }
0xba: {  	[sflag:s29] =	ssyncadd.s32 $0xFFFFFFFF  }
0xbb: {  	_ =	strace $0x90000048  }
0xbc: {  	_ =	sfence  }
0xbd: {  	s30 =	sld [smem:$0x0];
	_ =	sdelay $0x2  }
0xbe: {  	s31 =	sshll.u32 s1, $0xD;
	s1 =	sshrl.u32 s1, $0x2  }
0xbf: {  	s3 =	sand.u32 $0x4000, s31;
	s1 =	sadd.s32 s1, s30  }
0xc0: {  	s0 =	sor.u32 s3, s0;
	s1 =	sshll.u32 s1, $0x11  }
0xc1: {  	s0 =	sor.u32 s1, s0  }
0xc2: {  	s0 =	sadd.s32 $0x8F2B, s0  }
0xc3: {  	[sflag:s0] =	ssyncadd.remote.s32 $0x1  }
0xc4: {  	_ =	sfence.sel $0xFFFF  }
0xc5: {  	[dreg:$0x0] =	wrdreg $0xFFFFFFFF;
	(pc) =	sbr.abs _section_cstart, $3  }
0xc6: {  	[dreg:$0x1] =	wrdreg $0xFFFFFFFF  }
0xc7: {  	_ =	task.clear_ibuf [dreg:s7], $0x2FFFF;
	_ =	strace $0x9FFFFFFF  }
0xc8: {  	(tm) =	ssettm $0x7FFFFFFF  }
0xc9: {  	_ =	shalt  }
tec
execute0_lowered:
.L_overlay_start_1:
0x0: {  	(tag) =	ssettag $0x1  }
0x1: {  	s10 =	rddreg [dreg:$0x0]  }
0x2: {  	s6 =	rddreg [dreg:$0x1];
	s4 =	simm.s32 $0x0  }
0x3: {  	s14 =	simm.s32 $0x9900;
	[smem:$0x7FF] =	sst s4  }
0x4: {  	s15 =	simm.s32 $0xA100;
	_ =	strace $0x80000047;
	[dreg:$0x4] =	wrdreg s14  }
0x5: {  	s17 =	simm.s32 $0xA900;
	[dreg:$0x5] =	wrdreg s15  }
0x6: {  	s19 =	simm.s32 $0xB100;
	[dreg:$0x6] =	wrdreg s17  }
0x7: {  	s20 =	simm.s32 $0xB900;
	[dreg:$0x7] =	wrdreg s19  }
0x8: {  	s21 =	simm.s32 $0xC100;
	[dreg:$0x8] =	wrdreg s20  }
0x9: {  	s22 =	simm.s32 $0xC900;
	[dreg:$0x9] =	wrdreg s21  }
0xa: {  	s23 =	simm.s32 $0xD100;
	[dreg:$0xa] =	wrdreg s22  }
0xb: {  	s24 =	simm.s32 $0xD900;
	[dreg:$0xb] =	wrdreg s23  }
0xc: {  	s0 =	srdreg.scid;
	s25 =	simm.s32 $0xE100;
	[dreg:$0xc] =	wrdreg s24  }
0xd: {  	s3 =	stileid.u32;
	s26 =	simm.s32 $0xE900;
	[dreg:$0xd] =	wrdreg s25  }
0xe: {  	s28 =	simm.s32 $0xF100;
	s29 =	simm.s32 $0xF900;
	[dreg:$0xe] =	wrdreg s26  }
0xf: {  	s30 =	simm.s32 $0x10100;
	s31 =	simm.s32 $0x10900;
	[dreg:$0xf] =	wrdreg s28  }
0x10: {  	s0 =	sand.u32 $0x1, s0;
	s1 =	sshll.u32 s3, $0x1;
	[dreg:$0x10] =	wrdreg s29  }
0x11: {  	s3 =	smul.u32 $0x64000, s3;
	s9 =	sadd.s32 $0x100, s10;
	[dreg:$0x11] =	wrdreg s30  }
0x12: {  	s18 =	sadd.s32 $0x300, s10;
	s1 =	sor.u32 s0, s1;
	[dreg:$0x12] =	wrdreg s31  }
0x13: {  	s12 =	ssub.s32 $0x2, s0;
	s0 =	smul.u32 $0x32000, s0;
	[dreg:$0x15] =	wrdreg s9  }
0x14: {  	s14 =	simm.s32 $0x9100;
	[dreg:$0x17] =	wrdreg s18;
	s2 =	smul.u32 $0x640, s1  }
0x15: {  	s1 =	sshll.u32 s1, $0x4;
	s5 =	sshrl.u32 s12, $0x1;
	s3 =	sadd.s32 s3, s6  }
0x16: {  	s4 =	ssub.s32 s12, s5;
	s0 =	sadd.s32 s0, s3;
	s12 =	sadd.s32 $0x200, s10  }
0x17: {  	s1 =	sadd.s32 s1, s6;
	s0 =	sadd.s32 $0x3800, s0;
	[dreg:$0x16] =	wrdreg s12  }
0x18: {  	s2 =	sshrl.u32 s2, $0x3;
	s1 =	sadd.s32 $0x3600, s1;
	[dreg:$0x3] =	wrdreg s0  }
0x19: {  	s16 =	smax.u32 s4, $0x1;
	s2 =	sadd.s32 s2, s6;
	[dreg:$0x18] =	wrdreg s1  }
0x1a: {  	v0 =	vlaneseq.u32;
	s3 =	simm.s32 $0x5;
	[dreg:$0x19] =	wrdreg s16;
	s13 =	sadd.s32 $0x200, s2  }
0x1b: {  	vm0 =	vmmov $0xffff;
	v2 =	vshrl.u32 v0, $0x3;
	s5 =	simm.s32 $0x1;
	s2 =	sadd.s32 $0x1C00, s2;
	[dreg:$0x13] =	wrdreg s13  }
0x1c: {  	v1 =	vand.u32 $0x7, v0;
	v3 =	vor.u32 $0x8, v0;
	v2 =	vmul.u32 $0x8, v2;
	s4 =	simm.s32 $0x1100;
	s1 =	simm.s32 $0x0;
	[dreg:$0x14] =	wrdreg s2  }
.LBB2_1:
0x1d: {  	[dreg:$0x1a] =	wrdreg s1  }
0x1e: {  	s0 =	rddreg [dreg:$0x1];
	s7 =	simm.s32 $0x0;
	s2 =	simm.s32 $0xD00  }
0x1f: {  	[tilespmem:s2], [sflag:$0x5] =	stream.linear.gather [hbm4b:s0+s7], $0x400, $0x38;
	[tilespmem:$0x11180] =	vst v63  }
0x20: {  	_ =	swait.ge [sflag:s3], $0x400  }
0x21: {  	[sflag:s3] =	ssyncset.done $0x0  }
0x22: {  	s8 =	rddreg [dreg:$0x13];
	[sflag:s3] =	ssyncadd.s32 $0xFFFFFC00  }
0x23: {  	[tilespmem:s7], [sflag:$0x5] =	stream.linear.gather [hbm4b:s8+s7], $0x640, $0x38;
	[tilespmem:$0x11180] =	vst v63  }
0x24: {  	_ =	swait.ge [sflag:s3], $0x640  }
0x25: {  	[sflag:s3] =	ssyncset.done $0x0  }
0x26: {  	s13 =	simm.s32 $0x680;
	s11 =	rddreg [dreg:$0x14];
	[sflag:s3] =	ssyncadd.s32 $0xFFFFF9C0  }
0x27: {  	[tilespmem:s13], [sflag:$0x5] =	stream.linear.gather [hbm4b:s11+s7], $0x640, $0x38;
	[tilespmem:$0x11180] =	vst v63  }
0x28: {  	_ =	swait.ge [sflag:s3], $0x640  }
0x29: {  	[sflag:s3] =	ssyncset.done $0x0  }
0x2a: {  	[sflag:s3] =	ssyncadd.s32 $0xFFFFF9C0  }
0x2b: {  	v4 =	vld [tilespmem:$0x0];
	_ =	sdelay $0x4  }
0x2c: {  	v5 =	vshll.u32 v4, $0x3  }
0x2d: {  	v4 =	vand.u32 $0x7, v4;
	v5 =	vand.u32 $0xFFFFFFC0, v5  }
0x2e: {  	v4 =	vor.u32 v4, v5  }
0x2f: {  	v5 =	vperm.xlane v4, v1;
	_ =	sdelay $0x1  }
0x30: {  	v5 =	vadd.s32 v2, v5;
	_ =	sdelay $0x4  }
0x31: {  	[tilespmem:s4], [sflag:$0x1] =	stream.indirect_vreg.gather [hbm4b:s10+s7], $0x80, v5, vm0, $0xb8;
	[tilespmem:$0x11180] =	vst v63  }
0x32: {  	s15 =	simm.s32 $0x1900;
	v4 =	vperm.xlane v4, v3  }
0x33: {  	[tilespmem:s15], [sflag:$0x1] =	stream.indirect_vreg.gather [hbm4b:s9+s7], $0x80, v5, vm0, $0xb8;
	[tilespmem:$0x11180] =	vst v63  }
0x34: {  	s16 =	simm.s32 $0x2100;
	v4 =	vadd.s32 v2, v4  }
0x35: {  	[tilespmem:s16], [sflag:$0x1] =	stream.indirect_vreg.gather [hbm4b:s12+s7], $0x80, v5, vm0, $0xb8;
	[tilespmem:$0x11180] =	vst v63  }
0x36: {  	s17 =	simm.s32 $0x2900  }
0x37: {  	[tilespmem:s17], [sflag:$0x1] =	stream.indirect_vreg.gather [hbm4b:s18+s7], $0x80, v5, vm0, $0xb8;
	[tilespmem:$0x11180] =	vst v63  }
0x38: {  	s19 =	simm.s32 $0x3100  }
0x39: {  	[tilespmem:s19], [sflag:$0x1] =	stream.indirect_vreg.gather [hbm4b:s10+s7], $0x80, v4, vm0, $0xb8;
	[tilespmem:$0x11180] =	vst v63  }
0x3a: {  	s20 =	simm.s32 $0x3900  }
0x3b: {  	[tilespmem:s20], [sflag:$0x1] =	stream.indirect_vreg.gather [hbm4b:s9+s7], $0x80, v4, vm0, $0xb8;
	[tilespmem:$0x11180] =	vst v63  }
0x3c: {  	s21 =	simm.s32 $0x4100  }
0x3d: {  	[tilespmem:s21], [sflag:$0x1] =	stream.indirect_vreg.gather [hbm4b:s12+s7], $0x80, v4, vm0, $0xb8;
	[tilespmem:$0x11180] =	vst v63  }
0x3e: {  	s22 =	simm.s32 $0x4900  }
0x3f: {  	[tilespmem:s22], [sflag:$0x1] =	stream.indirect_vreg.gather [hbm4b:s18+s7], $0x80, v4, vm0, $0xb8;
	[tilespmem:$0x11180] =	vst v63  }
0x40: {  	v4 =	vld [tilespmem:$0x10];
	_ =	sdelay $0x4  }
0x41: {  	v5 =	vshll.u32 v4, $0x3  }
0x42: {  	v4 =	vand.u32 $0x7, v4;
	v5 =	vand.u32 $0xFFFFFFC0, v5  }
0x43: {  	v4 =	vor.u32 v4, v5  }
0x44: {  	v5 =	vperm.xlane v4, v1;
	_ =	sdelay $0x1  }
0x45: {  	v5 =	vadd.s32 v2, v5;
	_ =	sdelay $0x3  }
0x46: {  	s23 =	simm.s32 $0x5100  }
0x47: {  	[tilespmem:s23], [sflag:$0x1] =	stream.indirect_vreg.gather [hbm4b:s10+s7], $0x80, v5, vm0, $0xb8;
	[tilespmem:$0x11180] =	vst v63  }
0x48: {  	s24 =	simm.s32 $0x5900;
	v4 =	vperm.xlane v4, v3  }
0x49: {  	[tilespmem:s24], [sflag:$0x1] =	stream.indirect_vreg.gather [hbm4b:s9+s7], $0x80, v5, vm0, $0xb8;
	[tilespmem:$0x11180] =	vst v63  }
0x4a: {  	s25 =	simm.s32 $0x6100;
	v4 =	vadd.s32 v2, v4  }
0x4b: {  	[tilespmem:s25], [sflag:$0x1] =	stream.indirect_vreg.gather [hbm4b:s12+s7], $0x80, v5, vm0, $0xb8;
	[tilespmem:$0x11180] =	vst v63  }
0x4c: {  	s26 =	simm.s32 $0x6900  }
0x4d: {  	[tilespmem:s26], [sflag:$0x1] =	stream.indirect_vreg.gather [hbm4b:s18+s7], $0x80, v5, vm0, $0xb8;
	[tilespmem:$0x11180] =	vst v63  }
0x4e: {  	s28 =	simm.s32 $0x7100  }
0x4f: {  	[tilespmem:s28], [sflag:$0x1] =	stream.indirect_vreg.gather [hbm4b:s10+s7], $0x80, v4, vm0, $0xb8;
	[tilespmem:$0x11180] =	vst v63  }
0x50: {  	s29 =	simm.s32 $0x7900  }
0x51: {  	[tilespmem:s29], [sflag:$0x1] =	stream.indirect_vreg.gather [hbm4b:s9+s7], $0x80, v4, vm0, $0xb8;
	[tilespmem:$0x11180] =	vst v63  }
0x52: {  	s30 =	simm.s32 $0x8100;
	s31 =	simm.s32 $0x8900  }
0x53: {  	[tilespmem:s30], [sflag:$0x1] =	stream.indirect_vreg.gather [hbm4b:s12+s7], $0x80, v4, vm0, $0xb8;
	[tilespmem:$0x11180] =	vst v63  }
0x54: {  	s1 =	simm.s32 $0x30;
	s2 =	simm.s32 $0x6A0;
	s0 =	simm.s32 $0x0  }
0x55: {  	[tilespmem:s31], [sflag:$0x1] =	stream.indirect_vreg.gather [hbm4b:s18+s7], $0x80, v4, vm0, $0xb8;
	v4 =	vimm.f32 $0.0e+00;
	[tilespmem:$0x11180] =	vst v63  }
.LBB2_2:
0x56: {  	[dreg:$0x1d] =	wrdreg s0  }
0x57: {  	[dreg:$0x1c] =	wrdreg s2;
	p0 =	seq.s32 s0, $0x0  }
0x58: {  	[dreg:$0x1b] =	wrdreg s1;
	s0 =	simm.s32 @!p0 $0x4  }
0x59: {  	_ =	swait.ge @!p0 [sflag:s0], $0x8000  }
0x5a: {  	[sflag:s0] =	ssyncset.done @!p0 $0x0  }
0x5b: {  	[sflag:s0] =	ssyncadd.s32 @!p0 $0xFFFF8000  }
0x5c: {  	v5 =	vld [tilespmem:s1+$0xFFFFFFF0];
	_ =	sdelay $0x4  }
0x5d: {  	v6 =	vshll.u32 v5, $0x3  }
0x5e: {  	v5 =	vand.u32 $0x7, v5;
	v6 =	vand.u32 $0xFFFFFFC0, v6  }
0x5f: {  	v5 =	vor.u32 v5, v6  }
0x60: {  	v6 =	vperm.xlane v5, v1;
	_ =	sdelay $0x1  }
0x61: {  	v6 =	vadd.s32 v2, v6;
	_ =	sdelay $0x3  }
0x62: {  	s3 =	simm.s32 $0x0;
	s20 =	rddreg [dreg:$0x4]  }
0x63: {  	[tilespmem:s14], [sflag:$0x2] =	stream.indirect_vreg.gather [hbm4b:s10+s3], $0x80, v6, vm0, $0xb8;
	[tilespmem:$0x11180] =	vst v63  }
0x64: {  	s21 =	rddreg [dreg:$0x5];
	v5 =	vperm.xlane v5, v3  }
0x65: {  	[tilespmem:s20], [sflag:$0x2] =	stream.indirect_vreg.gather [hbm4b:s9+s3], $0x80, v6, vm0, $0xb8;
	[tilespmem:$0x11180] =	vst v63  }
0x66: {  	s22 =	rddreg [dreg:$0x6];
	v5 =	vadd.s32 v2, v5  }
0x67: {  	[tilespmem:s21], [sflag:$0x2] =	stream.indirect_vreg.gather [hbm4b:s12+s3], $0x80, v6, vm0, $0xb8;
	[tilespmem:$0x11180] =	vst v63  }
0x68: {  	s23 =	rddreg [dreg:$0x7]  }
0x69: {  	[tilespmem:s22], [sflag:$0x2] =	stream.indirect_vreg.gather [hbm4b:s18+s3], $0x80, v6, vm0, $0xb8;
	[tilespmem:$0x11180] =	vst v63  }
0x6a: {  	s24 =	rddreg [dreg:$0x8]  }
0x6b: {  	[tilespmem:s23], [sflag:$0x2] =	stream.indirect_vreg.gather [hbm4b:s10+s3], $0x80, v5, vm0, $0xb8;
	[tilespmem:$0x11180] =	vst v63  }
0x6c: {  	s25 =	rddreg [dreg:$0x9]  }
0x6d: {  	[tilespmem:s24], [sflag:$0x2] =	stream.indirect_vreg.gather [hbm4b:s9+s3], $0x80, v5, vm0, $0xb8;
	[tilespmem:$0x11180] =	vst v63  }
0x6e: {  	s26 =	rddreg [dreg:$0xa]  }
0x6f: {  	[tilespmem:s25], [sflag:$0x2] =	stream.indirect_vreg.gather [hbm4b:s12+s3], $0x80, v5, vm0, $0xb8;
	[tilespmem:$0x11180] =	vst v63  }
0x70: {  	s28 =	rddreg [dreg:$0x1b]  }
0x71: {  	[tilespmem:s26], [sflag:$0x2] =	stream.indirect_vreg.gather [hbm4b:s18+s3], $0x80, v5, vm0, $0xb8;
	[tilespmem:$0x11180] =	vst v63  }
0x72: {  	v5 =	vld [tilespmem:s28+$0x0];
	_ =	sdelay $0x4  }
0x73: {  	v6 =	vshll.u32 v5, $0x3  }
0x74: {  	v5 =	vand.u32 $0x7, v5;
	v6 =	vand.u32 $0xFFFFFFC0, v6  }
0x75: {  	v5 =	vor.u32 v5, v6  }
0x76: {  	v6 =	vperm.xlane v5, v1;
	_ =	sdelay $0x1  }
0x77: {  	v6 =	vadd.s32 v2, v6;
	_ =	sdelay $0x3  }
0x78: {  	s29 =	rddreg [dreg:$0xb]  }
0x79: {  	[tilespmem:s29], [sflag:$0x2] =	stream.indirect_vreg.gather [hbm4b:s10+s3], $0x80, v6, vm0, $0xb8;
	[tilespmem:$0x11180] =	vst v63  }
0x7a: {  	s30 =	rddreg [dreg:$0xc];
	v5 =	vperm.xlane v5, v3  }
0x7b: {  	[tilespmem:s30], [sflag:$0x2] =	stream.indirect_vreg.gather [hbm4b:s9+s3], $0x80, v6, vm0, $0xb8;
	[tilespmem:$0x11180] =	vst v63  }
0x7c: {  	s31 =	rddreg [dreg:$0xd];
	v5 =	vadd.s32 v2, v5  }
0x7d: {  	[tilespmem:s31], [sflag:$0x2] =	stream.indirect_vreg.gather [hbm4b:s12+s3], $0x80, v6, vm0, $0xb8;
	[tilespmem:$0x11180] =	vst v63  }
0x7e: {  	s6 =	rddreg [dreg:$0xe]  }
0x7f: {  	[tilespmem:s6], [sflag:$0x2] =	stream.indirect_vreg.gather [hbm4b:s18+s3], $0x80, v6, vm0, $0xb8;
	[tilespmem:$0x11180] =	vst v63  }
0x80: {  	s7 =	rddreg [dreg:$0xf]  }
0x81: {  	[tilespmem:s7], [sflag:$0x2] =	stream.indirect_vreg.gather [hbm4b:s10+s3], $0x80, v5, vm0, $0xb8;
	[tilespmem:$0x11180] =	vst v63  }
0x82: {  	s8 =	rddreg [dreg:$0x10]  }
0x83: {  	[tilespmem:s8], [sflag:$0x2] =	stream.indirect_vreg.gather [hbm4b:s9+s3], $0x80, v5, vm0, $0xb8;
	[tilespmem:$0x11180] =	vst v63  }
0x84: {  	s11 =	rddreg [dreg:$0x11]  }
0x85: {  	[tilespmem:s11], [sflag:$0x2] =	stream.indirect_vreg.gather [hbm4b:s12+s3], $0x80, v5, vm0, $0xb8;
	[tilespmem:$0x11180] =	vst v63  }
0x86: {  	s13 =	rddreg [dreg:$0x12]  }
0x87: {  	[tilespmem:s13], [sflag:$0x2] =	stream.indirect_vreg.gather [hbm4b:s18+s3], $0x80, v5, vm0, $0xb8;
	[tilespmem:$0x11180] =	vst v63  }
0x88: {  	_ =	swait.ge [sflag:s5], $0x8000  }
0x89: {  	s15 =	rddreg [dreg:$0x3]  }
0x8a: {  	s14 =	simm.s32 $0x0;
	[sflag:s5] =	ssyncset.done $0x0;
	s16 =	rddreg [dreg:$0x1d]  }
0x8b: {  	s17 =	rddreg [dreg:$0x1b];
	[sflag:s5] =	ssyncadd.s32 $0xFFFF8000;
	s0 =	sadd.s32 s16, s15  }
0x8c: {  	[hbm4b:s0+s14] =	stream.linear.scatter [tilespmem:s4], [sflag:$0x3], $0x8000, $0x38;
	[tilespmem:$0x11180] =	vst v63  }
0x8d: {  	v5 =	vld [tilespmem:s17+$0xFFFFFFD0]  }
0x8e: {  	v8 =	vld [tilespmem:s2+$0xFFFFFFE0];
	_ =	sdelay $0x3  }
0x8f: {  	(v2sf) =	vpush v5, $0x0  }
0x90: {  	[dreg:$0x1e] =	wrdreg s0;
	(v2sf) =	vpush v8, $0x0  }
0x91: {  	(v2sf) =	vpush v5, $0x1  }
0x92: {  	(v2sf) =	vpush v8, $0x1  }
0x93: {  	(v2sf) =	vpush v5, $0x2;
	_ =	sdelay $0x1  }
0x94: {  	(v2sf) =	vpush v8, $0x2  }
0x95: {  	(v2sf) =	vpush v5, $0x3  }
0x96: {  	(v2sf) =	vpush v8, $0x3  }
0x97: {  	(v2sf) =	vpush v5, $0x4;
	_ =	sdelay $0x1  }
0x98: {  	(v2sf) =	vpush v8, $0x4  }
0x99: {  	(v2sf) =	vpush v5, $0x5;
	_ =	sdelay $0x1  }
0x9a: {  	(v2sf) =	vpush v8, $0x5  }
0x9b: {  	(v2sf) =	vpush v5, $0x6;
	s30 =	spop (v2sf)  }
0x9c: {  	s23 =	spop (v2sf)  }
0x9d: {  	(v2sf) =	vpush v8, $0x6;
	s28 =	spop (v2sf)  }
0x9e: {  	s18 =	sshll.u32 s23, $0x3;
	s21 =	sand.u32 $0x70, s23;
	s19 =	spop (v2sf)  }
0x9f: {  	(v2sf) =	vpush v5, $0x7;
	[smem:$0x7DE] =	sst s28;
	s0 =	sand.u32 $0xFFFFFC00, s18;
	s16 =	spop (v2sf)  }
0xa0: {  	(v2sf) =	vpush v8, $0x7;
	s8 =	sor.u32 s21, s0;
	s22 =	sshll.u32 s19, $0x3;
	s24 =	sand.u32 $0x70, s19  }
0xa1: {  	[smem:$0x7DF] =	sst s16;
	s20 =	spop (v2sf);
	s0 =	sand.u32 $0xFFFFFC00, s22  }
0xa2: {  	(v2sf) =	vpush v5, $0x8;
	v18 =	vld [tilespmem:s8+$0x1100];
	s8 =	sand.u32 $0xFFFFFFF0, s28;
	s31 =	spop (v2sf);
	s25 =	sand.u32 $0x70, s20  }
0xa3: {  	(v2sf) =	vpush v8, $0x8;
	s26 =	sshll.u32 s20, $0x3;
	v24 =	vld [tilespmem:s8+$0xD00];
	s8 =	sand.u32 $0xFFFFFFF0, s16;
	s21 =	spop (v2sf)  }
0xa4: {  	(v2sf) =	vpush v5, $0x9;
	[smem:$0x7E0] =	sst s31;
	s6 =	sand.u32 $0xFFFFFC00, s26;
	s18 =	spop (v2sf)  }
0xa5: {  	s4 =	sshll.u32 s21, $0x3;
	s7 =	sand.u32 $0x70, s21;
	s12 =	sor.u32 s25, s6  }
0xa6: {  	(v2sf) =	vpush v8, $0x9;
	[smem:$0x7E1] =	sst s18;
	s29 =	spop (v2sf);
	s5 =	sand.u32 $0xFFFFFC00, s4  }
0xa7: {  	(v2sf) =	vpush v5, $0xA;
	s4 =	sor.u32 s24, s0;
	s24 =	rddreg [dreg:$0x1b];
	s15 =	spop (v2sf)  }
0xa8: {  	(v2sf) =	vpush v8, $0xA;
	s7 =	sor.u32 s7, s5;
	s10 =	sand.u32 $0x70, s29;
	s11 =	sshll.u32 s29, $0x3  }
0xa9: {  	v7 =	vld [tilespmem:s24+$0xFFFFFFE0];
	s24 =	sand.u32 $0xFFFFFFF0, s30;
	[smem:$0x7E2] =	sst s15;
	s9 =	spop (v2sf)  }
0xaa: {  	(v2sf) =	vpush v5, $0xB;
	s2 =	sand.u32 $0xFFFFFC00, s11;
	[smem:$0x7E3] =	sst s9;
	s14 =	spop (v2sf)  }
0xab: {  	s13 =	sshll.u32 s9, $0x3;
	s22 =	sand.u32 $0x70, s9;
	s9 =	rddreg [dreg:$0x1c]  }
0xac: {  	(v2sf) =	vpush v8, $0xB;
	[smem:$0x7E4] =	sst s14;
	s17 =	spop (v2sf);
	s6 =	sand.u32 $0xFFFFFC00, s13  }
0xad: {  	(v2sf) =	vpush v5, $0xC;
	s0 =	sor.u32 s10, s2;
	s10 =	sor.u32 s22, s6;
	[smem:$0x7E5] =	sst s17  }
0xae: {  	s25 =	sand.u32 $0x70, s17;
	s26 =	sshll.u32 s17, $0x3;
	s5 =	spop (v2sf)  }
0xaf: {  	(v2sf) =	vpush v8, $0xC;
	s6 =	sand.u32 $0xFFFFFC00, s26;
	[smem:$0x7E6] =	sst s5;
	s11 =	spop (v2sf)  }
0xb0: {  	v9 =	vld [tilespmem:s10+$0x1380];
	s10 =	sand.u32 $0xFFFFFFF0, s14;
	s6 =	sor.u32 s25, s6;
	[smem:$0x7E7] =	sst s11  }
0xb1: {  	(v2sf) =	vpush v5, $0xD;
	s3 =	spop (v2sf);
	s17 =	sshll.u32 s11, $0x3;
	s25 =	sand.u32 $0x70, s11  }
0xb2: {  	[smem:$0x7E8] =	sst s3;
	s13 =	spop (v2sf);
	s17 =	sand.u32 $0xFFFFFC00, s17  }
0xb3: {  	v6 =	vld [tilespmem:s9+$0xFFFFFFF0];
	(v2sf) =	vpush v8, $0xD;
	[smem:$0x7E9] =	sst s13;
	s26 =	sshll.u32 s13, $0x3;
	s9 =	spop (v2sf)  }
0xb4: {  	(v2sf) =	vpush v5, $0xE;
	s17 =	sor.u32 s25, s17;
	s22 =	sand.u32 $0xFFFFFC00, s26;
	[smem:$0x7EA] =	sst s9  }
0xb5: {  	(v2sf) =	vpush v8, $0xE;
	s26 =	sand.u32 $0x70, s13;
	s1 =	spop (v2sf);
	v12 =	vld [tilespmem:s17+$0x1480];
	s17 =	sand.u32 $0xFFFFFFF0, s3  }
0xb6: {  	v22 =	vld [tilespmem:s24+$0xD00];
	[smem:$0x7EB] =	sst s1;
	s24 =	sor.u32 s26, s22;
	s13 =	spop (v2sf)  }
0xb7: {  	(v2sf) =	vpush v5, $0xF;
	s11 =	sshll.u32 s1, $0x3;
	[smem:$0x7EC] =	sst s13;
	s2 =	spop (v2sf)  }
0xb8: {  	(v2sf) =	vpush v8, $0xF;
	s26 =	sand.u32 $0xFFFFFC00, s11;
	s11 =	sand.u32 $0x70, s1;
	[smem:$0x7ED] =	sst s2  }
0xb9: {  	v21 =	vld [tilespmem:s4+$0x1180];
	(v2sf) =	vpush v7, $0x0;
	s16 =	spop (v2sf);
	s4 =	sshll.u32 s2, $0x3;
	s22 =	sor.u32 s11, s26  }
0xba: {  	v20 =	vld [tilespmem:s8+$0xD00];
	s26 =	sand.u32 $0xFFFFFFF0, s31;
	s28 =	sand.u32 $0x70, s2;
	[smem:$0x7EE] =	sst s16  }
0xbb: {  	(v2sf) =	vpush v6, $0x0;
	s1 =	spop (v2sf);
	s8 =	sand.u32 $0xFFFFFC00, s4;
	v47 =	vld [tilespmem:s22+$0x3180];
	s22 =	sand.u32 $0xFFFFFFF0, s13  }
0xbc: {  	(v2sf) =	vpush v7, $0x1;
	s11 =	spop (v2sf);
	s4 =	sshll.u32 s1, $0x3;
	s2 =	smov.u32 s1  }
0xbd: {  	[smem:$0x7EF] =	sst s1;
	s28 =	sor.u32 s28, s8;
	s8 =	sand.u32 $0xFFFFFFF0, s18  }
0xbe: {  	v19 =	vld [tilespmem:s12+$0x1200];
	(v2sf) =	vpush v6, $0x1;
	s18 =	sand.u32 $0xFFFFFFF0, s15;
	[smem:$0x7F0] =	sst s11;
	s1 =	spop (v2sf)  }
0xbf: {  	(v2sf) =	vpush v7, $0x2;
	v17 =	vld [tilespmem:s26+$0xD00];
	s26 =	sand.u32 $0xFFFFFC00, s4;
	s2 =	sand.u32 $0x70, s2;
	s12 =	sshll.u32 s1, $0x3  }
0xc0: {  	(v2sf) =	vpush v6, $0x2;
	[smem:$0x7F1] =	sst s1;
	s4 =	spop (v2sf);
	s1 =	sand.u32 $0x70, s1  }
0xc1: {  	v15 =	vld [tilespmem:s7+$0x1280];
	[smem:$0x7F2] =	sst s4;
	s7 =	sand.u32 $0xFFFFFC00, s12;
	s12 =	sor.u32 s2, s26  }
0xc2: {  	v14 =	vld [tilespmem:s8+$0xD00];
	s2 =	sand.u32 $0xFFFFFFF0, s5;
	s15 =	sor.u32 s1, s7;
	s25 =	spop (v2sf)  }
0xc3: {  	v16 =	vld [tilespmem:s2+$0xD00];
	s2 =	sand.u32 $0xFFFFFFF0, s9;
	s8 =	spop (v2sf);
	s14 =	sshll.u32 s25, $0x3  }
0xc4: {  	v13 =	vld [tilespmem:s0+$0x1300];
	(v2sf) =	vpush v7, $0x3;
	[smem:$0x7F3] =	sst s8;
	s0 =	spop (v2sf);
	s31 =	sand.u32 $0xFFFFFC00, s14  }
0xc5: {  	v60 =	vld [tilespmem:s18+$0xD00];
	s14 =	sand.u32 $0x70, s25;
	[smem:$0x7F4] =	sst s0;
	s18 =	sshll.u32 s0, $0x3  }
0xc6: {  	s0 =	sand.u32 $0x70, s0;
	s5 =	spop (v2sf);
	s14 =	sor.u32 s14, s31  }
0xc7: {  	v10 =	vld [tilespmem:s10+$0xD00];
	s1 =	sand.u32 $0xFFFFFC00, s18;
	[smem:$0x7F5] =	sst s5;
	s31 =	spop (v2sf)  }
0xc8: {  	(v2sf) =	vpush v6, $0x3;
	v36 =	vld [tilespmem:s14+$0x3380];
	s14 =	sld [smem:$0x7DE];
	s18 =	sor.u32 s0, s1;
	s7 =	spop (v2sf)  }
0xc9: {  	v11 =	vld [tilespmem:s6+$0x1400];
	(v2sf) =	vpush v7, $0x4;
	s26 =	sshll.u32 s31, $0x3;
	s3 =	sand.u32 $0x70, s31;
	[smem:$0x7F6] =	sst s7  }
0xca: {  	(v2sf) =	vpush v6, $0x4;
	s0 =	sand.u32 $0xFFFFFC00, s26;
	s1 =	spop (v2sf);
	v26 =	vld [tilespmem:s18+$0x3400];
	s18 =	sand.u32 $0xF, s19  }
0xcb: {  	v5 =	vld [tilespmem:s17+$0xD00];
	s10 =	sshll.u32 s1, $0x3;
	[smem:$0x7F7] =	sst s1;
	s9 =	spop (v2sf)  }
0xcc: {  	v50 =	vld [tilespmem:s24+$0x3100];
	(v2sf) =	vpush v7, $0x5;
	s17 =	sor.u32 s3, s0;
	[smem:$0x7F8] =	sst s9;
	s3 =	sand.u32 $0xFFFFFC00, s10  }
0xcd: {  	v46 =	vld [tilespmem:s22+$0xD00];
	s24 =	spop (v2sf);
	s10 =	sand.u32 $0xFFFFFFF0, s16;
	s16 =	sand.u32 $0x70, s1  }
0xce: {  	v48 =	vld [tilespmem:s28+$0x3200];
	(v2sf) =	vpush v6, $0x5;
	s0 =	sshll.u32 s24, $0x3;
	s26 =	spop (v2sf);
	s1 =	sand.u32 $0x70, s24  }
0xcf: {  	v49 =	vld [tilespmem:s2+$0xD00];
	(v2sf) =	vpush v7, $0x6;
	[smem:$0x7F9] =	sst s26;
	s2 =	sand.u32 $0xFFFFFC00, s0;
	s0 =	spop (v2sf)  }
0xd0: {  	(v2sf) =	vpush v6, $0x6;
	v45 =	vld [tilespmem:s10+$0xD00];
	s10 =	sor.u32 s16, s3;
	s3 =	sand.u32 $0xFFFFFFF0, s11;
	[dreg:$0x1f] =	wrdreg s0  }
0xd1: {  	v43 =	vld [tilespmem:s12+$0x3280];
	s13 =	sshll.u32 s0, $0x3;
	s11 =	sand.u32 $0x70, s0;
	s0 =	sand.u32 $0xF, s30  }
0xd2: {  	(v2sf) =	vpush v7, $0x7;
	v44 =	vld [tilespmem:s3+$0xD00];
	s3 =	sand.u32 $0xFFFFFFF0, s8;
	s16 =	sor.u32 s1, s2;
	s28 =	sand.u32 $0xFFFFFC00, s13;
	v23 =	vmov s0  }
0xd3: {  	(v2sf) =	vpush v6, $0x7;
	s8 =	sand.u32 $0xF, s23;
	s6 =	spop (v2sf);
	v41 =	vld [tilespmem:s16+$0x5180];
	s22 =	sor.u32 s11, s28;
	vm1 =	veq.s32 v23, v0  }
0xd4: {  	s12 =	sand.u32 $0xFFFFFFF0, s4;
	s19 =	sand.u32 $0xFFFFFFF0, s7;
	v29 =	vmov s18;
	v61 =	vmov s8;
	[smem:$0x7FA] =	sst s6;
	v27 =	vnsel vm1, $0x0, v22;
	v32 =	vld [tilespmem:s22+$0x5200]  }
0xd5: {  	s18 =	sand.u32 $0xF, s20;
	(v2sf) =	vpush v7, $0x8;
	s1 =	sand.u32 $0xF, s14;
	vm1 =	veq.s32 v61, v0;
	v4 =	vadd.f32 v27, v4;
	v27 =	vld [tilespmem:s10+$0x5100];
	s10 =	sld [smem:$0x7DF]  }
0xd6: {  	(v2sf) =	vpush v6, $0x8;
	s8 =	sand.u32 $0xFFFFFFF0, s9;
	s22 =	sand.u32 $0xFFFFFFF0, s6;
	v28 =	vnsel vm1, $0x0, v18;
	v18 =	vld [tilespmem:s19+$0xD00];
	s19 =	sld [smem:$0x7E0]  }
0xd7: {  	s16 =	sand.u32 $0xFFFFFFF0, s26;
	s30 =	spop (v2sf);
	v30 =	vld [tilespmem:s22+$0xD00];
	s22 =	sld [smem:$0x7E1]  }
0xd8: {  	(v2sf) =	vpush v7, $0x9;
	v62 =	vmov s1;
	s13 =	sshll.u32 s30, $0x3;
	s11 =	spop (v2sf);
	s2 =	sand.u32 $0x70, s30  }
0xd9: {  	v42 =	vld [tilespmem:s15+$0x3300];
	(v2sf) =	vpush v6, $0x9;
	vm1 =	veq.s32 v62, v0;
	s15 =	sand.u32 $0xFFFFFC00, s13;
	s28 =	spop (v2sf);
	s13 =	sand.u32 $0xFFFFFFF0, s5  }
0xda: {  	v24 =	vnsel vm1, $0x0, v24;
	vm1 =	veq.s32 v29, v0;
	v29 =	vld [tilespmem:s16+$0xD00];
	s16 =	smov.u32 s11;
	s0 =	sor.u32 s2, s15;
	s4 =	sshll.u32 s28, $0x3  }
0xdb: {  	v39 =	vld [tilespmem:s12+$0xD00];
	(v2sf) =	vpush v7, $0xA;
	s12 =	sand.u32 $0x70, s28;
	s15 =	spop (v2sf);
	s1 =	sand.u32 $0xF, s10  }
0xdc: {  	v25 =	vld [tilespmem:s3+$0xD00];
	(v2sf) =	vpush v6, $0xA;
	s20 =	sand.u32 $0xF, s19;
	s19 =	sand.u32 $0xF, s21;
	s3 =	sand.u32 $0xFFFFFC00, s4  }
0xdd: {  	v23 =	vld [tilespmem:s17+$0x3480];
	s14 =	spop (v2sf);
	s21 =	sand.u32 $0xFFFFFFF0, s15;
	s23 =	sor.u32 s12, s3  }
0xde: {  	v22 =	vld [tilespmem:s13+$0xD00];
	s2 =	sshll.u32 s14, $0x3;
	s13 =	spop (v2sf);
	s7 =	sand.u32 $0x70, s14  }
0xdf: {  	(v2sf) =	vpush v7, $0xB;
	s5 =	sand.u32 $0xFFFFFC00, s2;
	s17 =	spop (v2sf);
	v38 =	vld [tilespmem:s23+$0x5300];
	s23 =	sand.u32 $0xF, s29  }
0xe0: {  	v4 =	vsub.f32 v4, v28;
	(v2sf) =	vpush v6, $0xB;
	s29 =	sand.u32 $0xFFFFFFF0, s13;
	s7 =	sor.u32 s7, s5;
	s9 =	sshll.u32 s17, $0x3  }
0xe1: {  	(v2sf) =	vpush v7, $0xC;
	s12 =	sand.u32 $0x70, s17;
	s10 =	spop (v2sf);
	s2 =	sand.u32 $0xFFFFFC00, s9  }
0xe2: {  	v4 =	vadd.f32 v4, v24;
	v63 =	vmov s1;
	v33 =	vld [tilespmem:s21+$0xD00];
	(v2sf) =	vpush v6, $0xC;
	[smem:$0x7FB] =	sst s10;
	s4 =	spop (v2sf);
	s21 =	sand.u32 $0xFFFFFFF0, s10  }
0xe3: {  	v21 =	vnsel vm1, $0x0, v21;
	v24 =	vmov s18;
	vm1 =	veq.s32 v63, v0;
	s10 =	sld [smem:$0x7E4];
	s9 =	sor.u32 s12, s2;
	s26 =	sshll.u32 s4, $0x3  }
0xe4: {  	v28 =	vld [tilespmem:s8+$0xD00];
	v4 =	vsub.f32 v4, v21;
	v20 =	vnsel vm1, $0x0, v20;
	vm1 =	veq.s32 v24, v0;
	s8 =	spop (v2sf);
	s6 =	sand.u32 $0x70, s4;
	s12 =	sand.u32 $0xFFFFFFF0, s11  }
0xe5: {  	v35 =	vmov s20;
	v40 =	vld [tilespmem:s0+$0x5280];
	v19 =	vnsel vm1, $0x0, v19;
	(v2sf) =	vpush v7, $0xD;
	[smem:$0x7FC] =	sst s8;
	s5 =	sand.u32 $0xFFFFFC00, s26;
	s2 =	spop (v2sf)  }
0xe6: {  	vm1 =	veq.s32 v35, v0;
	v4 =	vadd.f32 v4, v20;
	(v2sf) =	vpush v6, $0xD;
	v35 =	vld [tilespmem:s9+$0x5400];
	s8 =	sand.u32 $0xFFFFFFF0, s8;
	s9 =	sld [smem:$0x7E3];
	s0 =	sor.u32 s6, s5  }
0xe7: {  	s18 =	sshll.u32 s2, $0x3;
	(v2sf) =	vpush v7, $0xE;
	s20 =	sand.u32 $0x70, s2;
	s11 =	spop (v2sf)  }
0xe8: {  	v51 =	vmov s19;
	v24 =	vld [tilespmem:s21+$0xD00];
	v4 =	vsub.f32 v4, v19;
	s3 =	sand.u32 $0xFFFFFC00, s18;
	(v2sf) =	vpush v6, $0xE;
	s21 =	sand.u32 $0xFFFFFFF0, s11;
	s19 =	spop (v2sf)  }
0xe9: {  	v17 =	vnsel vm1, $0x0, v17;
	vm1 =	veq.s32 v51, v0;
	s1 =	sor.u32 s20, s3;
	s3 =	sand.u32 $0xF, s22;
	(v2sf) =	vpush v7, $0xF;
	s6 =	sshll.u32 s19, $0x3  }
0xea: {  	v37 =	vld [tilespmem:s12+$0xD00];
	v4 =	vadd.f32 v4, v17;
	s12 =	spop (v2sf);
	(v2sf) =	vpush v6, $0xF;
	s20 =	sand.u32 $0x70, s19;
	v6 =	vmov s23;
	s23 =	sld [smem:$0x7E2]  }
0xeb: {  	v15 =	vnsel vm1, $0x0, v15;
	v52 =	vmov s3;
	[smem:$0x7FD] =	sst s12;
	s18 =	sand.u32 $0xFFFFFC00, s6;
	s26 =	spop (v2sf)  }
0xec: {  	v31 =	vld [tilespmem:s29+$0xD00];
	v4 =	vsub.f32 v4, v15;
	vm1 =	veq.s32 v52, v0;
	s3 =	sor.u32 s20, s18;
	s22 =	sshll.u32 s26, $0x3;
	s29 =	sand.u32 $0x70, s26  }
0xed: {  	v7 =	vnsel vm1, $0x0, v14;
	s18 =	sand.u32 $0xF, s10;
	s10 =	sand.u32 $0xFFFFFFF0, s12;
	s12 =	sld [smem:$0x7E5]  }
0xee: {  	v4 =	vadd.f32 v4, v7;
	vm1 =	veq.s32 v6, v0;
	s5 =	sand.u32 $0xF, s23;
	s6 =	sand.u32 $0xFFFFFC00, s22;
	s20 =	spop (v2sf)  }
0xef: {  	v21 =	vld [tilespmem:s0+$0x5480];
	v7 =	vnsel vm1, $0x0, v13;
	v6 =	vmov s5;
	s0 =	sor.u32 s29, s6;
	s5 =	sand.u32 $0xF, s9;
	s23 =	spop (v2sf)  }
0xf0: {  	v34 =	vld [tilespmem:s7+$0x5380];
	v4 =	vsub.f32 v4, v7;
	s29 =	smov.u32 s11;
	vm1 =	veq.s32 v6, v0;
	s22 =	sshll.u32 s23, $0x3;
	s6 =	spop (v2sf)  }
0xf1: {  	v53 =	vmov s5;
	v6 =	vld [tilespmem:s1+$0x7100];
	s9 =	sand.u32 $0x70, s23;
	v8 =	vnsel vm1, $0x0, v60;
	s5 =	sand.u32 $0xFFFFFC00, s22;
	s7 =	spop (v2sf)  }
0xf2: {  	s1 =	sand.u32 $0xF, s12;
	v4 =	vadd.f32 v4, v8;
	v8 =	vld [tilespmem:s3+$0x7180];
	s3 =	sor.u32 s9, s5;
	s11 =	sshll.u32 s7, $0x3  }
0xf3: {  	v19 =	vld [tilespmem:s8+$0xD00];
	v54 =	vmov s18;
	s18 =	sand.u32 $0x70, s7;
	s9 =	sld [smem:$0x7E7];
	s5 =	sand.u32 $0xFFFFFC00, s11  }
0xf4: {  	v13 =	vld [tilespmem:s0+$0x7200];
	vm1 =	veq.s32 v53, v0;
	s22 =	spop (v2sf);
	s0 =	sor.u32 s18, s5;
	s5 =	sld [smem:$0x7E6]  }
0xf5: {  	v7 =	vld [tilespmem:s21+$0xD00];
	s21 =	sand.u32 $0xFFFFFFF0, s20;
	v56 =	vmov s1;
	v55 =	vnsel vm1, $0x0, v9;
	s1 =	spop (v2sf)  }
0xf6: {  	v9 =	vld [tilespmem:s10+$0xD00];
	vm1 =	veq.s32 v54, v0;
	s11 =	sand.u32 $0xFFFFFFF0, s6;
	v4 =	vsub.f32 v4, v55;
	s10 =	sand.u32 $0xF, s9;
	s12 =	sshll.u32 s1, $0x3  }
0xf7: {  	v57 =	vnsel vm1, $0x0, v10;
	v10 =	vld [tilespmem:s21+$0xD00];
	s9 =	sand.u32 $0x70, s1;
	s18 =	sand.u32 $0xFFFFFC00, s12;
	s8 =	sand.u32 $0xF, s5  }
0xf8: {  	vm1 =	veq.s32 v56, v0;
	v14 =	vld [tilespmem:s3+$0x7280];
	v4 =	vadd.f32 v4, v57;
	v60 =	vmov s10;
	s5 =	spop (v2sf);
	s10 =	sor.u32 s9, s18;
	s18 =	sld [smem:$0x7E8]  }
0xf9: {  	v59 =	vnsel vm1, $0x0, v11;
	v11 =	vld [tilespmem:s11+$0xD00];
	v58 =	vmov s8;
	s21 =	spop (v2sf)  }
0xfa: {  	s11 =	sand.u32 $0xFFFFFFF0, s22;
	v4 =	vsub.f32 v4, v59;
	v20 =	vld [tilespmem:s10+$0x7380];
	s10 =	sand.u32 $0xFFFFFFF0, s5;
	vm1 =	veq.s32 v58, v0;
	s12 =	sshll.u32 s21, $0x3  }
0xfb: {  	s3 =	spop (v2sf);
	v17 =	vld [tilespmem:s10+$0xD00];
	s10 =	sld [smem:$0x7E9];
	v61 =	vnsel vm1, $0x0, v16;
	s9 =	sand.u32 $0xF, s18  }
0xfc: {  	v16 =	vld [tilespmem:s11+$0xD00];
	vm1 =	veq.s32 v60, v0;
	s8 =	sand.u32 $0xFFFFFC00, s12;
	s12 =	sand.u32 $0x70, s21;
	s11 =	spop (v2sf);
	v4 =	vadd.f32 v4, v61  }
0xfd: {  	v51 =	vmov s9;
	v12 =	vnsel vm1, $0x0, v12;
	s9 =	sor.u32 s12, s8;
	s12 =	sshll.u32 s11, $0x3  }
0xfe: {  	s8 =	sand.u32 $0xF, s10;
	v4 =	vsub.f32 v4, v12;
	v12 =	vld [tilespmem:s9+$0x7400];
	s9 =	sand.u32 $0xFFFFFC00, s12;
	s12 =	sand.u32 $0x70, s11  }
0xff: {  	v15 =	vld [tilespmem:s0+$0x7300];
	vm1 =	veq.s32 v51, v0;
	s10 =	sand.u32 $0xFFFFFFF0, s3;
	s0 =	sor.u32 s12, s9;
	s9 =	sld [smem:$0x7EA]  }
0x100: {  	s18 =	simm.s32 $0x3;
	v52 =	vnsel vm1, $0x0, v5;
	v5 =	vld [tilespmem:s10+$0xD00]  }
0x101: {  	v62 =	vmov s8;
	s10 =	sld [smem:$0x7EB];
	v52 =	vadd.f32 v4, v52;
	v4 =	vld [tilespmem:s0+$0x7480];
	_ =	swait.ge [sflag:s18], $0x8000  }
0x102: {  	vm1 =	veq.s32 v62, v0;
	s12 =	sld [smem:$0x7EC];
	s8 =	sand.u32 $0xF, s9  }
0x103: {  	v50 =	vnsel vm1, $0x0, v50;
	[sflag:s18] =	ssyncset.done $0x0;
	v63 =	vmov s8  }
0x104: {  	s0 =	sand.u32 $0xF, s10;
	v50 =	vsub.f32 v52, v50;
	[sflag:s18] =	ssyncadd.s32 $0xFFFF8000;
	s18 =	rddreg [dreg:$0x1d];
	vm1 =	veq.s32 v63, v0  }
0x105: {  	v54 =	vmov s0;
	s8 =	sld [smem:$0x7ED];
	s0 =	sand.u32 $0xF, s12;
	v49 =	vnsel vm1, $0x0, v49  }
0x106: {  	p0 =	seq.s32 s18, $0x30000;
	vm1 =	veq.s32 v54, v0;
	v55 =	vmov s0;
	s0 =	rddreg [dreg:$0x1b];
	v49 =	vadd.f32 v50, v49  }
0x107: {  	v47 =	vnsel vm1, $0x0, v47;
	v51 =	vld @!p0 [tilespmem:s0+$0x10]  }
0x108: {  	vm1 =	veq.s32 v55, v0;
	s0 =	sand.u32 $0xF, s8;
	v47 =	vsub.f32 v49, v47  }
0x109: {  	s9 =	sld [smem:$0x7EE];
	v56 =	vmov s0;
	v46 =	vnsel vm1, $0x0, v46  }
0x10a: {  	vm1 =	veq.s32 v56, v0;
	v46 =	vadd.f32 v47, v46  }
0x10b: {  	v57 =	vnsel vm1, $0x0, v48  }
0x10c: {  	v50 =	vlaneseq.u32 @!p0;
	s0 =	sand.u32 $0xF, s9;
	v47 =	vsub.f32 v46, v57;
	v46 =	vshll.u32 @!p0 v51, $0x3  }
0x10d: {  	v58 =	vmov s0;
	v49 =	vand.u32 @!p0 $0x7, v51;
	v46 =	vand.u32 @!p0 $0xFFFFFFC0, v46  }
0x10e: {  	s10 =	sld [smem:$0x7EF];
	v51 =	vand.u32 @!p0 $0x7, v50;
	v49 =	vor.u32 @!p0 v49, v46;
	v46 =	vshrl.u32 @!p0 v50, $0x3  }
0x10f: {  	s12 =	sld [smem:$0x7F0];
	vm1 =	veq.s32 v58, v0;
	v48 =	vperm.xlane @!p0 v49, v51;
	v46 =	vmul.u32 @!p0 $0x8, v46  }
0x110: {  	s8 =	sld [smem:$0x7F1];
	v45 =	vnsel vm1, $0x0, v45  }
0x111: {  	s9 =	sld [smem:$0x7F2];
	s0 =	sand.u32 $0xF, s10;
	v45 =	vadd.f32 v47, v45;
	v47 =	vadd.s32 @!p0 v46, v48  }
0x112: {  	v59 =	vmov s0;
	s0 =	sand.u32 $0xF, s12  }
0x113: {  	vm1 =	veq.s32 v59, v0;
	v60 =	vmov s0  }
0x114: {  	s0 =	sand.u32 $0xF, s8;
	s10 =	sand.u32 $0xF, s9;
	v43 =	vnsel vm1, $0x0, v43;
	vm1 =	veq.s32 v60, v0  }
0x115: {  	s9 =	simm.s32 @!p0 $0x1100;
	s8 =	rddreg [dreg:$0x0];
	v61 =	vmov s0;
	s0 =	simm.s32 @!p0 $0x0;
	v44 =	vnsel vm1, $0x0, v44;
	vm1 =	vmmov @!p0 $0xffff  }
0x116: {  	[tilespmem:s9], [sflag:$0x1] =	stream.indirect_vreg.gather @!p0 [hbm4b:s8+s0], $0x80, v47, vm1, $0xb8;
	[tilespmem:$0x11180] =	vst v63  }
0x117: {  	s25 =	sand.u32 $0xF, s25;
	v43 =	vsub.f32 v45, v43;
	s9 =	simm.s32 @!p0 $0x1900;
	s8 =	rddreg [dreg:$0x15]  }
0x118: {  	[tilespmem:s9], [sflag:$0x1] =	stream.indirect_vreg.gather @!p0 [hbm4b:s8+s0], $0x80, v47, vm1, $0xb8;
	[tilespmem:$0x11180] =	vst v63  }
0x119: {  	v63 =	vmov s25;
	vm2 =	veq.s32 v61, v0;
	v43 =	vadd.f32 v43, v44;
	s9 =	sld [smem:$0x7F3]  }
0x11a: {  	s25 =	sld [smem:$0x7F5];
	v62 =	vmov s10;
	v42 =	vnsel vm2, $0x0, v42;
	v45 =	vor.u32 @!p0 $0x8, v50  }
0x11b: {  	s10 =	sld [smem:$0x7F4];
	vm2 =	veq.s32 v62, v0;
	v42 =	vsub.f32 v43, v42;
	v43 =	vperm.xlane @!p0 v49, v45  }
0x11c: {  	s12 =	rddreg [dreg:$0x16];
	v39 =	vnsel vm2, $0x0, v39;
	s8 =	sand.u32 $0xF, s9;
	s9 =	simm.s32 @!p0 $0x2100  }
0x11d: {  	v39 =	vadd.f32 v42, v39;
	v42 =	vadd.s32 @!p0 v46, v43;
	[tilespmem:s9], [sflag:$0x1] =	stream.indirect_vreg.gather @!p0 [hbm4b:s12+s0], $0x80, v47, vm1, $0xb8;
	[tilespmem:$0x11180] =	vst v63  }
0x11e: {  	v48 =	vmov s8;
	s8 =	sand.u32 $0xF, s10  }
0x11f: {  	s18 =	rddreg [dreg:$0x17];
	s9 =	simm.s32 @!p0 $0x2900;
	v49 =	vmov s8;
	s8 =	sand.u32 $0xF, s25  }
0x120: {  	[tilespmem:s9], [sflag:$0x1] =	stream.indirect_vreg.gather @!p0 [hbm4b:s18+s0], $0x80, v47, vm1, $0xb8;
	[tilespmem:$0x11180] =	vst v63  }
0x121: {  	vm2 =	veq.s32 v63, v0;
	s9 =	simm.s32 @!p0 $0x3100;
	v50 =	vmov s8;
	s8 =	rddreg [dreg:$0x0]  }
0x122: {  	v36 =	vnsel vm2, $0x0, v36;
	[tilespmem:s9], [sflag:$0x1] =	stream.indirect_vreg.gather @!p0 [hbm4b:s8+s0], $0x80, v42, vm1, $0xb8;
	[tilespmem:$0x11180] =	vst v63  }
0x123: {  	v36 =	vsub.f32 v39, v36;
	vm2 =	veq.s32 v48, v0;
	s9 =	simm.s32 @!p0 $0x3900;
	s8 =	rddreg [dreg:$0x15]  }
0x124: {  	v25 =	vnsel vm2, $0x0, v25;
	[tilespmem:s9], [sflag:$0x1] =	stream.indirect_vreg.gather @!p0 [hbm4b:s8+s0], $0x80, v42, vm1, $0xb8;
	[tilespmem:$0x11180] =	vst v63  }
0x125: {  	s31 =	sand.u32 $0xF, s31;
	s25 =	sld [smem:$0x7F6];
	vm2 =	veq.s32 v49, v0;
	v25 =	vadd.f32 v36, v25;
	s9 =	simm.s32 @!p0 $0x4100  }
0x126: {  	v26 =	vnsel vm2, $0x0, v26;
	[tilespmem:s9], [sflag:$0x1] =	stream.indirect_vreg.gather @!p0 [hbm4b:s12+s0], $0x80, v42, vm1, $0xb8;
	[tilespmem:$0x11180] =	vst v63  }
0x127: {  	v52 =	vmov s31;
	s31 =	sld [smem:$0x7F7];
	vm2 =	veq.s32 v50, v0;
	v25 =	vsub.f32 v25, v26;
	s9 =	simm.s32 @!p0 $0x4900  }
0x128: {  	v22 =	vnsel vm2, $0x0, v22;
	[tilespmem:s9], [sflag:$0x1] =	stream.indirect_vreg.gather @!p0 [hbm4b:s18+s0], $0x80, v42, vm1, $0xb8;
	[tilespmem:$0x11180] =	vst v63  }
0x129: {  	vm2 =	veq.s32 v52, v0;
	s8 =	sand.u32 $0xF, s25;
	v22 =	vadd.f32 v25, v22;
	s9 =	sld [smem:$0x7F8]  }
0x12a: {  	v23 =	vnsel vm2, $0x0, v23;
	v53 =	vmov s8  }
0x12b: {  	s8 =	sand.u32 $0xF, s31;
	vm2 =	veq.s32 v53, v0;
	v22 =	vsub.f32 v22, v23  }
0x12c: {  	v54 =	vmov s8;
	v18 =	vnsel vm2, $0x0, v18;
	s8 =	sand.u32 $0xF, s9  }
0x12d: {  	vm2 =	veq.s32 v54, v0;
	v18 =	vadd.f32 v22, v18;
	v55 =	vmov s8;
	s8 =	rddreg [dreg:$0x1b]  }
0x12e: {  	v23 =	vnsel vm2, $0x0, v27;
	v25 =	vld @!p0 [tilespmem:s8+$0x20]  }
0x12f: {  	s24 =	sand.u32 $0xF, s24;
	s25 =	sld [smem:$0x7F9];
	v18 =	vsub.f32 v18, v23;
	vm2 =	veq.s32 v55, v0  }
0x130: {  	v56 =	vmov s24;
	v57 =	vnsel vm2, $0x0, v28  }
0x131: {  	vm2 =	veq.s32 v56, v0;
	v18 =	vadd.f32 v18, v57  }
0x132: {  	s31 =	rddreg [dreg:$0x1f];
	s8 =	sand.u32 $0xF, s25;
	v22 =	vnsel vm2, $0x0, v41  }
0x133: {  	s9 =	sld [smem:$0x7FA];
	v58 =	vmov s8;
	v18 =	vsub.f32 v18, v22;
	v22 =	vshll.u32 @!p0 v25, $0x3  }
0x134: {  	s8 =	sand.u32 $0xF, s31;
	vm2 =	veq.s32 v58, v0;
	v23 =	vand.u32 @!p0 $0x7, v25;
	v22 =	vand.u32 @!p0 $0xFFFFFFC0, v22  }
0x135: {  	v59 =	vmov s8;
	v60 =	vnsel vm2, $0x0, v29;
	v22 =	vor.u32 @!p0 v23, v22  }
0x136: {  	s8 =	sand.u32 $0xF, s9;
	vm2 =	veq.s32 v59, v0;
	v18 =	vadd.f32 v18, v60;
	v23 =	vperm.xlane @!p0 v22, v51  }
0x137: {  	v61 =	vmov s8;
	v62 =	vnsel vm2, $0x0, v32  }
0x138: {  	s24 =	sand.u32 $0xF, s30;
	vm2 =	veq.s32 v61, v0;
	v18 =	vsub.f32 v18, v62;
	v23 =	vadd.s32 @!p0 v46, v23  }
0x139: {  	v63 =	vmov s24;
	v28 =	vnsel vm2, $0x0, v30  }
0x13a: {  	s25 =	sand.u32 $0xF, s16;
	vm2 =	veq.s32 v63, v0;
	v18 =	vadd.f32 v18, v28  }
0x13b: {  	v29 =	vmov s25;
	v25 =	vnsel vm2, $0x0, v40  }
0x13c: {  	s28 =	sand.u32 $0xF, s28;
	s10 =	rddreg [dreg:$0x0];
	s9 =	simm.s32 @!p0 $0x5100;
	vm2 =	veq.s32 v29, v0;
	v18 =	vsub.f32 v18, v25  }
0x13d: {  	v30 =	vmov s28;
	v26 =	vnsel vm2, $0x0, v37;
	[tilespmem:s9], [sflag:$0x1] =	stream.indirect_vreg.gather @!p0 [hbm4b:s10+s0], $0x80, v23, vm1, $0xb8;
	[tilespmem:$0x11180] =	vst v63  }
0x13e: {  	s30 =	sand.u32 $0xF, s15;
	s8 =	rddreg [dreg:$0x15];
	vm2 =	veq.s32 v30, v0;
	v22 =	vperm.xlane @!p0 v22, v45;
	v18 =	vadd.f32 v18, v26;
	s9 =	simm.s32 @!p0 $0x5900  }
0x13f: {  	v32 =	vmov s30;
	v36 =	vnsel vm2, $0x0, v38;
	[tilespmem:s9], [sflag:$0x1] =	stream.indirect_vreg.gather @!p0 [hbm4b:s8+s0], $0x80, v23, vm1, $0xb8;
	[tilespmem:$0x11180] =	vst v63  }
0x140: {  	s24 =	sld [smem:$0x7FB];
	s31 =	sand.u32 $0xF, s14;
	vm2 =	veq.s32 v32, v0;
	v22 =	vadd.s32 @!p0 v46, v22;
	v18 =	vsub.f32 v18, v36;
	s9 =	simm.s32 @!p0 $0x6100  }
0x141: {  	v37 =	vmov s31;
	v38 =	vnsel vm2, $0x0, v33;
	[tilespmem:s9], [sflag:$0x1] =	stream.indirect_vreg.gather @!p0 [hbm4b:s12+s0], $0x80, v23, vm1, $0xb8;
	[tilespmem:$0x11180] =	vst v63  }
0x142: {  	s15 =	sand.u32 $0xF, s13;
	s16 =	sand.u32 $0xF, s17;
	vm2 =	veq.s32 v37, v0;
	v18 =	vadd.f32 v18, v38;
	s9 =	simm.s32 @!p0 $0x6900  }
0x143: {  	v40 =	vmov s15;
	v39 =	vnsel vm2, $0x0, v34;
	[tilespmem:s9], [sflag:$0x1] =	stream.indirect_vreg.gather @!p0 [hbm4b:s18+s0], $0x80, v23, vm1, $0xb8;
	[tilespmem:$0x11180] =	vst v63  }
0x144: {  	s25 =	sld [smem:$0x7FC];
	vm2 =	veq.s32 v40, v0;
	s8 =	sand.u32 $0xF, s24;
	v18 =	vsub.f32 v18, v39;
	s9 =	simm.s32 @!p0 $0x7100  }
0x145: {  	v41 =	vmov s16;
	v25 =	vnsel vm2, $0x0, v31;
	[tilespmem:s9], [sflag:$0x1] =	stream.indirect_vreg.gather @!p0 [hbm4b:s10+s0], $0x80, v22, vm1, $0xb8;
	[tilespmem:$0x11180] =	vst v63  }
0x146: {  	s4 =	sand.u32 $0xF, s4;
	vm2 =	veq.s32 v41, v0;
	v42 =	vmov s8;
	s8 =	rddreg [dreg:$0x15];
	v18 =	vadd.f32 v18, v25;
	s9 =	simm.s32 @!p0 $0x7900  }
0x147: {  	v43 =	vnsel vm2, $0x0, v35;
	[tilespmem:s9], [sflag:$0x1] =	stream.indirect_vreg.gather @!p0 [hbm4b:s8+s0], $0x80, v22, vm1, $0xb8;
	[tilespmem:$0x11180] =	vst v63  }
0x148: {  	s29 =	sand.u32 $0xF, s29;
	s17 =	simm.s32 $0x2;
	vm2 =	veq.s32 v42, v0;
	v18 =	vsub.f32 v18, v43;
	s8 =	simm.s32 @!p0 $0x8100  }
0x149: {  	v44 =	vmov s4;
	v24 =	vnsel vm2, $0x0, v24;
	[tilespmem:s8], [sflag:$0x1] =	stream.indirect_vreg.gather @!p0 [hbm4b:s12+s0], $0x80, v22, vm1, $0xb8;
	[tilespmem:$0x11180] =	vst v63  }
0x14a: {  	s14 =	simm.s32 $0x9100;
	s4 =	sand.u32 $0xF, s25;
	vm2 =	veq.s32 v44, v0;
	v18 =	vadd.f32 v18, v24;
	s8 =	simm.s32 @!p0 $0x8900  }
0x14b: {  	v45 =	vmov s4;
	v21 =	vnsel vm2, $0x0, v21;
	[tilespmem:s8], [sflag:$0x1] =	stream.indirect_vreg.gather @!p0 [hbm4b:s18+s0], $0x80, v22, vm1, $0xb8;
	[tilespmem:$0x11180] =	vst v63  }
0x14c: {  	s28 =	sand.u32 $0xF, s2;
	s9 =	rddreg [dreg:$0x15];
	v18 =	vsub.f32 v18, v21;
	vm1 =	veq.s32 v45, v0;
	_ =	swait.ge [sflag:s17], $0x8000  }
0x14d: {  	s31 =	simm.s32 $0x0;
	v46 =	vmov s28;
	v19 =	vnsel vm1, $0x0, v19;
	[sflag:s17] =	ssyncset.done $0x0;
	s30 =	rddreg [dreg:$0x1e]  }
0x14e: {  	vm1 =	veq.s32 v46, v0;
	v18 =	vadd.f32 v18, v19;
	s13 =	sld [smem:$0x7FD];
	[sflag:s17] =	ssyncadd.s32 $0xFFFF8000;
	s2 =	sadd.s32 $0x1000, s30  }
0x14f: {  	v47 =	vmov s29;
	v6 =	vnsel vm1, $0x0, v6;
	[hbm4b:s2+s31] =	stream.linear.scatter [tilespmem:s14], [sflag:$0x4], $0x8000, $0x38;
	[tilespmem:$0x11180] =	vst v63  }
0x150: {  	vm1 =	veq.s32 v47, v0;
	s4 =	rddreg [dreg:$0x1b];
	v6 =	vsub.f32 v18, v6;
	s2 =	sand.u32 $0xF, s19  }
0x151: {  	s15 =	rddreg [dreg:$0x1c];
	v19 =	vnsel vm1, $0x0, v7;
	v48 =	vmov s2;
	v7 =	vld [tilespmem:s4+$0xFFFFFFF0]  }
0x152: {  	s0 =	sand.u32 $0xF, s13;
	v19 =	vadd.f32 v6, v19;
	vm1 =	veq.s32 v48, v0;
	v6 =	vld [tilespmem:s15+$0x0]  }
0x153: {  	v49 =	vmov s0;
	v8 =	vnsel vm1, $0x0, v8  }
0x154: {  	s16 =	sand.u32 $0xF, s26;
	vm1 =	veq.s32 v49, v0;
	v8 =	vsub.f32 v19, v8  }
0x155: {  	v50 =	vmov s16;
	v9 =	vnsel vm1, $0x0, v9  }
0x156: {  	s17 =	sand.u32 $0xF, s20;
	vm1 =	veq.s32 v50, v0;
	v8 =	vadd.f32 v8, v9;
	(v2sf) =	vpush v7, $0x0  }
0x157: {  	v51 =	vmov s17;
	v13 =	vnsel vm1, $0x0, v13;
	(v2sf) =	vpush v6, $0x0  }
0x158: {  	s19 =	sand.u32 $0xF, s23;
	vm1 =	veq.s32 v51, v0;
	v8 =	vsub.f32 v8, v13  }
0x159: {  	v52 =	vmov s19;
	v10 =	vnsel vm1, $0x0, v10  }
0x15a: {  	s20 =	sand.u32 $0xF, s6;
	vm1 =	veq.s32 v52, v0;
	(v2sf) =	vpush v7, $0x1;
	v8 =	vadd.f32 v8, v10  }
0x15b: {  	v53 =	vmov s20;
	v54 =	vnsel vm1, $0x0, v14;
	(v2sf) =	vpush v6, $0x1  }
0x15c: {  	s23 =	sand.u32 $0xF, s7;
	vm1 =	veq.s32 v53, v0;
	v8 =	vsub.f32 v8, v54  }
0x15d: {  	v55 =	vmov s23;
	v56 =	vnsel vm1, $0x0, v11  }
0x15e: {  	s24 =	sand.u32 $0xF, s22;
	vm1 =	veq.s32 v55, v0;
	(v2sf) =	vpush v7, $0x2;
	v8 =	vadd.f32 v8, v56  }
0x15f: {  	v57 =	vmov s24;
	v58 =	vnsel vm1, $0x0, v15;
	(v2sf) =	vpush v6, $0x2  }
0x160: {  	s25 =	sand.u32 $0xF, s1;
	vm1 =	veq.s32 v57, v0;
	v8 =	vsub.f32 v8, v58  }
0x161: {  	v59 =	vmov s25;
	v9 =	vnsel vm1, $0x0, v16  }
0x162: {  	s26 =	sand.u32 $0xF, s5;
	vm1 =	veq.s32 v59, v0;
	(v2sf) =	vpush v7, $0x3;
	v8 =	vadd.f32 v8, v9  }
0x163: {  	v61 =	vmov s26;
	v60 =	vnsel vm1, $0x0, v20;
	(v2sf) =	vpush v6, $0x3  }
0x164: {  	s28 =	sand.u32 $0xF, s21;
	vm1 =	veq.s32 v61, v0;
	v8 =	vsub.f32 v8, v60  }
0x165: {  	v63 =	vmov s28;
	v62 =	vnsel vm1, $0x0, v17;
	s29 =	spop (v2sf)  }
0x166: {  	s30 =	sand.u32 $0xF, s3;
	vm1 =	veq.s32 v63, v0;
	(v2sf) =	vpush v7, $0x4;
	v8 =	vadd.f32 v8, v62;
	s31 =	spop (v2sf)  }
0x167: {  	v14 =	vmov s30;
	v13 =	vnsel vm1, $0x0, v12;
	s3 =	sand.u32 $0xFFFFFFF0, s29;
	(v2sf) =	vpush v6, $0x4;
	s4 =	sshll.u32 s31, $0x3  }
0x168: {  	s6 =	sand.u32 $0xF, s11;
	vm1 =	veq.s32 v14, v0;
	v15 =	vld [tilespmem:s3+$0xD00];
	s7 =	sand.u32 $0x70, s31;
	v8 =	vsub.f32 v8, v13;
	s3 =	sand.u32 $0xFFFFFC00, s4  }
0x169: {  	v16 =	vmov s6;
	v5 =	vnsel vm1, $0x0, v5;
	s11 =	spop (v2sf);
	s1 =	sor.u32 s7, s3  }
0x16a: {  	vm1 =	veq.s32 v16, v0;
	s0 =	sand.u32 $0xF, s29;
	(v2sf) =	vpush v7, $0x5;
	s13 =	spop (v2sf);
	v5 =	vadd.f32 v8, v5;
	v17 =	vld [tilespmem:s1+$0x9100]  }
0x16b: {  	v4 =	vnsel vm1, $0x0, v4;
	v18 =	vmov s0;
	s15 =	sand.u32 $0xFFFFFFF0, s11;
	(v2sf) =	vpush v6, $0x5;
	s16 =	sshll.u32 s13, $0x3  }
0x16c: {  	s2 =	sand.u32 $0xF, s31;
	vm1 =	veq.s32 v18, v0;
	s17 =	sand.u32 $0x70, s13;
	s4 =	sand.u32 $0xFFFFFC00, s16;
	v4 =	vsub.f32 v5, v4;
	v5 =	vld [tilespmem:s15+$0xD00]  }
0x16d: {  	v19 =	vmov s2;
	s19 =	spop (v2sf);
	(v2sf) =	vpush v7, $0x6;
	s0 =	sor.u32 s17, s4;
	v9 =	vnsel vm1, $0x0, v15  }
0x16e: {  	s20 =	sand.u32 $0xF, s11;
	s21 =	spop (v2sf);
	(v2sf) =	vpush v6, $0x6;
	vm1 =	veq.s32 v19, v0;
	v20 =	vld [tilespmem:s0+$0x9180];
	v4 =	vadd.f32 v9, v4  }
0x16f: {  	v21 =	vmov s20;
	s22 =	sand.u32 $0xFFFFFFF0, s19;
	s23 =	sshll.u32 s21, $0x3;
	v8 =	vnsel vm1, $0x0, v17  }
0x170: {  	s1 =	sand.u32 $0xF, s13;
	v22 =	vld [tilespmem:s22+$0xD00];
	s24 =	sand.u32 $0x70, s21;
	s4 =	sand.u32 $0xFFFFFC00, s23;
	vm1 =	veq.s32 v21, v0;
	v4 =	vsub.f32 v4, v8  }
0x171: {  	v23 =	vmov s1;
	s25 =	spop (v2sf);
	s0 =	sor.u32 s24, s4;
	v5 =	vnsel vm1, $0x0, v5  }
0x172: {  	s26 =	sand.u32 $0xF, s19;
	(v2sf) =	vpush v7, $0x7;
	s28 =	spop (v2sf);
	vm1 =	veq.s32 v23, v0;
	v4 =	vadd.f32 v4, v5;
	v5 =	vld [tilespmem:s0+$0x9200]  }
0x173: {  	v24 =	vmov s26;
	s29 =	sand.u32 $0xFFFFFFF0, s25;
	(v2sf) =	vpush v6, $0x7;
	s30 =	sshll.u32 s28, $0x3;
	v9 =	vnsel vm1, $0x0, v20  }
0x174: {  	s3 =	sand.u32 $0xF, s21;
	v25 =	vld [tilespmem:s29+$0xD00];
	s31 =	sand.u32 $0x70, s28;
	s4 =	sand.u32 $0xFFFFFC00, s30;
	vm1 =	veq.s32 v24, v0;
	v4 =	vsub.f32 v4, v9  }
0x175: {  	v26 =	vmov s3;
	s0 =	sor.u32 s31, s4;
	v8 =	vnsel vm1, $0x0, v22;
	s6 =	spop (v2sf)  }
0x176: {  	s7 =	sand.u32 $0xF, s25;
	vm1 =	veq.s32 v26, v0;
	v27 =	vld [tilespmem:s0+$0x9280];
	(v2sf) =	vpush v7, $0x8;
	s11 =	spop (v2sf);
	v4 =	vadd.f32 v4, v8  }
0x177: {  	v28 =	vmov s7;
	s13 =	sand.u32 $0xFFFFFFF0, s6;
	(v2sf) =	vpush v6, $0x8;
	s15 =	sshll.u32 s11, $0x3;
	v5 =	vnsel vm1, $0x0, v5  }
0x178: {  	s2 =	sand.u32 $0xF, s28;
	s16 =	sand.u32 $0x70, s11;
	vm1 =	veq.s32 v28, v0;
	s4 =	sand.u32 $0xFFFFFC00, s15;
	v4 =	vsub.f32 v4, v5;
	v5 =	vld [tilespmem:s13+$0xD00]  }
0x179: {  	v29 =	vmov s2;
	s17 =	spop (v2sf);
	v9 =	vnsel vm1, $0x0, v25;
	s0 =	sor.u32 s16, s4  }
0x17a: {  	s19 =	sand.u32 $0xF, s6;
	(v2sf) =	vpush v7, $0x9;
	s20 =	spop (v2sf);
	vm1 =	veq.s32 v29, v0;
	v30 =	vld [tilespmem:s0+$0x9300];
	v4 =	vadd.f32 v4, v9  }
0x17b: {  	v31 =	vmov s19;
	s1 =	sand.u32 $0xF, s11;
	s21 =	sand.u32 $0xFFFFFFF0, s17;
	(v2sf) =	vpush v6, $0x9;
	s22 =	sshll.u32 s20, $0x3;
	v8 =	vnsel vm1, $0x0, v27  }
0x17c: {  	v32 =	vld [tilespmem:s21+$0xD00];
	s23 =	sand.u32 $0x70, s20;
	s24 =	spop (v2sf);
	(v2sf) =	vpush v7, $0xA;
	vm1 =	veq.s32 v31, v0;
	s4 =	sand.u32 $0xFFFFFC00, s22;
	v4 =	vsub.f32 v4, v8  }
0x17d: {  	v33 =	vmov s1;
	s26 =	spop (v2sf);
	(v2sf) =	vpush v6, $0xA;
	s0 =	sor.u32 s23, s4;
	v5 =	vnsel vm1, $0x0, v5  }
0x17e: {  	s25 =	sand.u32 $0xF, s17;
	vm1 =	veq.s32 v33, v0;
	v4 =	vadd.f32 v4, v5;
	v5 =	vld [tilespmem:s0+$0x9380]  }
0x17f: {  	v34 =	vmov s25;
	s28 =	sand.u32 $0xFFFFFFF0, s24;
	s29 =	sshll.u32 s26, $0x3;
	v9 =	vnsel vm1, $0x0, v30  }
0x180: {  	s3 =	sand.u32 $0xF, s20;
	v35 =	vld [tilespmem:s28+$0xD00];
	s30 =	sand.u32 $0x70, s26;
	s4 =	sand.u32 $0xFFFFFC00, s29;
	vm1 =	veq.s32 v34, v0;
	v4 =	vsub.f32 v4, v9  }
0x181: {  	v36 =	vmov s3;
	s31 =	spop (v2sf);
	(v2sf) =	vpush v7, $0xB;
	s0 =	sor.u32 s30, s4;
	v8 =	vnsel vm1, $0x0, v32  }
0x182: {  	s6 =	spop (v2sf);
	s4 =	sand.u32 $0xF, s24;
	vm1 =	veq.s32 v36, v0;
	v37 =	vld [tilespmem:s0+$0x9400];
	v4 =	vadd.f32 v4, v8  }
0x183: {  	s7 =	sand.u32 $0xFFFFFFF0, s31;
	(v2sf) =	vpush v6, $0xB;
	s11 =	sshll.u32 s6, $0x3;
	v38 =	vmov s4;
	v5 =	vnsel vm1, $0x0, v5  }
0x184: {  	s2 =	sand.u32 $0xF, s26;
	s13 =	sand.u32 $0x70, s6;
	s4 =	sand.u32 $0xFFFFFC00, s11;
	vm1 =	veq.s32 v38, v0;
	v4 =	vsub.f32 v4, v5;
	v5 =	vld [tilespmem:s7+$0xD00]  }
0x185: {  	v39 =	vmov s2;
	s0 =	sor.u32 s13, s4;
	s15 =	spop (v2sf);
	v9 =	vnsel vm1, $0x0, v35  }
0x186: {  	s16 =	sand.u32 $0xF, s31;
	v40 =	vld [tilespmem:s0+$0x9480];
	(v2sf) =	vpush v7, $0xC;
	vm1 =	veq.s32 v39, v0;
	s17 =	spop (v2sf);
	v4 =	vadd.f32 v4, v9  }
0x187: {  	v41 =	vmov s16;
	s19 =	sand.u32 $0xFFFFFFF0, s15;
	(v2sf) =	vpush v6, $0xC;
	v8 =	vnsel vm1, $0x0, v37;
	s20 =	sshll.u32 s17, $0x3  }
0x188: {  	s1 =	sand.u32 $0xF, s6;
	vm1 =	veq.s32 v41, v0;
	v42 =	vld [tilespmem:s19+$0xD00];
	s21 =	sand.u32 $0x70, s17;
	s4 =	sand.u32 $0xFFFFFC00, s20;
	v4 =	vsub.f32 v4, v8  }
0x189: {  	v43 =	vmov s1;
	s22 =	spop (v2sf);
	s0 =	sor.u32 s21, s4;
	v5 =	vnsel vm1, $0x0, v5  }
0x18a: {  	s23 =	sand.u32 $0xF, s15;
	(v2sf) =	vpush v7, $0xD;
	s3 =	sand.u32 $0xF, s17;
	s24 =	spop (v2sf);
	vm1 =	veq.s32 v43, v0;
	v4 =	vadd.f32 v4, v5;
	v5 =	vld [tilespmem:s0+$0xB100]  }
0x18b: {  	v44 =	vmov s23;
	s25 =	sand.u32 $0xFFFFFFF0, s22;
	(v2sf) =	vpush v6, $0xD;
	s26 =	sshll.u32 s24, $0x3;
	s29 =	spop (v2sf);
	v9 =	vnsel vm1, $0x0, v40  }
0x18c: {  	v45 =	vld [tilespmem:s25+$0xD00];
	s28 =	sand.u32 $0x70, s24;
	s4 =	sand.u32 $0xFFFFFC00, s26;
	s31 =	spop (v2sf);
	vm1 =	veq.s32 v44, v0;
	v4 =	vsub.f32 v4, v9  }
0x18d: {  	v46 =	vmov s3;
	s30 =	sand.u32 $0xF, s22;
	s13 =	sshll.u32 s31, $0x3;
	s0 =	sor.u32 s28, s4;
	v8 =	vnsel vm1, $0x0, v42  }
0x18e: {  	(v2sf) =	vpush v7, $0xE;
	s11 =	sand.u32 $0xFFFFFFF0, s29;
	s15 =	sand.u32 $0x70, s31;
	s4 =	sand.u32 $0xFFFFFC00, s13;
	vm1 =	veq.s32 v46, v0;
	v47 =	vld [tilespmem:s0+$0xB180];
	v8 =	vadd.f32 v4, v8  }
0x18f: {  	v48 =	vmov s30;
	(v2sf) =	vpush v6, $0xE;
	v49 =	vld [tilespmem:s11+$0xD00];
	s0 =	sor.u32 s15, s4;
	v5 =	vnsel vm1, $0x0, v5  }
0x190: {  	s7 =	rddreg [dreg:$0x1b];
	s2 =	sand.u32 $0xF, s24;
	s17 =	spop (v2sf);
	(v2sf) =	vpush v7, $0xF;
	v7 =	vld [tilespmem:s0+$0xB200];
	vm1 =	veq.s32 v48, v0;
	v8 =	vsub.f32 v8, v5  }
0x191: {  	s16 =	rddreg [dreg:$0x1c];
	v50 =	vmov s2;
	v4 =	vld [tilespmem:s7+$0x0];
	v9 =	vnsel vm1, $0x0, v45  }
0x192: {  	s19 =	sand.u32 $0xF, s29;
	s20 =	spop (v2sf);
	v5 =	vld [tilespmem:s16+$0x10];
	vm1 =	veq.s32 v50, v0;
	v8 =	vadd.f32 v8, v9  }
0x193: {  	v52 =	vmov s19;
	s21 =	sand.u32 $0xFFFFFFF0, s17;
	(v2sf) =	vpush v6, $0xF;
	s22 =	sshll.u32 s20, $0x3;
	v51 =	vnsel vm1, $0x0, v47  }
0x194: {  	s1 =	sand.u32 $0xF, s31;
	v53 =	vld [tilespmem:s21+$0xD00];
	s23 =	sand.u32 $0x70, s20;
	s4 =	sand.u32 $0xFFFFFC00, s22;
	vm1 =	veq.s32 v52, v0;
	v6 =	vsub.f32 v8, v51  }
0x195: {  	v55 =	vmov s1;
	s0 =	sor.u32 s23, s4;
	v54 =	vnsel vm1, $0x0, v49;
	s24 =	spop (v2sf)  }
0x196: {  	s25 =	sand.u32 $0xF, s17;
	v56 =	vld [tilespmem:s0+$0xB280];
	vm1 =	veq.s32 v55, v0;
	s26 =	spop (v2sf);
	(v2sf) =	vpush v4, $0x0;
	v6 =	vadd.f32 v6, v54  }
0x197: {  	v57 =	vmov s25;
	v7 =	vnsel vm1, $0x0, v7;
	s28 =	sand.u32 $0xFFFFFFF0, s24;
	s29 =	sshll.u32 s26, $0x3;
	(v2sf) =	vpush v5, $0x0  }
0x198: {  	s3 =	sand.u32 $0xF, s20;
	vm1 =	veq.s32 v57, v0;
	s30 =	sand.u32 $0x70, s26;
	s4 =	sand.u32 $0xFFFFFC00, s29;
	v6 =	vsub.f32 v6, v7;
	v7 =	vld [tilespmem:s28+$0xD00]  }
0x199: {  	v58 =	vmov s3;
	v8 =	vnsel vm1, $0x0, v53;
	s31 =	spop (v2sf);
	s0 =	sor.u32 s30, s4  }
0x19a: {  	vm1 =	veq.s32 v58, v0;
	s6 =	spop (v2sf);
	s4 =	sand.u32 $0xF, s24;
	(v2sf) =	vpush v4, $0x1;
	v59 =	vld [tilespmem:s0+$0xB300];
	v6 =	vadd.f32 v6, v8  }
0x19b: {  	v9 =	vnsel vm1, $0x0, v56;
	s7 =	sand.u32 $0xFFFFFFF0, s31;
	s11 =	sshll.u32 s6, $0x3;
	v60 =	vmov s4;
	(v2sf) =	vpush v5, $0x1  }
0x19c: {  	s2 =	sand.u32 $0xF, s26;
	v61 =	vld [tilespmem:s7+$0xD00];
	s13 =	sand.u32 $0x70, s6;
	s4 =	sand.u32 $0xFFFFFC00, s11;
	vm1 =	veq.s32 v60, v0;
	v6 =	vsub.f32 v6, v9  }
0x19d: {  	v62 =	vmov s2;
	s15 =	spop (v2sf);
	s0 =	sor.u32 s13, s4;
	v7 =	vnsel vm1, $0x0, v7  }
0x19e: {  	s16 =	sand.u32 $0xF, s31;
	s17 =	spop (v2sf);
	(v2sf) =	vpush v4, $0x2;
	vm1 =	veq.s32 v62, v0;
	v6 =	vadd.f32 v6, v7;
	v7 =	vld [tilespmem:s0+$0xB380]  }
0x19f: {  	v63 =	vmov s16;
	s19 =	sand.u32 $0xFFFFFFF0, s15;
	s20 =	sshll.u32 s17, $0x3;
	(v2sf) =	vpush v5, $0x2;
	v8 =	vnsel vm1, $0x0, v59  }
0x1a0: {  	s1 =	sand.u32 $0xF, s6;
	v12 =	vld [tilespmem:s19+$0xD00];
	s21 =	sand.u32 $0x70, s17;
	s4 =	sand.u32 $0xFFFFFC00, s20;
	vm1 =	veq.s32 v63, v0;
	v6 =	vsub.f32 v6, v8  }
0x1a1: {  	v13 =	vmov s1;
	s22 =	spop (v2sf);
	s0 =	sor.u32 s21, s4;
	v9 =	vnsel vm1, $0x0, v61  }
0x1a2: {  	s23 =	sand.u32 $0xF, s15;
	s24 =	spop (v2sf);
	(v2sf) =	vpush v4, $0x3;
	vm1 =	veq.s32 v13, v0;
	v14 =	vld [tilespmem:s0+$0xB400];
	v6 =	vadd.f32 v6, v9  }
0x1a3: {  	v15 =	vmov s23;
	s25 =	sand.u32 $0xFFFFFFF0, s22;
	s26 =	sshll.u32 s24, $0x3;
	(v2sf) =	vpush v5, $0x3;
	v7 =	vnsel vm1, $0x0, v7  }
0x1a4: {  	s3 =	sand.u32 $0xF, s17;
	s28 =	sand.u32 $0x70, s24;
	s4 =	sand.u32 $0xFFFFFC00, s26;
	vm1 =	veq.s32 v15, v0;
	v6 =	vsub.f32 v6, v7;
	v7 =	vld [tilespmem:s25+$0xD00]  }
0x1a5: {  	v16 =	vmov s3;
	s0 =	sor.u32 s28, s4;
	s29 =	spop (v2sf);
	v8 =	vnsel vm1, $0x0, v12  }
0x1a6: {  	s30 =	sand.u32 $0xF, s22;
	v17 =	vld [tilespmem:s0+$0xB480];
	(v2sf) =	vpush v4, $0x4;
	vm1 =	veq.s32 v16, v0;
	s31 =	spop (v2sf);
	v6 =	vadd.f32 v6, v8  }
0x1a7: {  	v18 =	vmov s30;
	s4 =	sand.u32 $0xFFFFFFF0, s29;
	(v2sf) =	vpush v5, $0x4;
	v9 =	vnsel vm1, $0x0, v14;
	s6 =	sshll.u32 s31, $0x3  }
0x1a8: {  	s2 =	sand.u32 $0xF, s24;
	v19 =	vld [tilespmem:s4+$0xD00];
	vm1 =	veq.s32 v18, v0;
	s7 =	sand.u32 $0x70, s31;
	s4 =	sand.u32 $0xFFFFFC00, s6;
	v6 =	vsub.f32 v6, v9  }
0x1a9: {  	v20 =	vmov s2;
	s11 =	spop (v2sf);
	s0 =	sor.u32 s7, s4;
	v7 =	vnsel vm1, $0x0, v7  }
0x1aa: {  	s13 =	sand.u32 $0xF, s29;
	(v2sf) =	vpush v4, $0x5;
	s15 =	spop (v2sf);
	vm1 =	veq.s32 v20, v0;
	v6 =	vadd.f32 v6, v7;
	v7 =	vld [tilespmem:s0+$0xD100]  }
0x1ab: {  	v21 =	vmov s13;
	s16 =	sand.u32 $0xFFFFFFF0, s11;
	(v2sf) =	vpush v5, $0x5;
	s17 =	sshll.u32 s15, $0x3;
	v8 =	vnsel vm1, $0x0, v17  }
0x1ac: {  	s1 =	sand.u32 $0xF, s31;
	v22 =	vld [tilespmem:s16+$0xD00];
	s19 =	sand.u32 $0x70, s15;
	s4 =	sand.u32 $0xFFFFFC00, s17;
	vm1 =	veq.s32 v21, v0;
	v6 =	vsub.f32 v6, v8  }
0x1ad: {  	v23 =	vmov s1;
	s20 =	spop (v2sf);
	s0 =	sor.u32 s19, s4;
	v9 =	vnsel vm1, $0x0, v19  }
0x1ae: {  	s21 =	sand.u32 $0xF, s11;
	(v2sf) =	vpush v4, $0x6;
	s22 =	spop (v2sf);
	vm1 =	veq.s32 v23, v0;
	v24 =	vld [tilespmem:s0+$0xD180];
	v6 =	vadd.f32 v6, v9  }
0x1af: {  	v25 =	vmov s21;
	s23 =	sand.u32 $0xFFFFFFF0, s20;
	(v2sf) =	vpush v5, $0x6;
	s24 =	sshll.u32 s22, $0x3;
	v7 =	vnsel vm1, $0x0, v7  }
0x1b0: {  	s3 =	sand.u32 $0xF, s15;
	s25 =	sand.u32 $0x70, s22;
	s4 =	sand.u32 $0xFFFFFC00, s24;
	vm1 =	veq.s32 v25, v0;
	v6 =	vsub.f32 v6, v7;
	v7 =	vld [tilespmem:s23+$0xD00]  }
0x1b1: {  	v26 =	vmov s3;
	s26 =	spop (v2sf);
	s0 =	sor.u32 s25, s4;
	v8 =	vnsel vm1, $0x0, v22  }
0x1b2: {  	s28 =	sand.u32 $0xF, s20;
	(v2sf) =	vpush v4, $0x7;
	s29 =	spop (v2sf);
	v27 =	vld [tilespmem:s0+$0xD200];
	vm1 =	veq.s32 v26, v0;
	v6 =	vadd.f32 v6, v8  }
0x1b3: {  	v28 =	vmov s28;
	s30 =	sand.u32 $0xFFFFFFF0, s26;
	(v2sf) =	vpush v5, $0x7;
	s31 =	sshll.u32 s29, $0x3;
	v9 =	vnsel vm1, $0x0, v24  }
0x1b4: {  	s2 =	sand.u32 $0xF, s22;
	v29 =	vld [tilespmem:s30+$0xD00];
	s6 =	sand.u32 $0x70, s29;
	s4 =	sand.u32 $0xFFFFFC00, s31;
	vm1 =	veq.s32 v28, v0;
	v6 =	vsub.f32 v6, v9  }
0x1b5: {  	v30 =	vmov s2;
	s0 =	sor.u32 s6, s4;
	s7 =	spop (v2sf);
	v7 =	vnsel vm1, $0x0, v7  }
0x1b6: {  	s11 =	sand.u32 $0xF, s26;
	(v2sf) =	vpush v4, $0x8;
	s13 =	spop (v2sf);
	vm1 =	veq.s32 v30, v0;
	v6 =	vadd.f32 v6, v7;
	v7 =	vld [tilespmem:s0+$0xD280]  }
0x1b7: {  	v31 =	vmov s11;
	s15 =	sand.u32 $0xFFFFFFF0, s7;
	(v2sf) =	vpush v5, $0x8;
	s16 =	sshll.u32 s13, $0x3;
	v8 =	vnsel vm1, $0x0, v27  }
0x1b8: {  	s1 =	sand.u32 $0xF, s29;
	v32 =	vld [tilespmem:s15+$0xD00];
	s17 =	sand.u32 $0x70, s13;
	s4 =	sand.u32 $0xFFFFFC00, s16;
	vm1 =	veq.s32 v31, v0;
	v6 =	vsub.f32 v6, v8  }
0x1b9: {  	v33 =	vmov s1;
	s19 =	spop (v2sf);
	s0 =	sor.u32 s17, s4;
	v9 =	vnsel vm1, $0x0, v29  }
0x1ba: {  	s20 =	sand.u32 $0xF, s7;
	(v2sf) =	vpush v4, $0x9;
	s21 =	spop (v2sf);
	vm1 =	veq.s32 v33, v0;
	v34 =	vld [tilespmem:s0+$0xD300];
	v6 =	vadd.f32 v6, v9  }
0x1bb: {  	v35 =	vmov s20;
	s22 =	sand.u32 $0xFFFFFFF0, s19;
	(v2sf) =	vpush v5, $0x9;
	s23 =	sshll.u32 s21, $0x3;
	v7 =	vnsel vm1, $0x0, v7  }
0x1bc: {  	s3 =	sand.u32 $0xF, s13;
	s24 =	sand.u32 $0x70, s21;
	s4 =	sand.u32 $0xFFFFFC00, s23;
	vm1 =	veq.s32 v35, v0;
	v6 =	vsub.f32 v6, v7;
	v7 =	vld [tilespmem:s22+$0xD00]  }
0x1bd: {  	v36 =	vmov s3;
	s25 =	spop (v2sf);
	s0 =	sor.u32 s24, s4;
	v8 =	vnsel vm1, $0x0, v32  }
0x1be: {  	s26 =	sand.u32 $0xF, s19;
	(v2sf) =	vpush v4, $0xA;
	s28 =	spop (v2sf);
	v37 =	vld [tilespmem:s0+$0xD380];
	vm1 =	veq.s32 v36, v0;
	v6 =	vadd.f32 v6, v8  }
0x1bf: {  	v38 =	vmov s26;
	s29 =	sand.u32 $0xFFFFFFF0, s25;
	(v2sf) =	vpush v5, $0xA;
	s30 =	sshll.u32 s28, $0x3;
	v9 =	vnsel vm1, $0x0, v34  }
0x1c0: {  	s2 =	sand.u32 $0xF, s21;
	v39 =	vld [tilespmem:s29+$0xD00];
	s31 =	sand.u32 $0x70, s28;
	s4 =	sand.u32 $0xFFFFFC00, s30;
	vm1 =	veq.s32 v38, v0;
	v6 =	vsub.f32 v6, v9  }
0x1c1: {  	v40 =	vmov s2;
	s6 =	spop (v2sf);
	s0 =	sor.u32 s31, s4;
	v7 =	vnsel vm1, $0x0, v7  }
0x1c2: {  	s7 =	sand.u32 $0xF, s25;
	(v2sf) =	vpush v4, $0xB;
	s11 =	spop (v2sf);
	vm1 =	veq.s32 v40, v0;
	v6 =	vadd.f32 v6, v7;
	v7 =	vld [tilespmem:s0+$0xD400]  }
0x1c3: {  	v41 =	vmov s7;
	s13 =	sand.u32 $0xFFFFFFF0, s6;
	(v2sf) =	vpush v5, $0xB;
	s15 =	sshll.u32 s11, $0x3;
	v8 =	vnsel vm1, $0x0, v37  }
0x1c4: {  	s1 =	sand.u32 $0xF, s28;
	v42 =	vld [tilespmem:s13+$0xD00];
	s16 =	sand.u32 $0x70, s11;
	s4 =	sand.u32 $0xFFFFFC00, s15;
	vm1 =	veq.s32 v41, v0;
	v6 =	vsub.f32 v6, v8  }
0x1c5: {  	v43 =	vmov s1;
	s17 =	spop (v2sf);
	s0 =	sor.u32 s16, s4;
	v9 =	vnsel vm1, $0x0, v39  }
0x1c6: {  	s19 =	sand.u32 $0xF, s6;
	(v2sf) =	vpush v4, $0xC;
	s20 =	spop (v2sf);
	vm1 =	veq.s32 v43, v0;
	v44 =	vld [tilespmem:s0+$0xD480];
	v6 =	vadd.f32 v6, v9  }
0x1c7: {  	v45 =	vmov s19;
	s21 =	sand.u32 $0xFFFFFFF0, s17;
	(v2sf) =	vpush v5, $0xC;
	s22 =	sshll.u32 s20, $0x3;
	v7 =	vnsel vm1, $0x0, v7  }
0x1c8: {  	s3 =	sand.u32 $0xF, s11;
	s23 =	sand.u32 $0x70, s20;
	s4 =	sand.u32 $0xFFFFFC00, s22;
	vm1 =	veq.s32 v45, v0;
	v6 =	vsub.f32 v6, v7;
	v7 =	vld [tilespmem:s21+$0xD00]  }
0x1c9: {  	v46 =	vmov s3;
	s24 =	spop (v2sf);
	s0 =	sor.u32 s23, s4;
	v8 =	vnsel vm1, $0x0, v42  }
0x1ca: {  	s25 =	sand.u32 $0xF, s17;
	(v2sf) =	vpush v4, $0xD;
	s26 =	spop (v2sf);
	v47 =	vld [tilespmem:s0+$0xF100];
	vm1 =	veq.s32 v46, v0;
	v6 =	vadd.f32 v6, v8  }
0x1cb: {  	v48 =	vmov s25;
	s28 =	sand.u32 $0xFFFFFFF0, s24;
	(v2sf) =	vpush v5, $0xD;
	s29 =	sshll.u32 s26, $0x3;
	v9 =	vnsel vm1, $0x0, v44  }
0x1cc: {  	s2 =	sand.u32 $0xF, s20;
	v49 =	vld [tilespmem:s28+$0xD00];
	s30 =	sand.u32 $0x70, s26;
	s4 =	sand.u32 $0xFFFFFC00, s29;
	vm1 =	veq.s32 v48, v0;
	v6 =	vsub.f32 v6, v9  }
0x1cd: {  	v50 =	vmov s2;
	s31 =	spop (v2sf);
	s0 =	sor.u32 s30, s4;
	v7 =	vnsel vm1, $0x0, v7  }
0x1ce: {  	(v2sf) =	vpush v4, $0xE;
	s6 =	spop (v2sf);
	s4 =	sand.u32 $0xF, s24;
	vm1 =	veq.s32 v50, v0;
	v6 =	vadd.f32 v6, v7;
	v7 =	vld [tilespmem:s0+$0xF180]  }
0x1cf: {  	s7 =	sand.u32 $0xFFFFFFF0, s31;
	(v2sf) =	vpush v5, $0xE;
	s11 =	sshll.u32 s6, $0x3;
	v51 =	vmov s4;
	v8 =	vnsel vm1, $0x0, v47  }
0x1d0: {  	s1 =	sand.u32 $0xF, s26;
	v52 =	vld [tilespmem:s7+$0xD00];
	s13 =	sand.u32 $0x70, s6;
	s4 =	sand.u32 $0xFFFFFC00, s11;
	vm1 =	veq.s32 v51, v0;
	v6 =	vsub.f32 v6, v8  }
0x1d1: {  	v53 =	vmov s1;
	s15 =	spop (v2sf);
	s0 =	sor.u32 s13, s4;
	v9 =	vnsel vm1, $0x0, v49  }
0x1d2: {  	s16 =	sand.u32 $0xF, s31;
	(v2sf) =	vpush v4, $0xF;
	s17 =	spop (v2sf);
	vm1 =	veq.s32 v53, v0;
	v54 =	vld [tilespmem:s0+$0xF200];
	v6 =	vadd.f32 v6, v9  }
0x1d3: {  	s19 =	sand.u32 $0xFFFFFFF0, s15;
	(v2sf) =	vpush v5, $0xF;
	s20 =	sshll.u32 s17, $0x3;
	v4 =	vnsel vm1, $0x0, v7;
	v7 =	vmov s16  }
0x1d4: {  	s3 =	sand.u32 $0xF, s6;
	v5 =	vld [tilespmem:s19+$0xD00];
	s21 =	sand.u32 $0x70, s17;
	s4 =	sand.u32 $0xFFFFFC00, s20;
	v4 =	vsub.f32 v6, v4;
	vm1 =	veq.s32 v7, v0  }
0x1d5: {  	s22 =	spop (v2sf);
	s0 =	sor.u32 s21, s4;
	v6 =	vmov s3;
	v7 =	vnsel vm1, $0x0, v52  }
0x1d6: {  	s24 =	sand.u32 $0xF, s15;
	s23 =	spop (v2sf);
	vm1 =	veq.s32 v6, v0;
	v6 =	vld [tilespmem:s0+$0xF280];
	v4 =	vadd.f32 v4, v7  }
0x1d7: {  	v55 =	vmov s24;
	s25 =	sand.u32 $0xFFFFFFF0, s22;
	s26 =	sshll.u32 s23, $0x3;
	v7 =	vnsel vm1, $0x0, v54  }
0x1d8: {  	s2 =	sand.u32 $0xF, s17;
	s28 =	sand.u32 $0x70, s23;
	s1 =	sand.u32 $0xFFFFFC00, s26;
	vm1 =	veq.s32 v55, v0;
	v4 =	vsub.f32 v4, v7;
	v7 =	vld [tilespmem:s25+$0xD00]  }
0x1d9: {  	v56 =	vmov s2;
	s29 =	spop (v2sf);
	s0 =	sor.u32 s28, s1;
	v5 =	vnsel vm1, $0x0, v5  }
0x1da: {  	s31 =	sand.u32 $0xF, s22;
	s30 =	spop (v2sf);
	vm1 =	veq.s32 v56, v0;
	v4 =	vadd.f32 v4, v5;
	v5 =	vld [tilespmem:s0+$0xF300]  }
0x1db: {  	v57 =	vmov s31;
	s3 =	sand.u32 $0xFFFFFFF0, s29;
	s6 =	sshll.u32 s30, $0x3;
	v6 =	vnsel vm1, $0x0, v6  }
0x1dc: {  	s4 =	sand.u32 $0xF, s23;
	s7 =	sand.u32 $0x70, s30;
	vm1 =	veq.s32 v57, v0;
	v4 =	vsub.f32 v4, v6;
	v6 =	vld [tilespmem:s3+$0xD00];
	s3 =	sand.u32 $0xFFFFFC00, s6  }
0x1dd: {  	v58 =	vmov s4;
	s11 =	spop (v2sf);
	v7 =	vnsel vm1, $0x0, v7;
	s0 =	sor.u32 s7, s3  }
0x1de: {  	s15 =	sand.u32 $0xF, s29;
	s13 =	spop (v2sf);
	vm1 =	veq.s32 v58, v0;
	v4 =	vadd.f32 v4, v7;
	v7 =	vld [tilespmem:s0+$0xF380]  }
0x1df: {  	v59 =	vmov s15;
	s16 =	sand.u32 $0xFFFFFFF0, s11;
	s17 =	sshll.u32 s13, $0x3;
	v5 =	vnsel vm1, $0x0, v5  }
0x1e0: {  	s1 =	sand.u32 $0xF, s30;
	s19 =	sand.u32 $0x70, s13;
	s2 =	sand.u32 $0xFFFFFC00, s17;
	vm1 =	veq.s32 v59, v0;
	v4 =	vsub.f32 v4, v5;
	v5 =	vld [tilespmem:s16+$0xD00]  }
0x1e1: {  	v60 =	vmov s1;
	s20 =	spop (v2sf);
	s0 =	sor.u32 s19, s2;
	v6 =	vnsel vm1, $0x0, v6  }
0x1e2: {  	s21 =	sand.u32 $0xF, s11;
	s22 =	spop (v2sf);
	vm1 =	veq.s32 v60, v0;
	v4 =	vadd.f32 v4, v6;
	v6 =	vld [tilespmem:s0+$0xF400]  }
0x1e3: {  	v61 =	vmov s21;
	s23 =	sand.u32 $0xFFFFFFF0, s20;
	s24 =	sshll.u32 s22, $0x3;
	v7 =	vnsel vm1, $0x0, v7  }
0x1e4: {  	s25 =	sand.u32 $0x70, s22;
	s4 =	sand.u32 $0xFFFFFC00, s24;
	s3 =	sand.u32 $0xF, s13;
	vm1 =	veq.s32 v61, v0;
	v4 =	vsub.f32 v4, v7;
	v7 =	vld [tilespmem:s23+$0xD00]  }
0x1e5: {  	s31 =	rddreg [dreg:$0x1d];
	v62 =	vmov s3;
	s0 =	sor.u32 s25, s4;
	v5 =	vnsel vm1, $0x0, v5  }
0x1e6: {  	s26 =	sand.u32 $0xF, s20;
	vm1 =	veq.s32 v62, v0;
	v4 =	vadd.f32 v4, v5;
	v5 =	vld [tilespmem:s0+$0xF480];
	s0 =	sadd.s32 $0x2000, s31  }
0x1e7: {  	v63 =	vmov s26;
	v6 =	vnsel vm1, $0x0, v6;
	p0 =	sne.s32 s0, $0x32000  }
.Ltmp0:
0x1e8: {  	s29 =	sand.u32 $0xF, s22;
	vm1 =	veq.s32 v63, v0;
	v4 =	vsub.f32 v4, v6;
	(pc) =	sbr.rel @p0 .LBB2_2-.Ltmp0, $4  }
0x1e9: {  	v6 =	vnsel vm1, $0x0, v7;
	v7 =	vmov s29  }
0x1ea: {  	s28 =	rddreg [dreg:$0x1b];
	v4 =	vadd.f32 v4, v6;
	vm1 =	veq.s32 v7, v0  }
0x1eb: {  	s5 =	simm.s32 $0x1;
	s8 =	simm.s32 $0x0;
	s30 =	rddreg [dreg:$0x1c];
	v5 =	vnsel vm1, $0x0, v5  }
0x1ec: {  	s1 =	sadd.s32 $0x40, s28;
	s2 =	sadd.s32 $0x40, s30;
	s4 =	simm.s32 $0x1100;
	v4 =	vsub.f32 v4, v5  }
0x1ed: {  	s0 =	simm.s32 $0x4  }
0x1ee: {  	_ =	swait.ge [sflag:s0], $0x8000  }
0x1ef: {  	[sflag:s0] =	ssyncset.done $0x0  }
0x1f0: {  	[sflag:s0] =	ssyncadd.s32 $0xFFFF8000  }
0x1f1: {  	s1 =	simm.s32 $0x11100;
	s3 =	simm.s32 $0x5;
	s29 =	rddreg [dreg:$0x18];
	[tilespmem:$0x11100] =	vst v4  }
0x1f2: {  	[hbm4b:s29+s8] =	stream.linear.scatter [tilespmem:s1], [sflag:$0x5], $0x80, $0x38;
	[tilespmem:$0x11180] =	vst v63  }
0x1f3: {  	_ =	swait.ge [sflag:s3], $0x80  }
0x1f4: {  	s30 =	rddreg [dreg:$0x1a]  }
0x1f5: {  	s31 =	rddreg [dreg:$0x19];
	s1 =	sadd.s32 $0x1, s30  }
0x1f6: {  	p0 =	sne.s32 s1, s31  }
.Ltmp1:
0x1f7: {  	_ = 	snop;
	(pc) =	sbr.rel @p0 .LBB2_1-.Ltmp1, $3  }
0x1f8: {  	_ =	sdelay $0x1  }
0x1f9: {  	[sflag:s3] =	ssyncset.done $0x0  }
0x1fa: {  	[sflag:s3] =	ssyncadd.s32 $0xFFFFFF80  }
0x1fb: {  	_ =	sfence.sel $0x180000  }
0x1fc: {  	[bflag:$0x0] =	sbarrier.arrive $0xFFFF  }
0x1fd: {  	_ =	strace $0x90000047  }
0x1fe: {  	s0 =	stileid.u32;
	[bflag:$0x2] =	sbarrier.arrive $0xFFFF  }
0x1ff: {  	p0 =	sne.s32 s0, $0x0;
	s0 =	rddreg [dreg:$0x2]  }
0x200: {  	s0 =	sadd.s32 @!p0 $0x100000, s0  }
0x201: {  	[sflag:s0] =	ssyncadd.tile.s32 @!p0 $0x1;
	_ =	shalt  }
.Lfunc_end2:
_tile_overlayer_lowered:
.L_overlay_start_2:
0x202: {  	(tag) =	ssettag $0x2  }
0x203: {  	s0 =	rddreg [dreg:$0x0];
	s2 =	stileid.u32  }
0x204: {  	s1 =	rddreg [dreg:$0x1];
	p0 =	sne.s32 s2, $0x0  }
0x205: {  	s3 =	rddreg [dreg:$0x2];
	[bflag:$0x3] =	sbarrier.arrive $0xFFFF;
	s2 =	simm.s32 @!p0 $0x1C05  }
0x206: {  	[timem:s3], [sflag:s2] =	dma.local @!p0 [hbm:s0], s1  }
0x207: {  	s0 =	simm.s32 @!p0 $0x5  }
0x208: {  	_ =	swait.ge @!p0 [sflag:s0], s1  }
0x209: {  	s1 =	ssub.s32 @!p0 $0x0, s1;
	[sflag:s0] =	ssyncset.done @!p0 $0x0  }
0x20a: {  	[sflag:s0] =	ssyncadd.s32 @!p0 s1  }
0x20b: {  	[bflag:$0x3] =	sbarrier.arrive $0xFFFF  }
0x20c: {  	_ =	shalt  }

</sc_bundles>
